<compile_context>
chip_gen: v7x
topology: tpu7x:2x2x1
jax: 0.10.2.dev20260603
libtpu: 0.0.44.dev20260713+nightly
codegen_flags: <defaults>
</compile_context>

<pallas_src>
import functools

import jax
import jax.numpy as jnp
from jax import lax
from jax.experimental import pallas as pl
from jax.experimental.pallas import tpu as pltpu
from jax.experimental.pallas import tpu_sc as plsc

B, N, D, H = 4, 256, 128, 128
ALPHA = 0.2
K_NN = 8
NEG_BIG = -9e15

ROWS = B * N
NWORKERS = 32
RPW = ROWS // NWORKERS
NCHUNK = N // 16


def _dist_body(z_ref, d_ref):
    for b in range(B):
        z = z_ref[b]
        G = lax.dot_general(z, z, (((1,), (1,)), ((), ())),
                            preferred_element_type=jnp.float32,
                            precision=lax.Precision.HIGHEST)
        s = jnp.sum(z * z, axis=1)
        d = s[:, None] + s[None, :] - 2.0 * G
        iota_i = lax.broadcasted_iota(jnp.int32, (N, N), 0)
        iota_j = lax.broadcasted_iota(jnp.int32, (N, N), 1)
        d_ref[pl.ds(b * N, N), :] = jnp.where(iota_i == iota_j, 1e6, d)


def _topk_sc_body(d_hbm, adj_hbm, rows_v, adj_v):
    wid = lax.axis_index("s") * 2 + lax.axis_index("c")
    base = wid * RPW
    pltpu.sync_copy(d_hbm.at[pl.ds(base, RPW)], rows_v)
    lane = lax.broadcasted_iota(jnp.int32, (16,), 0)
    zeros16 = jnp.zeros((16,), jnp.float32)
    ones16 = jnp.ones((16,), jnp.float32)
    low8 = lane < K_NN

    @plsc.parallel_loop(0, RPW, unroll=2)
    def row_body(r):
        nodes = []
        for c in range(NCHUNK):
            k = rows_v[r, pl.ds(c * 16, 16)]
            nodes.append(plsc.sort_key_val(k, lane + c * 16))
        while len(nodes) > 1:
            nxt = []
            for (ka, ia), (kb, ib) in zip(nodes[::2], nodes[1::2]):
                kbr = lax.rev(kb, (0,))
                ibr = lax.rev(ib, (0,))
                lt = ka <= kbr
                ck = jnp.where(lt, ka, kbr)
                ci = jnp.where(lt, ia, ibr)
                nxt.append(plsc.sort_key_val(ck, ci))
            nodes = nxt
        for c in range(NCHUNK):
            adj_v[r, pl.ds(c * 16, 16)] = zeros16
        plsc.store_scatter(adj_v, [jnp.full((16,), r, jnp.int32), nodes[0][1]],
                           ones16, mask=low8)

    pltpu.sync_copy(adj_v, adj_hbm.at[pl.ds(base, RPW)])


@functools.partial(
    pl.kernel,
    mesh=plsc.VectorSubcoreMesh(core_axis_name="c", subcore_axis_name="s"),
    out_type=jax.ShapeDtypeStruct((ROWS, N), jnp.float32),
    compiler_params=pltpu.CompilerParams(needs_layout_passes=False),
    scratch_types=[
        pltpu.VMEM((RPW, N), jnp.float32),
        pltpu.VMEM((RPW, N), jnp.float32),
    ],
)
def _topk_sc(d_hbm, adj_hbm, rows_v, adj_v):
    _topk_sc_body(d_hbm, adj_hbm, rows_v, adj_v)


def _gat_layer(x, att_bias3, W, a1c, a2c, g, be, apply_relu, ones_h):
    Wh = lax.dot_general(x, W, (((1,), (1,)), ((), ())),
                         preferred_element_type=jnp.float32)
    f1 = lax.dot_general(Wh, a1c, (((1,), (0,)), ((), ())),
                         preferred_element_type=jnp.float32)
    f2 = jnp.stack([
        lax.dot_general(a2c, Wh[b * N:(b + 1) * N], (((1,), (1,)), ((), ())),
                        preferred_element_type=jnp.float32)
        for b in range(B)])
    e = f1.reshape(B, N, 1) + f2
    e = jnp.where(e >= 0, e, ALPHA * e)
    att = e + att_bias3
    m = jnp.max(att, axis=2, keepdims=True)
    ex = jnp.exp(att - m)
    p = ex / jnp.sum(ex, axis=2, keepdims=True)
    h = jnp.concatenate([
        lax.dot_general(p[b], Wh[b * N:(b + 1) * N], (((1,), (0,)), ((), ())),
                        preferred_element_type=jnp.float32)
        for b in range(B)])
    mu = lax.dot_general(h, ones_h, (((1,), (0,)), ((), ())),
                         preferred_element_type=jnp.float32) * (1.0 / H)
    hc = h - mu
    var = lax.dot_general(hc * hc, ones_h, (((1,), (0,)), ((), ())),
                          preferred_element_type=jnp.float32) * (1.0 / H)
    y = hc / jnp.sqrt(var + 1e-5) * g + be
    if apply_relu:
        y = jnp.maximum(y, 0.0)
    return x + y


def _gat_body(adj_ref, z_ref, Win_ref, bin_ref, W0_ref, a0c1_ref, a0c2_ref,
              g0_ref, be0_ref, W1_ref, a1c1_ref, a1c2_ref, g1_ref, be1_ref,
              out_ref):
    iota_i = lax.broadcasted_iota(jnp.int32, (N, N), 0)
    iota_j = lax.broadcasted_iota(jnp.int32, (N, N), 1)
    eye = jnp.where(iota_i == iota_j, 1.0, 0.0)
    ones_h = jnp.ones((H, 1), jnp.float32)
    S = jnp.stack([
        adj_ref[pl.ds(b * N, N), :]
        + lax.dot_general(adj_ref[pl.ds(b * N, N), :], eye,
                          (((0,), (0,)), ((), ())),
                          preferred_element_type=jnp.float32)
        for b in range(B)])
    att_bias3 = jnp.where(S > 0, 0.0, NEG_BIG)
    x = lax.dot_general(z_ref[...], Win_ref[...], (((1,), (1,)), ((), ())),
                        preferred_element_type=jnp.float32) + bin_ref[...]
    x = _gat_layer(x, att_bias3, W0_ref[...], a0c1_ref[...], a0c2_ref[...],
                   g0_ref[...], be0_ref[...], True, ones_h)
    x = _gat_layer(x, att_bias3, W1_ref[...], a1c1_ref[...], a1c2_ref[...],
                   g1_ref[...], be1_ref[...], False, ones_h)
    out_ref[...] = x.reshape(B, N, H)


@jax.jit
def _run(z, W_in, b_in, W0, a0, g0, be0, W1, a1, g1, be1):
    d = pl.pallas_call(
        _dist_body,
        out_shape=jax.ShapeDtypeStruct((ROWS, N), jnp.float32),
    )(z)

    adj = _topk_sc(d)

    return pl.pallas_call(
        _gat_body,
        out_shape=jax.ShapeDtypeStruct((B, N, H), jnp.float32),
    )(adj, z.reshape(ROWS, D), W_in, b_in.reshape(1, H),
      W0, a0[0, :H].reshape(H, 1), a0[0, H:].reshape(1, H),
      g0.reshape(1, H), be0.reshape(1, H),
      W1, a1[0, :H].reshape(H, 1), a1[0, H:].reshape(1, H),
      g1.reshape(1, H), be1.reshape(1, H))


def kernel(z, W_in, b_in, W0, a0, g0, be0, W1, a1, g1, be1):
    return _run(z, W_in, b_in, W0, a0, g0, be0, W1, a1, g1, be1)

# --- scband reference (transcript-rebuilt; emitter-appended) ---
"""Pipeline reference for scband-graph-neural-network-37907381354913 (READ-ONLY COPY).

The authoritative reference and input builder live on the scoring server;
editing this copy changes nothing except your own understanding.
"""

import jax, jax.numpy as jnp
import numpy as np

B, N, D, H, O = 4, 256, 128, 128, 128
ALPHA = 0.2
K_NN = 8


def _layer_norm(x, g, b, eps=1e-5):
    mu = jnp.mean(x, axis=-1, keepdims=True)
    var = jnp.mean((x - mu) ** 2, axis=-1, keepdims=True)
    return (x - mu) / jnp.sqrt(var + eps) * g + b


def _build_adjacency(z, k=K_NN):
    d = jnp.sum((z[:, :, None, :] - z[:, None, :, :]) ** 2, axis=3)
    n = z.shape[1]
    d = d + jnp.eye(n, dtype=z.dtype)[None] * 1e6
    _, idx = jax.lax.top_k(-d, k)  # smallest-k distances
    adj = jnp.max(jax.nn.one_hot(idx, n, dtype=z.dtype), axis=2)
    adj = jnp.maximum(adj, adj.transpose(0, 2, 1))
    return adj


def _gat(x, adj, W, a):
    Wh = jnp.einsum('bnd,od->bno', x, W)
    out = Wh.shape[-1]
    a1 = a[0, :out]
    a2 = a[0, out:]
    f1 = jnp.einsum('bno,o->bn', Wh, a1)
    f2 = jnp.einsum('bno,o->bn', Wh, a2)
    e = jax.nn.leaky_relu(f1[:, :, None] + f2[:, None, :], ALPHA)
    att = jnp.where(adj > 0, e, jnp.full_like(e, -9e15))
    att = jax.nn.softmax(att, axis=2)
    return jnp.einsum('bij,bjo->bio', att, Wh)


def setup_inputs(seed: int = 0):
    key = jax.random.key(seed)
    ks = jax.random.split(key, 8)
    return {
        'z': jax.random.normal(ks[0], (B, N, D), dtype=jnp.float32),
        'W_in': jax.random.normal(ks[1], (H, D), dtype=jnp.float32) * 0.05,
        'b_in': jnp.zeros((H,), dtype=jnp.float32),
        'W0': jax.random.normal(ks[2], (H, H), dtype=jnp.float32) * 0.05,
        'a0': jax.random.normal(ks[3], (1, 2 * H), dtype=jnp.float32) * 0.05,
        'g0': jnp.ones((H,), dtype=jnp.float32),
        'be0': jnp.zeros((H,), dtype=jnp.float32),
        'W1': jax.random.normal(ks[4], (O, H), dtype=jnp.float32) * 0.05,
        'a1': jax.random.normal(ks[5], (1, 2 * O), dtype=jnp.float32) * 0.05,
        'g1': jnp.ones((O,), dtype=jnp.float32),
        'be1': jnp.zeros((O,), dtype=jnp.float32),
    }


def reference(z, W_in, b_in, W0, a0, g0, be0, W1, a1, g1, be1):
    adj = _build_adjacency(z)
    x = jnp.einsum('bnd,hd->bnh', z, W_in) + b_in
    # layer 0 (not last): relu + residual
    x_new = _gat(x, adj, W0, a0)
    x_new = _layer_norm(x_new, g0, be0)
    x_new = jax.nn.relu(x_new)
    x = x_new + x
    # layer 1 (last): no relu, residual (shapes match since H == O)
    x_new = _gat(x, adj, W1, a1)
    x_new = _layer_norm(x_new, g1, be1)
    x = x_new + x
    return x

if __name__ == "__main__":
    import jax
    _d = setup_inputs()
    print(jax.jit(kernel)(*tuple(_d.values())))

</pallas_src>

<mosaic_0001>
#map = affine_map<(d0, d1) -> (0, 0)>
module attributes {stable_mosaic.version = 14 : i64} {
  func.func @_topk_sc(%arg0: i32, %arg1: i32, %arg2: memref<1024x256xf32, #tpu.memory_space<hbm>>, %arg3: memref<1024x256xf32, #tpu.memory_space<hbm>>, %arg4: memref<32x256xf32, #tpu.memory_space<vmem>>, %arg5: memref<32x256xf32, #tpu.memory_space<vmem>>) attributes {dimension_semantics = [#tpu.dimension_semantics<core_parallel>, #tpu.dimension_semantics<subcore_parallel>], iteration_bounds = array<i64: 2, 16>, scalar_prefetch = 0 : i64, scratch_operands = 2 : i64, tpu.core_type = #tpu.core_type<sc_vector_subcore>, window_params = [{transform_indices = #map}, {transform_indices = #map}]} {
    %mul3A = arith.constant 2 : i32
    %mul3A_0 = arith.muli %arg1, %mul3A : i32
    %add3A = arith.addi %mul3A_0, %arg0 : i32
    %mul3A_1 = arith.constant 32 : i32
    %mul3A_2 = arith.muli %add3A, %mul3A_1 : i32
    "tpu.region"() ({
      %run_scoped3A = tpu.sem_alloc : memref<!tpu.dma_semaphore, #tpu.memory_space<semaphore_mem>>
      %dma_start3A = arith.constant 0 : i32
      %dma_start3A_10 = tpu.memref_slice %arg2[%mul3A_2, %dma_start3A] : memref<1024x256xf32, #tpu.memory_space<hbm>> -> memref<32x256xf32, #tpu.memory_space<hbm>>
      %dma_start3A_11 = arith.constant 0 : i32
      %dma_start3A_12 = tpu.memref_slice %arg2[%mul3A_2, %dma_start3A_11] : memref<1024x256xf32, #tpu.memory_space<hbm>> -> memref<32x256xf32, #tpu.memory_space<hbm>>
      tpu.enqueue_dma source(%dma_start3A_12 : memref<32x256xf32, #tpu.memory_space<hbm>>) target(%arg4 : memref<32x256xf32, #tpu.memory_space<vmem>>) target_semaphore(%run_scoped3A : memref<!tpu.dma_semaphore, #tpu.memory_space<semaphore_mem>>)
      %dma_wait3A = arith.constant 0 : i32
      %dma_wait3A_13 = tpu.memref_slice %arg2[%mul3A_2, %dma_wait3A] : memref<1024x256xf32, #tpu.memory_space<hbm>> -> memref<32x256xf32, #tpu.memory_space<hbm>>
      %dma_wait3A_14 = arith.constant 0 : i32
      %dma_wait3A_15 = tpu.memref_slice %arg2[%mul3A_2, %dma_wait3A_14] : memref<1024x256xf32, #tpu.memory_space<hbm>> -> memref<32x256xf32, #tpu.memory_space<hbm>>
      tpu.wait_dma2 semaphore(%run_scoped3A : memref<!tpu.dma_semaphore, #tpu.memory_space<semaphore_mem>>) src(%dma_wait3A_15 : memref<32x256xf32, #tpu.memory_space<hbm>>) dst(%arg4 : memref<32x256xf32, #tpu.memory_space<vmem>>)
      tpu.yield
    }) : () -> ()
    %iota3A = tpu.iota {dimensions = array<i32: 0>} : vector<16xi32>
    %broadcast_in_dim3A = arith.constant 0.000000e+00 : f32
    %broadcast_in_dim3A_3 = vector.broadcast %broadcast_in_dim3A : f32 to vector<16xf32>
    %broadcast_in_dim3A_4 = arith.constant 1.000000e+00 : f32
    %broadcast_in_dim3A_5 = vector.broadcast %broadcast_in_dim3A_4 : f32 to vector<16xf32>
    %lt3A = arith.constant 8 : i32
    %lt3A_6 = vector.broadcast %lt3A : i32 to vector<16xi32>
    %lt3A_7 = arith.cmpi slt, %iota3A, %lt3A_6 : vector<16xi32>
    %parallel_loop3A = arith.constant 0 : i32
    %parallel_loop3A_8 = arith.constant 32 : i32
    %parallel_loop3A_9 = arith.constant 1 : i32
    scf.for %parallel_loop3A_10 = %parallel_loop3A to %parallel_loop3A_8 step %parallel_loop3A_9  : i32 {
      %parallel_loop3A_11 = arith.index_cast %parallel_loop3A_10 : i32 to index
      %parallel_loop3A_12 = arith.constant 0 : index
      %parallel_loop3A_13 = tpu.vector_load %arg4[%parallel_loop3A_11, %parallel_loop3A_12] {strides = array<i32>} : memref<32x256xf32, #tpu.memory_space<vmem>>, vector<16xf32>,
      %parallel_loop3A_14 = arith.constant 0 : i32
      %parallel_loop3A_15 = vector.broadcast %parallel_loop3A_14 : i32 to vector<16xi32>
      %parallel_loop3A_16 = arith.addi %iota3A, %parallel_loop3A_15 : vector<16xi32>
      %parallel_loop3A_17 = arith.constant dense<true> : vector<16xi1>
      %parallel_loop3A_18, %parallel_loop3A_19, %parallel_loop3A_20 = tpu.sort %parallel_loop3A_13, %parallel_loop3A_16 masked %parallel_loop3A_17 : (vector<16xf32>, vector<16xi32>, vector<16xi1>) -> (vector<16xi1>, vector<16xf32>, vector<16xi32>)
      %parallel_loop3A_21 = arith.index_cast %parallel_loop3A_10 : i32 to index
      %parallel_loop3A_22 = arith.constant 16 : index
      %parallel_loop3A_23 = tpu.vector_load %arg4[%parallel_loop3A_21, %parallel_loop3A_22] {strides = array<i32>} : memref<32x256xf32, #tpu.memory_space<vmem>>, vector<16xf32>,
      %parallel_loop3A_24 = arith.constant 16 : i32
      %parallel_loop3A_25 = vector.broadcast %parallel_loop3A_24 : i32 to vector<16xi32>
      %parallel_loop3A_26 = arith.addi %iota3A, %parallel_loop3A_25 : vector<16xi32>
      %parallel_loop3A_27 = arith.constant dense<true> : vector<16xi1>
      %parallel_loop3A_28, %parallel_loop3A_29, %parallel_loop3A_30 = tpu.sort %parallel_loop3A_23, %parallel_loop3A_26 masked %parallel_loop3A_27 : (vector<16xf32>, vector<16xi32>, vector<16xi1>) -> (vector<16xi1>, vector<16xf32>, vector<16xi32>)
      %parallel_loop3A_31 = arith.index_cast %parallel_loop3A_10 : i32 to index
      %parallel_loop3A_32 = arith.constant 32 : index
      %parallel_loop3A_33 = tpu.vector_load %arg4[%parallel_loop3A_31, %parallel_loop3A_32] {strides = array<i32>} : memref<32x256xf32, #tpu.memory_space<vmem>>, vector<16xf32>,
      %parallel_loop3A_34 = arith.constant 32 : i32
      %parallel_loop3A_35 = vector.broadcast %parallel_loop3A_34 : i32 to vector<16xi32>
      %parallel_loop3A_36 = arith.addi %iota3A, %parallel_loop3A_35 : vector<16xi32>
      %parallel_loop3A_37 = arith.constant dense<true> : vector<16xi1>
      %parallel_loop3A_38, %parallel_loop3A_39, %parallel_loop3A_40 = tpu.sort %parallel_loop3A_33, %parallel_loop3A_36 masked %parallel_loop3A_37 : (vector<16xf32>, vector<16xi32>, vector<16xi1>) -> (vector<16xi1>, vector<16xf32>, vector<16xi32>)
      %parallel_loop3A_41 = arith.index_cast %parallel_loop3A_10 : i32 to index
      %parallel_loop3A_42 = arith.constant 48 : index
      %parallel_loop3A_43 = tpu.vector_load %arg4[%parallel_loop3A_41, %parallel_loop3A_42] {strides = array<i32>} : memref<32x256xf32, #tpu.memory_space<vmem>>, vector<16xf32>,
      %parallel_loop3A_44 = arith.constant 48 : i32
      %parallel_loop3A_45 = vector.broadcast %parallel_loop3A_44 : i32 to vector<16xi32>
      %parallel_loop3A_46 = arith.addi %iota3A, %parallel_loop3A_45 : vector<16xi32>
      %parallel_loop3A_47 = arith.constant dense<true> : vector<16xi1>
      %parallel_loop3A_48, %parallel_loop3A_49, %parallel_loop3A_50 = tpu.sort %parallel_loop3A_43, %parallel_loop3A_46 masked %parallel_loop3A_47 : (vector<16xf32>, vector<16xi32>, vector<16xi1>) -> (vector<16xi1>, vector<16xf32>, vector<16xi32>)
      %parallel_loop3A_51 = arith.index_cast %parallel_loop3A_10 : i32 to index
      %parallel_loop3A_52 = arith.constant 64 : index
      %parallel_loop3A_53 = tpu.vector_load %arg4[%parallel_loop3A_51, %parallel_loop3A_52] {strides = array<i32>} : memref<32x256xf32, #tpu.memory_space<vmem>>, vector<16xf32>,
      %parallel_loop3A_54 = arith.constant 64 : i32
      %parallel_loop3A_55 = vector.broadcast %parallel_loop3A_54 : i32 to vector<16xi32>
      %parallel_loop3A_56 = arith.addi %iota3A, %parallel_loop3A_55 : vector<16xi32>
      %parallel_loop3A_57 = arith.constant dense<true> : vector<16xi1>
      %parallel_loop3A_58, %parallel_loop3A_59, %parallel_loop3A_60 = tpu.sort %parallel_loop3A_53, %parallel_loop3A_56 masked %parallel_loop3A_57 : (vector<16xf32>, vector<16xi32>, vector<16xi1>) -> (vector<16xi1>, vector<16xf32>, vector<16xi32>)
      %parallel_loop3A_61 = arith.index_cast %parallel_loop3A_10 : i32 to index
      %parallel_loop3A_62 = arith.constant 80 : index
      %parallel_loop3A_63 = tpu.vector_load %arg4[%parallel_loop3A_61, %parallel_loop3A_62] {strides = array<i32>} : memref<32x256xf32, #tpu.memory_space<vmem>>, vector<16xf32>,
      %parallel_loop3A_64 = arith.constant 80 : i32
      %parallel_loop3A_65 = vector.broadcast %parallel_loop3A_64 : i32 to vector<16xi32>
      %parallel_loop3A_66 = arith.addi %iota3A, %parallel_loop3A_65 : vector<16xi32>
      %parallel_loop3A_67 = arith.constant dense<true> : vector<16xi1>
      %parallel_loop3A_68, %parallel_loop3A_69, %parallel_loop3A_70 = tpu.sort %parallel_loop3A_63, %parallel_loop3A_66 masked %parallel_loop3A_67 : (vector<16xf32>, vector<16xi32>, vector<16xi1>) -> (vector<16xi1>, vector<16xf32>, vector<16xi32>)
      %parallel_loop3A_71 = arith.index_cast %parallel_loop3A_10 : i32 to index
      %parallel_loop3A_72 = arith.constant 96 : index
      %parallel_loop3A_73 = tpu.vector_load %arg4[%parallel_loop3A_71, %parallel_loop3A_72] {strides = array<i32>} : memref<32x256xf32, #tpu.memory_space<vmem>>, vector<16xf32>,
      %parallel_loop3A_74 = arith.constant 96 : i32
      %parallel_loop3A_75 = vector.broadcast %parallel_loop3A_74 : i32 to vector<16xi32>
      %parallel_loop3A_76 = arith.addi %iota3A, %parallel_loop3A_75 : vector<16xi32>
      %parallel_loop3A_77 = arith.constant dense<true> : vector<16xi1>
      %parallel_loop3A_78, %parallel_loop3A_79, %parallel_loop3A_80 = tpu.sort %parallel_loop3A_73, %parallel_loop3A_76 masked %parallel_loop3A_77 : (vector<16xf32>, vector<16xi32>, vector<16xi1>) -> (vector<16xi1>, vector<16xf32>, vector<16xi32>)
      %parallel_loop3A_81 = arith.index_cast %parallel_loop3A_10 : i32 to index
      %parallel_loop3A_82 = arith.constant 112 : index
      %parallel_loop3A_83 = tpu.vector_load %arg4[%parallel_loop3A_81, %parallel_loop3A_82] {strides = array<i32>} : memref<32x256xf32, #tpu.memory_space<vmem>>, vector<16xf32>,
      %parallel_loop3A_84 = arith.constant 112 : i32
      %parallel_loop3A_85 = vector.broadcast %parallel_loop3A_84 : i32 to vector<16xi32>
      %parallel_loop3A_86 = arith.addi %iota3A, %parallel_loop3A_85 : vector<16xi32>
      %parallel_loop3A_87 = arith.constant dense<true> : vector<16xi1>
      %parallel_loop3A_88, %parallel_loop3A_89, %parallel_loop3A_90 = tpu.sort %parallel_loop3A_83, %parallel_loop3A_86 masked %parallel_loop3A_87 : (vector<16xf32>, vector<16xi32>, vector<16xi1>) -> (vector<16xi1>, vector<16xf32>, vector<16xi32>)
      %parallel_loop3A_91 = arith.index_cast %parallel_loop3A_10 : i32 to index
      %parallel_loop3A_92 = arith.constant 128 : index
      %parallel_loop3A_93 = tpu.vector_load %arg4[%parallel_loop3A_91, %parallel_loop3A_92] {strides = array<i32>} : memref<32x256xf32, #tpu.memory_space<vmem>>, vector<16xf32>,
      %parallel_loop3A_94 = arith.constant 128 : i32
      %parallel_loop3A_95 = vector.broadcast %parallel_loop3A_94 : i32 to vector<16xi32>
      %parallel_loop3A_96 = arith.addi %iota3A, %parallel_loop3A_95 : vector<16xi32>
      %parallel_loop3A_97 = arith.constant dense<true> : vector<16xi1>
      %parallel_loop3A_98, %parallel_loop3A_99, %parallel_loop3A_100 = tpu.sort %parallel_loop3A_93, %parallel_loop3A_96 masked %parallel_loop3A_97 : (vector<16xf32>, vector<16xi32>, vector<16xi1>) -> (vector<16xi1>, vector<16xf32>, vector<16xi32>)
      %parallel_loop3A_101 = arith.index_cast %parallel_loop3A_10 : i32 to index
      %parallel_loop3A_102 = arith.constant 144 : index
      %parallel_loop3A_103 = tpu.vector_load %arg4[%parallel_loop3A_101, %parallel_loop3A_102] {strides = array<i32>} : memref<32x256xf32, #tpu.memory_space<vmem>>, vector<16xf32>,
      %parallel_loop3A_104 = arith.constant 144 : i32
      %parallel_loop3A_105 = vector.broadcast %parallel_loop3A_104 : i32 to vector<16xi32>
      %parallel_loop3A_106 = arith.addi %iota3A, %parallel_loop3A_105 : vector<16xi32>
      %parallel_loop3A_107 = arith.constant dense<true> : vector<16xi1>
      %parallel_loop3A_108, %parallel_loop3A_109, %parallel_loop3A_110 = tpu.sort %parallel_loop3A_103, %parallel_loop3A_106 masked %parallel_loop3A_107 : (vector<16xf32>, vector<16xi32>, vector<16xi1>) -> (vector<16xi1>, vector<16xf32>, vector<16xi32>)
      %parallel_loop3A_111 = arith.index_cast %parallel_loop3A_10 : i32 to index
      %parallel_loop3A_112 = arith.constant 160 : index
      %parallel_loop3A_113 = tpu.vector_load %arg4[%parallel_loop3A_111, %parallel_loop3A_112] {strides = array<i32>} : memref<32x256xf32, #tpu.memory_space<vmem>>, vector<16xf32>,
      %parallel_loop3A_114 = arith.constant 160 : i32
      %parallel_loop3A_115 = vector.broadcast %parallel_loop3A_114 : i32 to vector<16xi32>
      %parallel_loop3A_116 = arith.addi %iota3A, %parallel_loop3A_115 : vector<16xi32>
      %parallel_loop3A_117 = arith.constant dense<true> : vector<16xi1>
      %parallel_loop3A_118, %parallel_loop3A_119, %parallel_loop3A_120 = tpu.sort %parallel_loop3A_113, %parallel_loop3A_116 masked %parallel_loop3A_117 : (vector<16xf32>, vector<16xi32>, vector<16xi1>) -> (vector<16xi1>, vector<16xf32>, vector<16xi32>)
      %parallel_loop3A_121 = arith.index_cast %parallel_loop3A_10 : i32 to index
      %parallel_loop3A_122 = arith.constant 176 : index
      %parallel_loop3A_123 = tpu.vector_load %arg4[%parallel_loop3A_121, %parallel_loop3A_122] {strides = array<i32>} : memref<32x256xf32, #tpu.memory_space<vmem>>, vector<16xf32>,
      %parallel_loop3A_124 = arith.constant 176 : i32
      %parallel_loop3A_125 = vector.broadcast %parallel_loop3A_124 : i32 to vector<16xi32>
      %parallel_loop3A_126 = arith.addi %iota3A, %parallel_loop3A_125 : vector<16xi32>
      %parallel_loop3A_127 = arith.constant dense<true> : vector<16xi1>
      %parallel_loop3A_128, %parallel_loop3A_129, %parallel_loop3A_130 = tpu.sort %parallel_loop3A_123, %parallel_loop3A_126 masked %parallel_loop3A_127 : (vector<16xf32>, vector<16xi32>, vector<16xi1>) -> (vector<16xi1>, vector<16xf32>, vector<16xi32>)
      %parallel_loop3A_131 = arith.index_cast %parallel_loop3A_10 : i32 to index
      %parallel_loop3A_132 = arith.constant 192 : index
      %parallel_loop3A_133 = tpu.vector_load %arg4[%parallel_loop3A_131, %parallel_loop3A_132] {strides = array<i32>} : memref<32x256xf32, #tpu.memory_space<vmem>>, vector<16xf32>,
      %parallel_loop3A_134 = arith.constant 192 : i32
      %parallel_loop3A_135 = vector.broadcast %parallel_loop3A_134 : i32 to vector<16xi32>
      %parallel_loop3A_136 = arith.addi %iota3A, %parallel_loop3A_135 : vector<16xi32>
      %parallel_loop3A_137 = arith.constant dense<true> : vector<16xi1>
      %parallel_loop3A_138, %parallel_loop3A_139, %parallel_loop3A_140 = tpu.sort %parallel_loop3A_133, %parallel_loop3A_136 masked %parallel_loop3A_137 : (vector<16xf32>, vector<16xi32>, vector<16xi1>) -> (vector<16xi1>, vector<16xf32>, vector<16xi32>)
      %parallel_loop3A_141 = arith.index_cast %parallel_loop3A_10 : i32 to index
      %parallel_loop3A_142 = arith.constant 208 : index
      %parallel_loop3A_143 = tpu.vector_load %arg4[%parallel_loop3A_141, %parallel_loop3A_142] {strides = array<i32>} : memref<32x256xf32, #tpu.memory_space<vmem>>, vector<16xf32>,
      %parallel_loop3A_144 = arith.constant 208 : i32
      %parallel_loop3A_145 = vector.broadcast %parallel_loop3A_144 : i32 to vector<16xi32>
      %parallel_loop3A_146 = arith.addi %iota3A, %parallel_loop3A_145 : vector<16xi32>
      %parallel_loop3A_147 = arith.constant dense<true> : vector<16xi1>
      %parallel_loop3A_148, %parallel_loop3A_149, %parallel_loop3A_150 = tpu.sort %parallel_loop3A_143, %parallel_loop3A_146 masked %parallel_loop3A_147 : (vector<16xf32>, vector<16xi32>, vector<16xi1>) -> (vector<16xi1>, vector<16xf32>, vector<16xi32>)
      %parallel_loop3A_151 = arith.index_cast %parallel_loop3A_10 : i32 to index
      %parallel_loop3A_152 = arith.constant 224 : index
      %parallel_loop3A_153 = tpu.vector_load %arg4[%parallel_loop3A_151, %parallel_loop3A_152] {strides = array<i32>} : memref<32x256xf32, #tpu.memory_space<vmem>>, vector<16xf32>,
      %parallel_loop3A_154 = arith.constant 224 : i32
      %parallel_loop3A_155 = vector.broadcast %parallel_loop3A_154 : i32 to vector<16xi32>
      %parallel_loop3A_156 = arith.addi %iota3A, %parallel_loop3A_155 : vector<16xi32>
      %parallel_loop3A_157 = arith.constant dense<true> : vector<16xi1>
      %parallel_loop3A_158, %parallel_loop3A_159, %parallel_loop3A_160 = tpu.sort %parallel_loop3A_153, %parallel_loop3A_156 masked %parallel_loop3A_157 : (vector<16xf32>, vector<16xi32>, vector<16xi1>) -> (vector<16xi1>, vector<16xf32>, vector<16xi32>)
      %parallel_loop3A_161 = arith.index_cast %parallel_loop3A_10 : i32 to index
      %parallel_loop3A_162 = arith.constant 240 : index
      %parallel_loop3A_163 = tpu.vector_load %arg4[%parallel_loop3A_161, %parallel_loop3A_162] {strides = array<i32>} : memref<32x256xf32, #tpu.memory_space<vmem>>, vector<16xf32>,
      %parallel_loop3A_164 = arith.constant 240 : i32
      %parallel_loop3A_165 = vector.broadcast %parallel_loop3A_164 : i32 to vector<16xi32>
      %parallel_loop3A_166 = arith.addi %iota3A, %parallel_loop3A_165 : vector<16xi32>
      %parallel_loop3A_167 = arith.constant dense<true> : vector<16xi1>
      %parallel_loop3A_168, %parallel_loop3A_169, %parallel_loop3A_170 = tpu.sort %parallel_loop3A_163, %parallel_loop3A_166 masked %parallel_loop3A_167 : (vector<16xf32>, vector<16xi32>, vector<16xi1>) -> (vector<16xi1>, vector<16xf32>, vector<16xi32>)
      %parallel_loop3A_171 = arith.constant 15 : i32
      %parallel_loop3A_172 = vector.broadcast %parallel_loop3A_171 : i32 to vector<16xi32>
      %parallel_loop3A_173 = tpu.iota {dimensions = array<i32: 0>} : vector<16xi32>
      %parallel_loop3A_174 = arith.subi %parallel_loop3A_172, %parallel_loop3A_173 : vector<16xi32>
      %parallel_loop3A_175 = tpu.dynamic_gather %parallel_loop3A_29[%parallel_loop3A_174] in [0] : vector<16xf32>, vector<16xi32> -> vector<16xf32>
      %parallel_loop3A_176 = arith.constant 15 : i32
      %parallel_loop3A_177 = vector.broadcast %parallel_loop3A_176 : i32 to vector<16xi32>
      %parallel_loop3A_178 = tpu.iota {dimensions = array<i32: 0>} : vector<16xi32>
      %parallel_loop3A_179 = arith.subi %parallel_loop3A_177, %parallel_loop3A_178 : vector<16xi32>
      %parallel_loop3A_180 = tpu.dynamic_gather %parallel_loop3A_30[%parallel_loop3A_179] in [0] : vector<16xi32>, vector<16xi32> -> vector<16xi32>
      %parallel_loop3A_181 = arith.cmpf ole, %parallel_loop3A_19, %parallel_loop3A_175 : vector<16xf32>
      %parallel_loop3A_182 = arith.select %parallel_loop3A_181, %parallel_loop3A_19, %parallel_loop3A_175 : vector<16xi1>, vector<16xf32>
      %parallel_loop3A_183 = arith.select %parallel_loop3A_181, %parallel_loop3A_20, %parallel_loop3A_180 : vector<16xi1>, vector<16xi32>
      %parallel_loop3A_184 = arith.constant dense<true> : vector<16xi1>
      %parallel_loop3A_185, %parallel_loop3A_186, %parallel_loop3A_187 = tpu.sort %parallel_loop3A_182, %parallel_loop3A_183 masked %parallel_loop3A_184 : (vector<16xf32>, vector<16xi32>, vector<16xi1>) -> (vector<16xi1>, vector<16xf32>, vector<16xi32>)
      %parallel_loop3A_188 = arith.constant 15 : i32
      %parallel_loop3A_189 = vector.broadcast %parallel_loop3A_188 : i32 to vector<16xi32>
      %parallel_loop3A_190 = tpu.iota {dimensions = array<i32: 0>} : vector<16xi32>
      %parallel_loop3A_191 = arith.subi %parallel_loop3A_189, %parallel_loop3A_190 : vector<16xi32>
      %parallel_loop3A_192 = tpu.dynamic_gather %parallel_loop3A_49[%parallel_loop3A_191] in [0] : vector<16xf32>, vector<16xi32> -> vector<16xf32>
      %parallel_loop3A_193 = arith.constant 15 : i32
      %parallel_loop3A_194 = vector.broadcast %parallel_loop3A_193 : i32 to vector<16xi32>
      %parallel_loop3A_195 = tpu.iota {dimensions = array<i32: 0>} : vector<16xi32>
      %parallel_loop3A_196 = arith.subi %parallel_loop3A_194, %parallel_loop3A_195 : vector<16xi32>
      %parallel_loop3A_197 = tpu.dynamic_gather %parallel_loop3A_50[%parallel_loop3A_196] in [0] : vector<16xi32>, vector<16xi32> -> vector<16xi32>
      %parallel_loop3A_198 = arith.cmpf ole, %parallel_loop3A_39, %parallel_loop3A_192 : vector<16xf32>
      %parallel_loop3A_199 = arith.select %parallel_loop3A_198, %parallel_loop3A_39, %parallel_loop3A_192 : vector<16xi1>, vector<16xf32>
      %parallel_loop3A_200 = arith.select %parallel_loop3A_198, %parallel_loop3A_40, %parallel_loop3A_197 : vector<16xi1>, vector<16xi32>
      %parallel_loop3A_201 = arith.constant dense<true> : vector<16xi1>
      %parallel_loop3A_202, %parallel_loop3A_203, %parallel_loop3A_204 = tpu.sort %parallel_loop3A_199, %parallel_loop3A_200 masked %parallel_loop3A_201 : (vector<16xf32>, vector<16xi32>, vector<16xi1>) -> (vector<16xi1>, vector<16xf32>, vector<16xi32>)
      %parallel_loop3A_205 = arith.constant 15 : i32
      %parallel_loop3A_206 = vector.broadcast %parallel_loop3A_205 : i32 to vector<16xi32>
      %parallel_loop3A_207 = tpu.iota {dimensions = array<i32: 0>} : vector<16xi32>
      %parallel_loop3A_208 = arith.subi %parallel_loop3A_206, %parallel_loop3A_207 : vector<16xi32>
      %parallel_loop3A_209 = tpu.dynamic_gather %parallel_loop3A_69[%parallel_loop3A_208] in [0] : vector<16xf32>, vector<16xi32> -> vector<16xf32>
      %parallel_loop3A_210 = arith.constant 15 : i32
      %parallel_loop3A_211 = vector.broadcast %parallel_loop3A_210 : i32 to vector<16xi32>
      %parallel_loop3A_212 = tpu.iota {dimensions = array<i32: 0>} : vector<16xi32>
      %parallel_loop3A_213 = arith.subi %parallel_loop3A_211, %parallel_loop3A_212 : vector<16xi32>
      %parallel_loop3A_214 = tpu.dynamic_gather %parallel_loop3A_70[%parallel_loop3A_213] in [0] : vector<16xi32>, vector<16xi32> -> vector<16xi32>
      %parallel_loop3A_215 = arith.cmpf ole, %parallel_loop3A_59, %parallel_loop3A_209 : vector<16xf32>
      %parallel_loop3A_216 = arith.select %parallel_loop3A_215, %parallel_loop3A_59, %parallel_loop3A_209 : vector<16xi1>, vector<16xf32>
      %parallel_loop3A_217 = arith.select %parallel_loop3A_215, %parallel_loop3A_60, %parallel_loop3A_214 : vector<16xi1>, vector<16xi32>
      %parallel_loop3A_218 = arith.constant dense<true> : vector<16xi1>
      %parallel_loop3A_219, %parallel_loop3A_220, %parallel_loop3A_221 = tpu.sort %parallel_loop3A_216, %parallel_loop3A_217 masked %parallel_loop3A_218 : (vector<16xf32>, vector<16xi32>, vector<16xi1>) -> (vector<16xi1>, vector<16xf32>, vector<16xi32>)
      %parallel_loop3A_222 = arith.constant 15 : i32
      %parallel_loop3A_223 = vector.broadcast %parallel_loop3A_222 : i32 to vector<16xi32>
      %parallel_loop3A_224 = tpu.iota {dimensions = array<i32: 0>} : vector<16xi32>
      %parallel_loop3A_225 = arith.subi %parallel_loop3A_223, %parallel_loop3A_224 : vector<16xi32>
      %parallel_loop3A_226 = tpu.dynamic_gather %parallel_loop3A_89[%parallel_loop3A_225] in [0] : vector<16xf32>, vector<16xi32> -> vector<16xf32>
      %parallel_loop3A_227 = arith.constant 15 : i32
      %parallel_loop3A_228 = vector.broadcast %parallel_loop3A_227 : i32 to vector<16xi32>
      %parallel_loop3A_229 = tpu.iota {dimensions = array<i32: 0>} : vector<16xi32>
      %parallel_loop3A_230 = arith.subi %parallel_loop3A_228, %parallel_loop3A_229 : vector<16xi32>
      %parallel_loop3A_231 = tpu.dynamic_gather %parallel_loop3A_90[%parallel_loop3A_230] in [0] : vector<16xi32>, vector<16xi32> -> vector<16xi32>
      %parallel_loop3A_232 = arith.cmpf ole, %parallel_loop3A_79, %parallel_loop3A_226 : vector<16xf32>
      %parallel_loop3A_233 = arith.select %parallel_loop3A_232, %parallel_loop3A_79, %parallel_loop3A_226 : vector<16xi1>, vector<16xf32>
      %parallel_loop3A_234 = arith.select %parallel_loop3A_232, %parallel_loop3A_80, %parallel_loop3A_231 : vector<16xi1>, vector<16xi32>
      %parallel_loop3A_235 = arith.constant dense<true> : vector<16xi1>
      %parallel_loop3A_236, %parallel_loop3A_237, %parallel_loop3A_238 = tpu.sort %parallel_loop3A_233, %parallel_loop3A_234 masked %parallel_loop3A_235 : (vector<16xf32>, vector<16xi32>, vector<16xi1>) -> (vector<16xi1>, vector<16xf32>, vector<16xi32>)
      %parallel_loop3A_239 = arith.constant 15 : i32
      %parallel_loop3A_240 = vector.broadcast %parallel_loop3A_239 : i32 to vector<16xi32>
      %parallel_loop3A_241 = tpu.iota {dimensions = array<i32: 0>} : vector<16xi32>
      %parallel_loop3A_242 = arith.subi %parallel_loop3A_240, %parallel_loop3A_241 : vector<16xi32>
      %parallel_loop3A_243 = tpu.dynamic_gather %parallel_loop3A_109[%parallel_loop3A_242] in [0] : vector<16xf32>, vector<16xi32> -> vector<16xf32>
      %parallel_loop3A_244 = arith.constant 15 : i32
      %parallel_loop3A_245 = vector.broadcast %parallel_loop3A_244 : i32 to vector<16xi32>
      %parallel_loop3A_246 = tpu.iota {dimensions = array<i32: 0>} : vector<16xi32>
      %parallel_loop3A_247 = arith.subi %parallel_loop3A_245, %parallel_loop3A_246 : vector<16xi32>
      %parallel_loop3A_248 = tpu.dynamic_gather %parallel_loop3A_110[%parallel_loop3A_247] in [0] : vector<16xi32>, vector<16xi32> -> vector<16xi32>
      %parallel_loop3A_249 = arith.cmpf ole, %parallel_loop3A_99, %parallel_loop3A_243 : vector<16xf32>
      %parallel_loop3A_250 = arith.select %parallel_loop3A_249, %parallel_loop3A_99, %parallel_loop3A_243 : vector<16xi1>, vector<16xf32>
      %parallel_loop3A_251 = arith.select %parallel_loop3A_249, %parallel_loop3A_100, %parallel_loop3A_248 : vector<16xi1>, vector<16xi32>
      %parallel_loop3A_252 = arith.constant dense<true> : vector<16xi1>
      %parallel_loop3A_253, %parallel_loop3A_254, %parallel_loop3A_255 = tpu.sort %parallel_loop3A_250, %parallel_loop3A_251 masked %parallel_loop3A_252 : (vector<16xf32>, vector<16xi32>, vector<16xi1>) -> (vector<16xi1>, vector<16xf32>, vector<16xi32>)
      %parallel_loop3A_256 = arith.constant 15 : i32
      %parallel_loop3A_257 = vector.broadcast %parallel_loop3A_256 : i32 to vector<16xi32>
      %parallel_loop3A_258 = tpu.iota {dimensions = array<i32: 0>} : vector<16xi32>
      %parallel_loop3A_259 = arith.subi %parallel_loop3A_257, %parallel_loop3A_258 : vector<16xi32>
      %parallel_loop3A_260 = tpu.dynamic_gather %parallel_loop3A_129[%parallel_loop3A_259] in [0] : vector<16xf32>, vector<16xi32> -> vector<16xf32>
      %parallel_loop3A_261 = arith.constant 15 : i32
      %parallel_loop3A_262 = vector.broadcast %parallel_loop3A_261 : i32 to vector<16xi32>
      %parallel_loop3A_263 = tpu.iota {dimensions = array<i32: 0>} : vector<16xi32>
      %parallel_loop3A_264 = arith.subi %parallel_loop3A_262, %parallel_loop3A_263 : vector<16xi32>
      %parallel_loop3A_265 = tpu.dynamic_gather %parallel_loop3A_130[%parallel_loop3A_264] in [0] : vector<16xi32>, vector<16xi32> -> vector<16xi32>
      %parallel_loop3A_266 = arith.cmpf ole, %parallel_loop3A_119, %parallel_loop3A_260 : vector<16xf32>
      %parallel_loop3A_267 = arith.select %parallel_loop3A_266, %parallel_loop3A_119, %parallel_loop3A_260 : vector<16xi1>, vector<16xf32>
      %parallel_loop3A_268 = arith.select %parallel_loop3A_266, %parallel_loop3A_120, %parallel_loop3A_265 : vector<16xi1>, vector<16xi32>
      %parallel_loop3A_269 = arith.constant dense<true> : vector<16xi1>
      %parallel_loop3A_270, %parallel_loop3A_271, %parallel_loop3A_272 = tpu.sort %parallel_loop3A_267, %parallel_loop3A_268 masked %parallel_loop3A_269 : (vector<16xf32>, vector<16xi32>, vector<16xi1>) -> (vector<16xi1>, vector<16xf32>, vector<16xi32>)
      %parallel_loop3A_273 = arith.constant 15 : i32
      %parallel_loop3A_274 = vector.broadcast %parallel_loop3A_273 : i32 to vector<16xi32>
      %parallel_loop3A_275 = tpu.iota {dimensions = array<i32: 0>} : vector<16xi32>
      %parallel_loop3A_276 = arith.subi %parallel_loop3A_274, %parallel_loop3A_275 : vector<16xi32>
      %parallel_loop3A_277 = tpu.dynamic_gather %parallel_loop3A_149[%parallel_loop3A_276] in [0] : vector<16xf32>, vector<16xi32> -> vector<16xf32>
      %parallel_loop3A_278 = arith.constant 15 : i32
      %parallel_loop3A_279 = vector.broadcast %parallel_loop3A_278 : i32 to vector<16xi32>
      %parallel_loop3A_280 = tpu.iota {dimensions = array<i32: 0>} : vector<16xi32>
      %parallel_loop3A_281 = arith.subi %parallel_loop3A_279, %parallel_loop3A_280 : vector<16xi32>
      %parallel_loop3A_282 = tpu.dynamic_gather %parallel_loop3A_150[%parallel_loop3A_281] in [0] : vector<16xi32>, vector<16xi32> -> vector<16xi32>
      %parallel_loop3A_283 = arith.cmpf ole, %parallel_loop3A_139, %parallel_loop3A_277 : vector<16xf32>
      %parallel_loop3A_284 = arith.select %parallel_loop3A_283, %parallel_loop3A_139, %parallel_loop3A_277 : vector<16xi1>, vector<16xf32>
      %parallel_loop3A_285 = arith.select %parallel_loop3A_283, %parallel_loop3A_140, %parallel_loop3A_282 : vector<16xi1>, vector<16xi32>
      %parallel_loop3A_286 = arith.constant dense<true> : vector<16xi1>
      %parallel_loop3A_287, %parallel_loop3A_288, %parallel_loop3A_289 = tpu.sort %parallel_loop3A_284, %parallel_loop3A_285 masked %parallel_loop3A_286 : (vector<16xf32>, vector<16xi32>, vector<16xi1>) -> (vector<16xi1>, vector<16xf32>, vector<16xi32>)
      %parallel_loop3A_290 = arith.constant 15 : i32
      %parallel_loop3A_291 = vector.broadcast %parallel_loop3A_290 : i32 to vector<16xi32>
      %parallel_loop3A_292 = tpu.iota {dimensions = array<i32: 0>} : vector<16xi32>
      %parallel_loop3A_293 = arith.subi %parallel_loop3A_291, %parallel_loop3A_292 : vector<16xi32>
      %parallel_loop3A_294 = tpu.dynamic_gather %parallel_loop3A_169[%parallel_loop3A_293] in [0] : vector<16xf32>, vector<16xi32> -> vector<16xf32>
      %parallel_loop3A_295 = arith.constant 15 : i32
      %parallel_loop3A_296 = vector.broadcast %parallel_loop3A_295 : i32 to vector<16xi32>
      %parallel_loop3A_297 = tpu.iota {dimensions = array<i32: 0>} : vector<16xi32>
      %parallel_loop3A_298 = arith.subi %parallel_loop3A_296, %parallel_loop3A_297 : vector<16xi32>
      %parallel_loop3A_299 = tpu.dynamic_gather %parallel_loop3A_170[%parallel_loop3A_298] in [0] : vector<16xi32>, vector<16xi32> -> vector<16xi32>
      %parallel_loop3A_300 = arith.cmpf ole, %parallel_loop3A_159, %parallel_loop3A_294 : vector<16xf32>
      %parallel_loop3A_301 = arith.select %parallel_loop3A_300, %parallel_loop3A_159, %parallel_loop3A_294 : vector<16xi1>, vector<16xf32>
      %parallel_loop3A_302 = arith.select %parallel_loop3A_300, %parallel_loop3A_160, %parallel_loop3A_299 : vector<16xi1>, vector<16xi32>
      %parallel_loop3A_303 = arith.constant dense<true> : vector<16xi1>
      %parallel_loop3A_304, %parallel_loop3A_305, %parallel_loop3A_306 = tpu.sort %parallel_loop3A_301, %parallel_loop3A_302 masked %parallel_loop3A_303 : (vector<16xf32>, vector<16xi32>, vector<16xi1>) -> (vector<16xi1>, vector<16xf32>, vector<16xi32>)
      %parallel_loop3A_307 = arith.constant 15 : i32
      %parallel_loop3A_308 = vector.broadcast %parallel_loop3A_307 : i32 to vector<16xi32>
      %parallel_loop3A_309 = tpu.iota {dimensions = array<i32: 0>} : vector<16xi32>
      %parallel_loop3A_310 = arith.subi %parallel_loop3A_308, %parallel_loop3A_309 : vector<16xi32>
      %parallel_loop3A_311 = tpu.dynamic_gather %parallel_loop3A_203[%parallel_loop3A_310] in [0] : vector<16xf32>, vector<16xi32> -> vector<16xf32>
      %parallel_loop3A_312 = arith.constant 15 : i32
      %parallel_loop3A_313 = vector.broadcast %parallel_loop3A_312 : i32 to vector<16xi32>
      %parallel_loop3A_314 = tpu.iota {dimensions = array<i32: 0>} : vector<16xi32>
      %parallel_loop3A_315 = arith.subi %parallel_loop3A_313, %parallel_loop3A_314 : vector<16xi32>
      %parallel_loop3A_316 = tpu.dynamic_gather %parallel_loop3A_204[%parallel_loop3A_315] in [0] : vector<16xi32>, vector<16xi32> -> vector<16xi32>
      %parallel_loop3A_317 = arith.cmpf ole, %parallel_loop3A_186, %parallel_loop3A_311 : vector<16xf32>
      %parallel_loop3A_318 = arith.select %parallel_loop3A_317, %parallel_loop3A_186, %parallel_loop3A_311 : vector<16xi1>, vector<16xf32>
      %parallel_loop3A_319 = arith.select %parallel_loop3A_317, %parallel_loop3A_187, %parallel_loop3A_316 : vector<16xi1>, vector<16xi32>
      %parallel_loop3A_320 = arith.constant dense<true> : vector<16xi1>
      %parallel_loop3A_321, %parallel_loop3A_322, %parallel_loop3A_323 = tpu.sort %parallel_loop3A_318, %parallel_loop3A_319 masked %parallel_loop3A_320 : (vector<16xf32>, vector<16xi32>, vector<16xi1>) -> (vector<16xi1>, vector<16xf32>, vector<16xi32>)
      %parallel_loop3A_324 = arith.constant 15 : i32
      %parallel_loop3A_325 = vector.broadcast %parallel_loop3A_324 : i32 to vector<16xi32>
      %parallel_loop3A_326 = tpu.iota {dimensions = array<i32: 0>} : vector<16xi32>
      %parallel_loop3A_327 = arith.subi %parallel_loop3A_325, %parallel_loop3A_326 : vector<16xi32>
      %parallel_loop3A_328 = tpu.dynamic_gather %parallel_loop3A_237[%parallel_loop3A_327] in [0] : vector<16xf32>, vector<16xi32> -> vector<16xf32>
      %parallel_loop3A_329 = arith.constant 15 : i32
      %parallel_loop3A_330 = vector.broadcast %parallel_loop3A_329 : i32 to vector<16xi32>
      %parallel_loop3A_331 = tpu.iota {dimensions = array<i32: 0>} : vector<16xi32>
      %parallel_loop3A_332 = arith.subi %parallel_loop3A_330, %parallel_loop3A_331 : vector<16xi32>
      %parallel_loop3A_333 = tpu.dynamic_gather %parallel_loop3A_238[%parallel_loop3A_332] in [0] : vector<16xi32>, vector<16xi32> -> vector<16xi32>
      %parallel_loop3A_334 = arith.cmpf ole, %parallel_loop3A_220, %parallel_loop3A_328 : vector<16xf32>
      %parallel_loop3A_335 = arith.select %parallel_loop3A_334, %parallel_loop3A_220, %parallel_loop3A_328 : vector<16xi1>, vector<16xf32>
      %parallel_loop3A_336 = arith.select %parallel_loop3A_334, %parallel_loop3A_221, %parallel_loop3A_333 : vector<16xi1>, vector<16xi32>
      %parallel_loop3A_337 = arith.constant dense<true> : vector<16xi1>
      %parallel_loop3A_338, %parallel_loop3A_339, %parallel_loop3A_340 = tpu.sort %parallel_loop3A_335, %parallel_loop3A_336 masked %parallel_loop3A_337 : (vector<16xf32>, vector<16xi32>, vector<16xi1>) -> (vector<16xi1>, vector<16xf32>, vector<16xi32>)
      %parallel_loop3A_341 = arith.constant 15 : i32
      %parallel_loop3A_342 = vector.broadcast %parallel_loop3A_341 : i32 to vector<16xi32>
      %parallel_loop3A_343 = tpu.iota {dimensions = array<i32: 0>} : vector<16xi32>
      %parallel_loop3A_344 = arith.subi %parallel_loop3A_342, %parallel_loop3A_343 : vector<16xi32>
      %parallel_loop3A_345 = tpu.dynamic_gather %parallel_loop3A_271[%parallel_loop3A_344] in [0] : vector<16xf32>, vector<16xi32> -> vector<16xf32>
      %parallel_loop3A_346 = arith.constant 15 : i32
      %parallel_loop3A_347 = vector.broadcast %parallel_loop3A_346 : i32 to vector<16xi32>
      %parallel_loop3A_348 = tpu.iota {dimensions = array<i32: 0>} : vector<16xi32>
      %parallel_loop3A_349 = arith.subi %parallel_loop3A_347, %parallel_loop3A_348 : vector<16xi32>
      %parallel_loop3A_350 = tpu.dynamic_gather %parallel_loop3A_272[%parallel_loop3A_349] in [0] : vector<16xi32>, vector<16xi32> -> vector<16xi32>
      %parallel_loop3A_351 = arith.cmpf ole, %parallel_loop3A_254, %parallel_loop3A_345 : vector<16xf32>
      %parallel_loop3A_352 = arith.select %parallel_loop3A_351, %parallel_loop3A_254, %parallel_loop3A_345 : vector<16xi1>, vector<16xf32>
      %parallel_loop3A_353 = arith.select %parallel_loop3A_351, %parallel_loop3A_255, %parallel_loop3A_350 : vector<16xi1>, vector<16xi32>
      %parallel_loop3A_354 = arith.constant dense<true> : vector<16xi1>
      %parallel_loop3A_355, %parallel_loop3A_356, %parallel_loop3A_357 = tpu.sort %parallel_loop3A_352, %parallel_loop3A_353 masked %parallel_loop3A_354 : (vector<16xf32>, vector<16xi32>, vector<16xi1>) -> (vector<16xi1>, vector<16xf32>, vector<16xi32>)
      %parallel_loop3A_358 = arith.constant 15 : i32
      %parallel_loop3A_359 = vector.broadcast %parallel_loop3A_358 : i32 to vector<16xi32>
      %parallel_loop3A_360 = tpu.iota {dimensions = array<i32: 0>} : vector<16xi32>
      %parallel_loop3A_361 = arith.subi %parallel_loop3A_359, %parallel_loop3A_360 : vector<16xi32>
      %parallel_loop3A_362 = tpu.dynamic_gather %parallel_loop3A_305[%parallel_loop3A_361] in [0] : vector<16xf32>, vector<16xi32> -> vector<16xf32>
      %parallel_loop3A_363 = arith.constant 15 : i32
      %parallel_loop3A_364 = vector.broadcast %parallel_loop3A_363 : i32 to vector<16xi32>
      %parallel_loop3A_365 = tpu.iota {dimensions = array<i32: 0>} : vector<16xi32>
      %parallel_loop3A_366 = arith.subi %parallel_loop3A_364, %parallel_loop3A_365 : vector<16xi32>
      %parallel_loop3A_367 = tpu.dynamic_gather %parallel_loop3A_306[%parallel_loop3A_366] in [0] : vector<16xi32>, vector<16xi32> -> vector<16xi32>
      %parallel_loop3A_368 = arith.cmpf ole, %parallel_loop3A_288, %parallel_loop3A_362 : vector<16xf32>
      %parallel_loop3A_369 = arith.select %parallel_loop3A_368, %parallel_loop3A_288, %parallel_loop3A_362 : vector<16xi1>, vector<16xf32>
      %parallel_loop3A_370 = arith.select %parallel_loop3A_368, %parallel_loop3A_289, %parallel_loop3A_367 : vector<16xi1>, vector<16xi32>
      %parallel_loop3A_371 = arith.constant dense<true> : vector<16xi1>
      %parallel_loop3A_372, %parallel_loop3A_373, %parallel_loop3A_374 = tpu.sort %parallel_loop3A_369, %parallel_loop3A_370 masked %parallel_loop3A_371 : (vector<16xf32>, vector<16xi32>, vector<16xi1>) -> (vector<16xi1>, vector<16xf32>, vector<16xi32>)
      %parallel_loop3A_375 = arith.constant 15 : i32
      %parallel_loop3A_376 = vector.broadcast %parallel_loop3A_375 : i32 to vector<16xi32>
      %parallel_loop3A_377 = tpu.iota {dimensions = array<i32: 0>} : vector<16xi32>
      %parallel_loop3A_378 = arith.subi %parallel_loop3A_376, %parallel_loop3A_377 : vector<16xi32>
      %parallel_loop3A_379 = tpu.dynamic_gather %parallel_loop3A_339[%parallel_loop3A_378] in [0] : vector<16xf32>, vector<16xi32> -> vector<16xf32>
      %parallel_loop3A_380 = arith.constant 15 : i32
      %parallel_loop3A_381 = vector.broadcast %parallel_loop3A_380 : i32 to vector<16xi32>
      %parallel_loop3A_382 = tpu.iota {dimensions = array<i32: 0>} : vector<16xi32>
      %parallel_loop3A_383 = arith.subi %parallel_loop3A_381, %parallel_loop3A_382 : vector<16xi32>
      %parallel_loop3A_384 = tpu.dynamic_gather %parallel_loop3A_340[%parallel_loop3A_383] in [0] : vector<16xi32>, vector<16xi32> -> vector<16xi32>
      %parallel_loop3A_385 = arith.cmpf ole, %parallel_loop3A_322, %parallel_loop3A_379 : vector<16xf32>
      %parallel_loop3A_386 = arith.select %parallel_loop3A_385, %parallel_loop3A_322, %parallel_loop3A_379 : vector<16xi1>, vector<16xf32>
      %parallel_loop3A_387 = arith.select %parallel_loop3A_385, %parallel_loop3A_323, %parallel_loop3A_384 : vector<16xi1>, vector<16xi32>
      %parallel_loop3A_388 = arith.constant dense<true> : vector<16xi1>
      %parallel_loop3A_389, %parallel_loop3A_390, %parallel_loop3A_391 = tpu.sort %parallel_loop3A_386, %parallel_loop3A_387 masked %parallel_loop3A_388 : (vector<16xf32>, vector<16xi32>, vector<16xi1>) -> (vector<16xi1>, vector<16xf32>, vector<16xi32>)
      %parallel_loop3A_392 = arith.constant 15 : i32
      %parallel_loop3A_393 = vector.broadcast %parallel_loop3A_392 : i32 to vector<16xi32>
      %parallel_loop3A_394 = tpu.iota {dimensions = array<i32: 0>} : vector<16xi32>
      %parallel_loop3A_395 = arith.subi %parallel_loop3A_393, %parallel_loop3A_394 : vector<16xi32>
      %parallel_loop3A_396 = tpu.dynamic_gather %parallel_loop3A_373[%parallel_loop3A_395] in [0] : vector<16xf32>, vector<16xi32> -> vector<16xf32>
      %parallel_loop3A_397 = arith.constant 15 : i32
      %parallel_loop3A_398 = vector.broadcast %parallel_loop3A_397 : i32 to vector<16xi32>
      %parallel_loop3A_399 = tpu.iota {dimensions = array<i32: 0>} : vector<16xi32>
      %parallel_loop3A_400 = arith.subi %parallel_loop3A_398, %parallel_loop3A_399 : vector<16xi32>
      %parallel_loop3A_401 = tpu.dynamic_gather %parallel_loop3A_374[%parallel_loop3A_400] in [0] : vector<16xi32>, vector<16xi32> -> vector<16xi32>
      %parallel_loop3A_402 = arith.cmpf ole, %parallel_loop3A_356, %parallel_loop3A_396 : vector<16xf32>
      %parallel_loop3A_403 = arith.select %parallel_loop3A_402, %parallel_loop3A_356, %parallel_loop3A_396 : vector<16xi1>, vector<16xf32>
      %parallel_loop3A_404 = arith.select %parallel_loop3A_402, %parallel_loop3A_357, %parallel_loop3A_401 : vector<16xi1>, vector<16xi32>
      %parallel_loop3A_405 = arith.constant dense<true> : vector<16xi1>
      %parallel_loop3A_406, %parallel_loop3A_407, %parallel_loop3A_408 = tpu.sort %parallel_loop3A_403, %parallel_loop3A_404 masked %parallel_loop3A_405 : (vector<16xf32>, vector<16xi32>, vector<16xi1>) -> (vector<16xi1>, vector<16xf32>, vector<16xi32>)
      %parallel_loop3A_409 = arith.constant 15 : i32
      %parallel_loop3A_410 = vector.broadcast %parallel_loop3A_409 : i32 to vector<16xi32>
      %parallel_loop3A_411 = tpu.iota {dimensions = array<i32: 0>} : vector<16xi32>
      %parallel_loop3A_412 = arith.subi %parallel_loop3A_410, %parallel_loop3A_411 : vector<16xi32>
      %parallel_loop3A_413 = tpu.dynamic_gather %parallel_loop3A_407[%parallel_loop3A_412] in [0] : vector<16xf32>, vector<16xi32> -> vector<16xf32>
      %parallel_loop3A_414 = arith.constant 15 : i32
      %parallel_loop3A_415 = vector.broadcast %parallel_loop3A_414 : i32 to vector<16xi32>
      %parallel_loop3A_416 = tpu.iota {dimensions = array<i32: 0>} : vector<16xi32>
      %parallel_loop3A_417 = arith.subi %parallel_loop3A_415, %parallel_loop3A_416 : vector<16xi32>
      %parallel_loop3A_418 = tpu.dynamic_gather %parallel_loop3A_408[%parallel_loop3A_417] in [0] : vector<16xi32>, vector<16xi32> -> vector<16xi32>
      %parallel_loop3A_419 = arith.cmpf ole, %parallel_loop3A_390, %parallel_loop3A_413 : vector<16xf32>
      %parallel_loop3A_420 = arith.select %parallel_loop3A_419, %parallel_loop3A_390, %parallel_loop3A_413 : vector<16xi1>, vector<16xf32>
      %parallel_loop3A_421 = arith.select %parallel_loop3A_419, %parallel_loop3A_391, %parallel_loop3A_418 : vector<16xi1>, vector<16xi32>
      %parallel_loop3A_422 = arith.constant dense<true> : vector<16xi1>
      %parallel_loop3A_423, %parallel_loop3A_424, %parallel_loop3A_425 = tpu.sort %parallel_loop3A_420, %parallel_loop3A_421 masked %parallel_loop3A_422 : (vector<16xf32>, vector<16xi32>, vector<16xi1>) -> (vector<16xi1>, vector<16xf32>, vector<16xi32>)
      %parallel_loop3A_426 = arith.index_cast %parallel_loop3A_10 : i32 to index
      %parallel_loop3A_427 = arith.constant 0 : index
      %parallel_loop3A_428 = tpu.vector_load %arg5[%parallel_loop3A_426, %parallel_loop3A_427] {strides = array<i32>} : memref<32x256xf32, #tpu.memory_space<vmem>>, vector<16xf32>,
      tpu.vector_store %arg5[%parallel_loop3A_426, %parallel_loop3A_427], %broadcast_in_dim3A_3 {strides = array<i32>} : memref<32x256xf32, #tpu.memory_space<vmem>>, vector<16xf32>,
      %parallel_loop3A_429 = arith.index_cast %parallel_loop3A_10 : i32 to index
      %parallel_loop3A_430 = arith.constant 16 : index
      %parallel_loop3A_431 = tpu.vector_load %arg5[%parallel_loop3A_429, %parallel_loop3A_430] {strides = array<i32>} : memref<32x256xf32, #tpu.memory_space<vmem>>, vector<16xf32>,
      tpu.vector_store %arg5[%parallel_loop3A_429, %parallel_loop3A_430], %broadcast_in_dim3A_3 {strides = array<i32>} : memref<32x256xf32, #tpu.memory_space<vmem>>, vector<16xf32>,
      %parallel_loop3A_432 = arith.index_cast %parallel_loop3A_10 : i32 to index
      %parallel_loop3A_433 = arith.constant 32 : index
      %parallel_loop3A_434 = tpu.vector_load %arg5[%parallel_loop3A_432, %parallel_loop3A_433] {strides = array<i32>} : memref<32x256xf32, #tpu.memory_space<vmem>>, vector<16xf32>,
      tpu.vector_store %arg5[%parallel_loop3A_432, %parallel_loop3A_433], %broadcast_in_dim3A_3 {strides = array<i32>} : memref<32x256xf32, #tpu.memory_space<vmem>>, vector<16xf32>,
      %parallel_loop3A_435 = arith.index_cast %parallel_loop3A_10 : i32 to index
      %parallel_loop3A_436 = arith.constant 48 : index
      %parallel_loop3A_437 = tpu.vector_load %arg5[%parallel_loop3A_435, %parallel_loop3A_436] {strides = array<i32>} : memref<32x256xf32, #tpu.memory_space<vmem>>, vector<16xf32>,
      tpu.vector_store %arg5[%parallel_loop3A_435, %parallel_loop3A_436], %broadcast_in_dim3A_3 {strides = array<i32>} : memref<32x256xf32, #tpu.memory_space<vmem>>, vector<16xf32>,
      %parallel_loop3A_438 = arith.index_cast %parallel_loop3A_10 : i32 to index
      %parallel_loop3A_439 = arith.constant 64 : index
      %parallel_loop3A_440 = tpu.vector_load %arg5[%parallel_loop3A_438, %parallel_loop3A_439] {strides = array<i32>} : memref<32x256xf32, #tpu.memory_space<vmem>>, vector<16xf32>,
      tpu.vector_store %arg5[%parallel_loop3A_438, %parallel_loop3A_439], %broadcast_in_dim3A_3 {strides = array<i32>} : memref<32x256xf32, #tpu.memory_space<vmem>>, vector<16xf32>,
      %parallel_loop3A_441 = arith.index_cast %parallel_loop3A_10 : i32 to index
      %parallel_loop3A_442 = arith.constant 80 : index
      %parallel_loop3A_443 = tpu.vector_load %arg5[%parallel_loop3A_441, %parallel_loop3A_442] {strides = array<i32>} : memref<32x256xf32, #tpu.memory_space<vmem>>, vector<16xf32>,
      tpu.vector_store %arg5[%parallel_loop3A_441, %parallel_loop3A_442], %broadcast_in_dim3A_3 {strides = array<i32>} : memref<32x256xf32, #tpu.memory_space<vmem>>, vector<16xf32>,
      %parallel_loop3A_444 = arith.index_cast %parallel_loop3A_10 : i32 to index
      %parallel_loop3A_445 = arith.constant 96 : index
      %parallel_loop3A_446 = tpu.vector_load %arg5[%parallel_loop3A_444, %parallel_loop3A_445] {strides = array<i32>} : memref<32x256xf32, #tpu.memory_space<vmem>>, vector<16xf32>,
      tpu.vector_store %arg5[%parallel_loop3A_444, %parallel_loop3A_445], %broadcast_in_dim3A_3 {strides = array<i32>} : memref<32x256xf32, #tpu.memory_space<vmem>>, vector<16xf32>,
      %parallel_loop3A_447 = arith.index_cast %parallel_loop3A_10 : i32 to index
      %parallel_loop3A_448 = arith.constant 112 : index
      %parallel_loop3A_449 = tpu.vector_load %arg5[%parallel_loop3A_447, %parallel_loop3A_448] {strides = array<i32>} : memref<32x256xf32, #tpu.memory_space<vmem>>, vector<16xf32>,
      tpu.vector_store %arg5[%parallel_loop3A_447, %parallel_loop3A_448], %broadcast_in_dim3A_3 {strides = array<i32>} : memref<32x256xf32, #tpu.memory_space<vmem>>, vector<16xf32>,
      %parallel_loop3A_450 = arith.index_cast %parallel_loop3A_10 : i32 to index
      %parallel_loop3A_451 = arith.constant 128 : index
      %parallel_loop3A_452 = tpu.vector_load %arg5[%parallel_loop3A_450, %parallel_loop3A_451] {strides = array<i32>} : memref<32x256xf32, #tpu.memory_space<vmem>>, vector<16xf32>,
      tpu.vector_store %arg5[%parallel_loop3A_450, %parallel_loop3A_451], %broadcast_in_dim3A_3 {strides = array<i32>} : memref<32x256xf32, #tpu.memory_space<vmem>>, vector<16xf32>,
      %parallel_loop3A_453 = arith.index_cast %parallel_loop3A_10 : i32 to index
      %parallel_loop3A_454 = arith.constant 144 : index
      %parallel_loop3A_455 = tpu.vector_load %arg5[%parallel_loop3A_453, %parallel_loop3A_454] {strides = array<i32>} : memref<32x256xf32, #tpu.memory_space<vmem>>, vector<16xf32>,
      tpu.vector_store %arg5[%parallel_loop3A_453, %parallel_loop3A_454], %broadcast_in_dim3A_3 {strides = array<i32>} : memref<32x256xf32, #tpu.memory_space<vmem>>, vector<16xf32>,
      %parallel_loop3A_456 = arith.index_cast %parallel_loop3A_10 : i32 to index
      %parallel_loop3A_457 = arith.constant 160 : index
      %parallel_loop3A_458 = tpu.vector_load %arg5[%parallel_loop3A_456, %parallel_loop3A_457] {strides = array<i32>} : memref<32x256xf32, #tpu.memory_space<vmem>>, vector<16xf32>,
      tpu.vector_store %arg5[%parallel_loop3A_456, %parallel_loop3A_457], %broadcast_in_dim3A_3 {strides = array<i32>} : memref<32x256xf32, #tpu.memory_space<vmem>>, vector<16xf32>,
      %parallel_loop3A_459 = arith.index_cast %parallel_loop3A_10 : i32 to index
      %parallel_loop3A_460 = arith.constant 176 : index
      %parallel_loop3A_461 = tpu.vector_load %arg5[%parallel_loop3A_459, %parallel_loop3A_460] {strides = array<i32>} : memref<32x256xf32, #tpu.memory_space<vmem>>, vector<16xf32>,
      tpu.vector_store %arg5[%parallel_loop3A_459, %parallel_loop3A_460], %broadcast_in_dim3A_3 {strides = array<i32>} : memref<32x256xf32, #tpu.memory_space<vmem>>, vector<16xf32>,
      %parallel_loop3A_462 = arith.index_cast %parallel_loop3A_10 : i32 to index
      %parallel_loop3A_463 = arith.constant 192 : index
      %parallel_loop3A_464 = tpu.vector_load %arg5[%parallel_loop3A_462, %parallel_loop3A_463] {strides = array<i32>} : memref<32x256xf32, #tpu.memory_space<vmem>>, vector<16xf32>,
      tpu.vector_store %arg5[%parallel_loop3A_462, %parallel_loop3A_463], %broadcast_in_dim3A_3 {strides = array<i32>} : memref<32x256xf32, #tpu.memory_space<vmem>>, vector<16xf32>,
      %parallel_loop3A_465 = arith.index_cast %parallel_loop3A_10 : i32 to index
      %parallel_loop3A_466 = arith.constant 208 : index
      %parallel_loop3A_467 = tpu.vector_load %arg5[%parallel_loop3A_465, %parallel_loop3A_466] {strides = array<i32>} : memref<32x256xf32, #tpu.memory_space<vmem>>, vector<16xf32>,
      tpu.vector_store %arg5[%parallel_loop3A_465, %parallel_loop3A_466], %broadcast_in_dim3A_3 {strides = array<i32>} : memref<32x256xf32, #tpu.memory_space<vmem>>, vector<16xf32>,
      %parallel_loop3A_468 = arith.index_cast %parallel_loop3A_10 : i32 to index
      %parallel_loop3A_469 = arith.constant 224 : index
      %parallel_loop3A_470 = tpu.vector_load %arg5[%parallel_loop3A_468, %parallel_loop3A_469] {strides = array<i32>} : memref<32x256xf32, #tpu.memory_space<vmem>>, vector<16xf32>,
      tpu.vector_store %arg5[%parallel_loop3A_468, %parallel_loop3A_469], %broadcast_in_dim3A_3 {strides = array<i32>} : memref<32x256xf32, #tpu.memory_space<vmem>>, vector<16xf32>,
      %parallel_loop3A_471 = arith.index_cast %parallel_loop3A_10 : i32 to index
      %parallel_loop3A_472 = arith.constant 240 : index
      %parallel_loop3A_473 = tpu.vector_load %arg5[%parallel_loop3A_471, %parallel_loop3A_472] {strides = array<i32>} : memref<32x256xf32, #tpu.memory_space<vmem>>, vector<16xf32>,
      tpu.vector_store %arg5[%parallel_loop3A_471, %parallel_loop3A_472], %broadcast_in_dim3A_3 {strides = array<i32>} : memref<32x256xf32, #tpu.memory_space<vmem>>, vector<16xf32>,
      %parallel_loop3A_474 = vector.broadcast %parallel_loop3A_10 : i32 to vector<16xi32>
      tpu.vector_store_idx %arg5[%parallel_loop3A_474, %parallel_loop3A_425], %broadcast_in_dim3A_5 masked %lt3A_7 : memref<32x256xf32, #tpu.memory_space<vmem>>[vector<16xi32>, vector<16xi32>], vector<16xf32>, vector<16xi1>
    } {sc.loop_unroll_factor = 2 : i64, sc.parallel_access}
    "tpu.region"() ({
      %run_scoped3A = tpu.sem_alloc : memref<!tpu.dma_semaphore, #tpu.memory_space<semaphore_mem>>
      %dma_start3A = arith.constant 0 : i32
      %dma_start3A_10 = tpu.memref_slice %arg3[%mul3A_2, %dma_start3A] : memref<1024x256xf32, #tpu.memory_space<hbm>> -> memref<32x256xf32, #tpu.memory_space<hbm>>
      %dma_start3A_11 = arith.constant 0 : i32
      %dma_start3A_12 = tpu.memref_slice %arg3[%mul3A_2, %dma_start3A_11] : memref<1024x256xf32, #tpu.memory_space<hbm>> -> memref<32x256xf32, #tpu.memory_space<hbm>>
      tpu.enqueue_dma source(%arg5 : memref<32x256xf32, #tpu.memory_space<vmem>>) target(%dma_start3A_12 : memref<32x256xf32, #tpu.memory_space<hbm>>) target_semaphore(%run_scoped3A : memref<!tpu.dma_semaphore, #tpu.memory_space<semaphore_mem>>)
      %dma_wait3A = arith.constant 0 : i32
      %dma_wait3A_13 = tpu.memref_slice %arg3[%mul3A_2, %dma_wait3A] : memref<1024x256xf32, #tpu.memory_space<hbm>> -> memref<32x256xf32, #tpu.memory_space<hbm>>
      %dma_wait3A_14 = arith.constant 0 : i32
      %dma_wait3A_15 = tpu.memref_slice %arg3[%mul3A_2, %dma_wait3A_14] : memref<1024x256xf32, #tpu.memory_space<hbm>> -> memref<32x256xf32, #tpu.memory_space<hbm>>
      tpu.wait_dma2 semaphore(%run_scoped3A : memref<!tpu.dma_semaphore, #tpu.memory_space<semaphore_mem>>) src(%arg5 : memref<32x256xf32, #tpu.memory_space<vmem>>) dst(%dma_wait3A_15 : memref<32x256xf32, #tpu.memory_space<hbm>>)
      tpu.yield
    }) : () -> ()
    return
  }
}

module attributes {stable_mosaic.version = 14 : i64} {
  func.func @_dist_body(%arg0: memref<4x256x128xf32, #tpu.memory_space<vmem>>, %arg1: memref<1024x256xf32, #tpu.memory_space<vmem>>) attributes {dimension_semantics = [], scalar_prefetch = 0 : i64, scratch_operands = 0 : i64, tpu.core_type = #tpu.core_type<tc>} {
    %get3A = arith.constant 0 : index
    %get3A_0 = arith.constant 0 : index
    %get3A_1 = arith.constant 0 : index
    %get3A_2 = vector.load %arg0[%get3A, %get3A_0, %get3A_1] : memref<4x256x128xf32, #tpu.memory_space<vmem>>, vector<1x256x128xf32>
    %get3A_3 = vector.shape_cast %get3A_2 : vector<1x256x128xf32> to vector<256x128xf32>
    %dot_general3A = arith.constant dense<0.000000e+00> : vector<256x256xf32>
    %dot_general3A_4 = tpu.matmul %get3A_3, %get3A_3, %dot_general3A {dimension_numbers = #tpu.dot_dimension_numbers<[1], [1], [0], [0], [0, 0, 1, 0], [], []>, precision = #tpu.contract_precision<fp32>, transpose_lhs_hint = false} : vector<256x128xf32>, vector<256x128xf32>, vector<256x256xf32> -> vector<256x256xf32>
    %mul3A = arith.mulf %get3A_3, %get3A_3 : vector<256x128xf32>
    %reduce_sum3A = arith.constant dense<0.000000e+00> : vector<256xf32>
    %reduce_sum3A_5 = vector.multi_reduction <add>, %mul3A, %reduce_sum3A [1] : vector<256x128xf32> to vector<256xf32>
    %broadcast_in_dim3A = vector.shape_cast %reduce_sum3A_5 : vector<256xf32> to vector<256x1xf32>
    %broadcast_in_dim3A_6 = vector.shape_cast %reduce_sum3A_5 : vector<256xf32> to vector<1x256xf32>
    %add3A = vector.broadcast %broadcast_in_dim3A : vector<256x1xf32> to vector<256x256xf32>
    %add3A_7 = vector.broadcast %broadcast_in_dim3A_6 : vector<1x256xf32> to vector<256x256xf32>
    %add3A_8 = arith.addf %add3A, %add3A_7 : vector<256x256xf32>
    %mul3A_9 = arith.constant 2.000000e+00 : f32
    %mul3A_10 = vector.broadcast %mul3A_9 : f32 to vector<256x256xf32>
    %mul3A_11 = arith.mulf %mul3A_10, %dot_general3A_4 : vector<256x256xf32>
    %sub3A = arith.subf %add3A_8, %mul3A_11 : vector<256x256xf32>
    %iota3A = tpu.iota {dimensions = array<i32: 0>} : vector<256x256xi32>
    %iota3A_12 = tpu.iota {dimensions = array<i32: 1>} : vector<256x256xi32>
    %eq3A = arith.cmpi eq, %iota3A, %iota3A_12 : vector<256x256xi32>
    %jit3A = arith.constant 1.000000e+06 : f32
    %broadcast_in_dim3A_13 = vector.broadcast %jit3A : f32 to vector<256x256xf32>
    %select_n3A = arith.select %eq3A, %broadcast_in_dim3A_13, %sub3A : vector<256x256xi1>, vector<256x256xf32>
    %swap3A = arith.constant 0 : index
    %swap3A_14 = arith.constant 0 : index
    %swap3A_15 = vector.load %arg1[%swap3A, %swap3A_14] : memref<1024x256xf32, #tpu.memory_space<vmem>>, vector<256x256xf32>
    tpu.vector_store %arg1[%swap3A, %swap3A_14], %select_n3A {strides = array<i32>} : memref<1024x256xf32, #tpu.memory_space<vmem>>, vector<256x256xf32>,
    %get3A_16 = arith.constant 1 : index
    %get3A_17 = arith.constant 0 : index
    %get3A_18 = arith.constant 0 : index
    %get3A_19 = vector.load %arg0[%get3A_16, %get3A_17, %get3A_18] : memref<4x256x128xf32, #tpu.memory_space<vmem>>, vector<1x256x128xf32>
    %get3A_20 = vector.shape_cast %get3A_19 : vector<1x256x128xf32> to vector<256x128xf32>
    %dot_general3A_21 = arith.constant dense<0.000000e+00> : vector<256x256xf32>
    %dot_general3A_22 = tpu.matmul %get3A_20, %get3A_20, %dot_general3A_21 {dimension_numbers = #tpu.dot_dimension_numbers<[1], [1], [0], [0], [0, 0, 1, 0], [], []>, precision = #tpu.contract_precision<fp32>, transpose_lhs_hint = false} : vector<256x128xf32>, vector<256x128xf32>, vector<256x256xf32> -> vector<256x256xf32>
    %mul3A_23 = arith.mulf %get3A_20, %get3A_20 : vector<256x128xf32>
    %reduce_sum3A_24 = arith.constant dense<0.000000e+00> : vector<256xf32>
    %reduce_sum3A_25 = vector.multi_reduction <add>, %mul3A_23, %reduce_sum3A_24 [1] : vector<256x128xf32> to vector<256xf32>
    %broadcast_in_dim3A_26 = vector.shape_cast %reduce_sum3A_25 : vector<256xf32> to vector<256x1xf32>
    %broadcast_in_dim3A_27 = vector.shape_cast %reduce_sum3A_25 : vector<256xf32> to vector<1x256xf32>
    %add3A_28 = vector.broadcast %broadcast_in_dim3A_26 : vector<256x1xf32> to vector<256x256xf32>
    %add3A_29 = vector.broadcast %broadcast_in_dim3A_27 : vector<1x256xf32> to vector<256x256xf32>
    %add3A_30 = arith.addf %add3A_28, %add3A_29 : vector<256x256xf32>
    %mul3A_31 = arith.constant 2.000000e+00 : f32
    %mul3A_32 = vector.broadcast %mul3A_31 : f32 to vector<256x256xf32>
    %mul3A_33 = arith.mulf %mul3A_32, %dot_general3A_22 : vector<256x256xf32>
    %sub3A_34 = arith.subf %add3A_30, %mul3A_33 : vector<256x256xf32>
    %iota3A_35 = tpu.iota {dimensions = array<i32: 0>} : vector<256x256xi32>
    %iota3A_36 = tpu.iota {dimensions = array<i32: 1>} : vector<256x256xi32>
    %eq3A_37 = arith.cmpi eq, %iota3A_35, %iota3A_36 : vector<256x256xi32>
    %jit3A_38 = arith.constant 1.000000e+06 : f32
    %broadcast_in_dim3A_39 = vector.broadcast %jit3A_38 : f32 to vector<256x256xf32>
    %select_n3A_40 = arith.select %eq3A_37, %broadcast_in_dim3A_39, %sub3A_34 : vector<256x256xi1>, vector<256x256xf32>
    %swap3A_41 = arith.constant 256 : index
    %swap3A_42 = arith.constant 0 : index
    %swap3A_43 = vector.load %arg1[%swap3A_41, %swap3A_42] : memref<1024x256xf32, #tpu.memory_space<vmem>>, vector<256x256xf32>
    tpu.vector_store %arg1[%swap3A_41, %swap3A_42], %select_n3A_40 {strides = array<i32>} : memref<1024x256xf32, #tpu.memory_space<vmem>>, vector<256x256xf32>,
    %get3A_44 = arith.constant 2 : index
    %get3A_45 = arith.constant 0 : index
    %get3A_46 = arith.constant 0 : index
    %get3A_47 = vector.load %arg0[%get3A_44, %get3A_45, %get3A_46] : memref<4x256x128xf32, #tpu.memory_space<vmem>>, vector<1x256x128xf32>
    %get3A_48 = vector.shape_cast %get3A_47 : vector<1x256x128xf32> to vector<256x128xf32>
    %dot_general3A_49 = arith.constant dense<0.000000e+00> : vector<256x256xf32>
    %dot_general3A_50 = tpu.matmul %get3A_48, %get3A_48, %dot_general3A_49 {dimension_numbers = #tpu.dot_dimension_numbers<[1], [1], [0], [0], [0, 0, 1, 0], [], []>, precision = #tpu.contract_precision<fp32>, transpose_lhs_hint = false} : vector<256x128xf32>, vector<256x128xf32>, vector<256x256xf32> -> vector<256x256xf32>
    %mul3A_51 = arith.mulf %get3A_48, %get3A_48 : vector<256x128xf32>
    %reduce_sum3A_52 = arith.constant dense<0.000000e+00> : vector<256xf32>
    %reduce_sum3A_53 = vector.multi_reduction <add>, %mul3A_51, %reduce_sum3A_52 [1] : vector<256x128xf32> to vector<256xf32>
    %broadcast_in_dim3A_54 = vector.shape_cast %reduce_sum3A_53 : vector<256xf32> to vector<256x1xf32>
    %broadcast_in_dim3A_55 = vector.shape_cast %reduce_sum3A_53 : vector<256xf32> to vector<1x256xf32>
    %add3A_56 = vector.broadcast %broadcast_in_dim3A_54 : vector<256x1xf32> to vector<256x256xf32>
    %add3A_57 = vector.broadcast %broadcast_in_dim3A_55 : vector<1x256xf32> to vector<256x256xf32>
    %add3A_58 = arith.addf %add3A_56, %add3A_57 : vector<256x256xf32>
    %mul3A_59 = arith.constant 2.000000e+00 : f32
    %mul3A_60 = vector.broadcast %mul3A_59 : f32 to vector<256x256xf32>
    %mul3A_61 = arith.mulf %mul3A_60, %dot_general3A_50 : vector<256x256xf32>
    %sub3A_62 = arith.subf %add3A_58, %mul3A_61 : vector<256x256xf32>
    %iota3A_63 = tpu.iota {dimensions = array<i32: 0>} : vector<256x256xi32>
    %iota3A_64 = tpu.iota {dimensions = array<i32: 1>} : vector<256x256xi32>
    %eq3A_65 = arith.cmpi eq, %iota3A_63, %iota3A_64 : vector<256x256xi32>
    %jit3A_66 = arith.constant 1.000000e+06 : f32
    %broadcast_in_dim3A_67 = vector.broadcast %jit3A_66 : f32 to vector<256x256xf32>
    %select_n3A_68 = arith.select %eq3A_65, %broadcast_in_dim3A_67, %sub3A_62 : vector<256x256xi1>, vector<256x256xf32>
    %swap3A_69 = arith.constant 512 : index
    %swap3A_70 = arith.constant 0 : index
    %swap3A_71 = vector.load %arg1[%swap3A_69, %swap3A_70] : memref<1024x256xf32, #tpu.memory_space<vmem>>, vector<256x256xf32>
    tpu.vector_store %arg1[%swap3A_69, %swap3A_70], %select_n3A_68 {strides = array<i32>} : memref<1024x256xf32, #tpu.memory_space<vmem>>, vector<256x256xf32>,
    %get3A_72 = arith.constant 3 : index
    %get3A_73 = arith.constant 0 : index
    %get3A_74 = arith.constant 0 : index
    %get3A_75 = vector.load %arg0[%get3A_72, %get3A_73, %get3A_74] : memref<4x256x128xf32, #tpu.memory_space<vmem>>, vector<1x256x128xf32>
    %get3A_76 = vector.shape_cast %get3A_75 : vector<1x256x128xf32> to vector<256x128xf32>
    %dot_general3A_77 = arith.constant dense<0.000000e+00> : vector<256x256xf32>
    %dot_general3A_78 = tpu.matmul %get3A_76, %get3A_76, %dot_general3A_77 {dimension_numbers = #tpu.dot_dimension_numbers<[1], [1], [0], [0], [0, 0, 1, 0], [], []>, precision = #tpu.contract_precision<fp32>, transpose_lhs_hint = false} : vector<256x128xf32>, vector<256x128xf32>, vector<256x256xf32> -> vector<256x256xf32>
    %mul3A_79 = arith.mulf %get3A_76, %get3A_76 : vector<256x128xf32>
    %reduce_sum3A_80 = arith.constant dense<0.000000e+00> : vector<256xf32>
    %reduce_sum3A_81 = vector.multi_reduction <add>, %mul3A_79, %reduce_sum3A_80 [1] : vector<256x128xf32> to vector<256xf32>
    %broadcast_in_dim3A_82 = vector.shape_cast %reduce_sum3A_81 : vector<256xf32> to vector<256x1xf32>
    %broadcast_in_dim3A_83 = vector.shape_cast %reduce_sum3A_81 : vector<256xf32> to vector<1x256xf32>
    %add3A_84 = vector.broadcast %broadcast_in_dim3A_82 : vector<256x1xf32> to vector<256x256xf32>
    %add3A_85 = vector.broadcast %broadcast_in_dim3A_83 : vector<1x256xf32> to vector<256x256xf32>
    %add3A_86 = arith.addf %add3A_84, %add3A_85 : vector<256x256xf32>
    %mul3A_87 = arith.constant 2.000000e+00 : f32
    %mul3A_88 = vector.broadcast %mul3A_87 : f32 to vector<256x256xf32>
    %mul3A_89 = arith.mulf %mul3A_88, %dot_general3A_78 : vector<256x256xf32>
    %sub3A_90 = arith.subf %add3A_86, %mul3A_89 : vector<256x256xf32>
    %iota3A_91 = tpu.iota {dimensions = array<i32: 0>} : vector<256x256xi32>
    %iota3A_92 = tpu.iota {dimensions = array<i32: 1>} : vector<256x256xi32>
    %eq3A_93 = arith.cmpi eq, %iota3A_91, %iota3A_92 : vector<256x256xi32>
    %jit3A_94 = arith.constant 1.000000e+06 : f32
    %broadcast_in_dim3A_95 = vector.broadcast %jit3A_94 : f32 to vector<256x256xf32>
    %select_n3A_96 = arith.select %eq3A_93, %broadcast_in_dim3A_95, %sub3A_90 : vector<256x256xi1>, vector<256x256xf32>
    %swap3A_97 = arith.constant 768 : index
    %swap3A_98 = arith.constant 0 : index
    %swap3A_99 = vector.load %arg1[%swap3A_97, %swap3A_98] : memref<1024x256xf32, #tpu.memory_space<vmem>>, vector<256x256xf32>
    tpu.vector_store %arg1[%swap3A_97, %swap3A_98], %select_n3A_96 {strides = array<i32>} : memref<1024x256xf32, #tpu.memory_space<vmem>>, vector<256x256xf32>,
    return
  }
}

module attributes {stable_mosaic.version = 14 : i64} {
  func.func @_gat_body(%arg0: memref<1024x256xf32, #tpu.memory_space<vmem>>, %arg1: memref<1024x128xf32, #tpu.memory_space<vmem>>, %arg2: memref<128x128xf32, #tpu.memory_space<vmem>>, %arg3: memref<1x128xf32, #tpu.memory_space<vmem>>, %arg4: memref<128x128xf32, #tpu.memory_space<vmem>>, %arg5: memref<128x1xf32, #tpu.memory_space<vmem>>, %arg6: memref<1x128xf32, #tpu.memory_space<vmem>>, %arg7: memref<1x128xf32, #tpu.memory_space<vmem>>, %arg8: memref<1x128xf32, #tpu.memory_space<vmem>>, %arg9: memref<128x128xf32, #tpu.memory_space<vmem>>, %arg10: memref<128x1xf32, #tpu.memory_space<vmem>>, %arg11: memref<1x128xf32, #tpu.memory_space<vmem>>, %arg12: memref<1x128xf32, #tpu.memory_space<vmem>>, %arg13: memref<1x128xf32, #tpu.memory_space<vmem>>, %arg14: memref<4x256x128xf32, #tpu.memory_space<vmem>>) attributes {dimension_semantics = [], scalar_prefetch = 0 : i64, scratch_operands = 0 : i64, tpu.core_type = #tpu.core_type<tc>} {
    %iota3A = tpu.iota {dimensions = array<i32: 0>} : vector<256x256xi32>
    %iota3A_0 = tpu.iota {dimensions = array<i32: 1>} : vector<256x256xi32>
    %eq3A = arith.cmpi eq, %iota3A, %iota3A_0 : vector<256x256xi32>
    %jit3A = arith.constant 1.000000e+00 : f32
    %jit3A_1 = arith.constant 0.000000e+00 : f32
    %broadcast_in_dim3A = vector.broadcast %jit3A : f32 to vector<256x256xf32>
    %broadcast_in_dim3A_2 = vector.broadcast %jit3A_1 : f32 to vector<256x256xf32>
    %select_n3A = arith.select %eq3A, %broadcast_in_dim3A, %broadcast_in_dim3A_2 : vector<256x256xi1>, vector<256x256xf32>
    %broadcast_in_dim3A_3 = arith.constant 1.000000e+00 : f32
    %broadcast_in_dim3A_4 = vector.broadcast %broadcast_in_dim3A_3 : f32 to vector<128x1xf32>
    %get3A = arith.constant 0 : index
    %get3A_5 = arith.constant 0 : index
    %get3A_6 = vector.load %arg0[%get3A, %get3A_5] : memref<1024x256xf32, #tpu.memory_space<vmem>>, vector<256x256xf32>
    %get3A_7 = arith.constant 0 : index
    %get3A_8 = arith.constant 0 : index
    %get3A_9 = vector.load %arg0[%get3A_7, %get3A_8] : memref<1024x256xf32, #tpu.memory_space<vmem>>, vector<256x256xf32>
    %dot_general3A = arith.constant dense<0.000000e+00> : vector<256x256xf32>
    %dot_general3A_10 = tpu.matmul %get3A_9, %select_n3A, %dot_general3A {dimension_numbers = #tpu.dot_dimension_numbers<[0], [0], [1], [1], [0, 1, 1, 1], [], []>, transpose_lhs_hint = false} : vector<256x256xf32>, vector<256x256xf32>, vector<256x256xf32> -> vector<256x256xf32>
    %add3A = arith.addf %get3A_6, %dot_general3A_10 : vector<256x256xf32>
    %get3A_11 = arith.constant 256 : index
    %get3A_12 = arith.constant 0 : index
    %get3A_13 = vector.load %arg0[%get3A_11, %get3A_12] : memref<1024x256xf32, #tpu.memory_space<vmem>>, vector<256x256xf32>
    %get3A_14 = arith.constant 256 : index
    %get3A_15 = arith.constant 0 : index
    %get3A_16 = vector.load %arg0[%get3A_14, %get3A_15] : memref<1024x256xf32, #tpu.memory_space<vmem>>, vector<256x256xf32>
    %dot_general3A_17 = arith.constant dense<0.000000e+00> : vector<256x256xf32>
    %dot_general3A_18 = tpu.matmul %get3A_16, %select_n3A, %dot_general3A_17 {dimension_numbers = #tpu.dot_dimension_numbers<[0], [0], [1], [1], [0, 1, 1, 1], [], []>, transpose_lhs_hint = false} : vector<256x256xf32>, vector<256x256xf32>, vector<256x256xf32> -> vector<256x256xf32>
    %add3A_19 = arith.addf %get3A_13, %dot_general3A_18 : vector<256x256xf32>
    %get3A_20 = arith.constant 512 : index
    %get3A_21 = arith.constant 0 : index
    %get3A_22 = vector.load %arg0[%get3A_20, %get3A_21] : memref<1024x256xf32, #tpu.memory_space<vmem>>, vector<256x256xf32>
    %get3A_23 = arith.constant 512 : index
    %get3A_24 = arith.constant 0 : index
    %get3A_25 = vector.load %arg0[%get3A_23, %get3A_24] : memref<1024x256xf32, #tpu.memory_space<vmem>>, vector<256x256xf32>
    %dot_general3A_26 = arith.constant dense<0.000000e+00> : vector<256x256xf32>
    %dot_general3A_27 = tpu.matmul %get3A_25, %select_n3A, %dot_general3A_26 {dimension_numbers = #tpu.dot_dimension_numbers<[0], [0], [1], [1], [0, 1, 1, 1], [], []>, transpose_lhs_hint = false} : vector<256x256xf32>, vector<256x256xf32>, vector<256x256xf32> -> vector<256x256xf32>
    %add3A_28 = arith.addf %get3A_22, %dot_general3A_27 : vector<256x256xf32>
    %get3A_29 = arith.constant 768 : index
    %get3A_30 = arith.constant 0 : index
    %get3A_31 = vector.load %arg0[%get3A_29, %get3A_30] : memref<1024x256xf32, #tpu.memory_space<vmem>>, vector<256x256xf32>
    %get3A_32 = arith.constant 768 : index
    %get3A_33 = arith.constant 0 : index
    %get3A_34 = vector.load %arg0[%get3A_32, %get3A_33] : memref<1024x256xf32, #tpu.memory_space<vmem>>, vector<256x256xf32>
    %dot_general3A_35 = arith.constant dense<0.000000e+00> : vector<256x256xf32>
    %dot_general3A_36 = tpu.matmul %get3A_34, %select_n3A, %dot_general3A_35 {dimension_numbers = #tpu.dot_dimension_numbers<[0], [0], [1], [1], [0, 1, 1, 1], [], []>, transpose_lhs_hint = false} : vector<256x256xf32>, vector<256x256xf32>, vector<256x256xf32> -> vector<256x256xf32>
    %add3A_37 = arith.addf %get3A_31, %dot_general3A_36 : vector<256x256xf32>
    %stack3A = vector.shape_cast %add3A : vector<256x256xf32> to vector<1x256x256xf32>
    %stack3A_38 = vector.shape_cast %add3A_19 : vector<256x256xf32> to vector<1x256x256xf32>
    %stack3A_39 = vector.shape_cast %add3A_28 : vector<256x256xf32> to vector<1x256x256xf32>
    %stack3A_40 = vector.shape_cast %add3A_37 : vector<256x256xf32> to vector<1x256x256xf32>
    %stack3A_41 = tpu.concatenate %stack3A, %stack3A_38, %stack3A_39, %stack3A_40 in 0 : vector<1x256x256xf32>, vector<1x256x256xf32>, vector<1x256x256xf32>, vector<1x256x256xf32> -> vector<4x256x256xf32>
    %gt3A = arith.constant 0.000000e+00 : f32
    %gt3A_42 = vector.broadcast %gt3A : f32 to vector<4x256x256xf32>
    %gt3A_43 = arith.cmpf ogt, %stack3A_41, %gt3A_42 : vector<4x256x256xf32>
    %jit3A_44 = arith.constant 0.000000e+00 : f32
    %jit3A_45 = arith.constant -9.000000e+15 : f32
    %broadcast_in_dim3A_46 = vector.broadcast %jit3A_44 : f32 to vector<4x256x256xf32>
    %broadcast_in_dim3A_47 = vector.broadcast %jit3A_45 : f32 to vector<4x256x256xf32>
    %select_n3A_48 = arith.select %gt3A_43, %broadcast_in_dim3A_46, %broadcast_in_dim3A_47 : vector<4x256x256xi1>, vector<4x256x256xf32>
    %get3A_49 = arith.constant 0 : index
    %get3A_50 = arith.constant 0 : index
    %get3A_51 = vector.load %arg1[%get3A_49, %get3A_50] : memref<1024x128xf32, #tpu.memory_space<vmem>>, vector<1024x128xf32>
    %get3A_52 = arith.constant 0 : index
    %get3A_53 = arith.constant 0 : index
    %get3A_54 = vector.load %arg2[%get3A_52, %get3A_53] : memref<128x128xf32, #tpu.memory_space<vmem>>, vector<128x128xf32>
    %dot_general3A_55 = arith.constant dense<0.000000e+00> : vector<1024x128xf32>
    %dot_general3A_56 = tpu.matmul %get3A_51, %get3A_54, %dot_general3A_55 {dimension_numbers = #tpu.dot_dimension_numbers<[1], [1], [0], [0], [0, 0, 1, 0], [], []>, transpose_lhs_hint = false} : vector<1024x128xf32>, vector<128x128xf32>, vector<1024x128xf32> -> vector<1024x128xf32>
    %get3A_57 = arith.constant 0 : index
    %get3A_58 = arith.constant 0 : index
    %get3A_59 = vector.load %arg3[%get3A_57, %get3A_58] : memref<1x128xf32, #tpu.memory_space<vmem>>, vector<1x128xf32>
    %add3A_60 = vector.broadcast %get3A_59 : vector<1x128xf32> to vector<1024x128xf32>
    %add3A_61 = arith.addf %dot_general3A_56, %add3A_60 : vector<1024x128xf32>
    %get3A_62 = arith.constant 0 : index
    %get3A_63 = arith.constant 0 : index
    %get3A_64 = vector.load %arg4[%get3A_62, %get3A_63] : memref<128x128xf32, #tpu.memory_space<vmem>>, vector<128x128xf32>
    %get3A_65 = arith.constant 0 : index
    %get3A_66 = arith.constant 0 : index
    %get3A_67 = vector.load %arg5[%get3A_65, %get3A_66] : memref<128x1xf32, #tpu.memory_space<vmem>>, vector<128x1xf32>
    %get3A_68 = arith.constant 0 : index
    %get3A_69 = arith.constant 0 : index
    %get3A_70 = vector.load %arg6[%get3A_68, %get3A_69] : memref<1x128xf32, #tpu.memory_space<vmem>>, vector<1x128xf32>
    %get3A_71 = arith.constant 0 : index
    %get3A_72 = arith.constant 0 : index
    %get3A_73 = vector.load %arg7[%get3A_71, %get3A_72] : memref<1x128xf32, #tpu.memory_space<vmem>>, vector<1x128xf32>
    %get3A_74 = arith.constant 0 : index
    %get3A_75 = arith.constant 0 : index
    %get3A_76 = vector.load %arg8[%get3A_74, %get3A_75] : memref<1x128xf32, #tpu.memory_space<vmem>>, vector<1x128xf32>
    %dot_general3A_77 = arith.constant dense<0.000000e+00> : vector<1024x128xf32>
    %dot_general3A_78 = tpu.matmul %add3A_61, %get3A_64, %dot_general3A_77 {dimension_numbers = #tpu.dot_dimension_numbers<[1], [1], [0], [0], [0, 0, 1, 0], [], []>, transpose_lhs_hint = false} : vector<1024x128xf32>, vector<128x128xf32>, vector<1024x128xf32> -> vector<1024x128xf32>
    %dot_general3A_79 = arith.constant dense<0.000000e+00> : vector<1024x1xf32>
    %dot_general3A_80 = tpu.matmul %dot_general3A_78, %get3A_67, %dot_general3A_79 {dimension_numbers = #tpu.dot_dimension_numbers<[1], [0], [0], [1], [0, 0, 1, 1], [], []>, transpose_lhs_hint = false} : vector<1024x128xf32>, vector<128x1xf32>, vector<1024x1xf32> -> vector<1024x1xf32>
    %slice3A = vector.extract_strided_slice %dot_general3A_78 {offsets = [0, 0], sizes = [256, 128], strides = [1, 1]} : vector<1024x128xf32> to vector<256x128xf32>
    %dot_general3A_81 = arith.constant dense<0.000000e+00> : vector<1x256xf32>
    %dot_general3A_82 = tpu.matmul %get3A_70, %slice3A, %dot_general3A_81 {dimension_numbers = #tpu.dot_dimension_numbers<[1], [1], [0], [0], [0, 0, 1, 0], [], []>, transpose_lhs_hint = false} : vector<1x128xf32>, vector<256x128xf32>, vector<1x256xf32> -> vector<1x256xf32>
    %slice3A_83 = vector.extract_strided_slice %dot_general3A_78 {offsets = [256, 0], sizes = [256, 128], strides = [1, 1]} : vector<1024x128xf32> to vector<256x128xf32>
    %dot_general3A_84 = arith.constant dense<0.000000e+00> : vector<1x256xf32>
    %dot_general3A_85 = tpu.matmul %get3A_70, %slice3A_83, %dot_general3A_84 {dimension_numbers = #tpu.dot_dimension_numbers<[1], [1], [0], [0], [0, 0, 1, 0], [], []>, transpose_lhs_hint = false} : vector<1x128xf32>, vector<256x128xf32>, vector<1x256xf32> -> vector<1x256xf32>
    %slice3A_86 = vector.extract_strided_slice %dot_general3A_78 {offsets = [512, 0], sizes = [256, 128], strides = [1, 1]} : vector<1024x128xf32> to vector<256x128xf32>
    %dot_general3A_87 = arith.constant dense<0.000000e+00> : vector<1x256xf32>
    %dot_general3A_88 = tpu.matmul %get3A_70, %slice3A_86, %dot_general3A_87 {dimension_numbers = #tpu.dot_dimension_numbers<[1], [1], [0], [0], [0, 0, 1, 0], [], []>, transpose_lhs_hint = false} : vector<1x128xf32>, vector<256x128xf32>, vector<1x256xf32> -> vector<1x256xf32>
    %slice3A_89 = vector.extract_strided_slice %dot_general3A_78 {offsets = [768, 0], sizes = [256, 128], strides = [1, 1]} : vector<1024x128xf32> to vector<256x128xf32>
    %dot_general3A_90 = arith.constant dense<0.000000e+00> : vector<1x256xf32>
    %dot_general3A_91 = tpu.matmul %get3A_70, %slice3A_89, %dot_general3A_90 {dimension_numbers = #tpu.dot_dimension_numbers<[1], [1], [0], [0], [0, 0, 1, 0], [], []>, transpose_lhs_hint = false} : vector<1x128xf32>, vector<256x128xf32>, vector<1x256xf32> -> vector<1x256xf32>
    %stack3A_92 = vector.shape_cast %dot_general3A_82 : vector<1x256xf32> to vector<1x1x256xf32>
    %stack3A_93 = vector.shape_cast %dot_general3A_85 : vector<1x256xf32> to vector<1x1x256xf32>
    %stack3A_94 = vector.shape_cast %dot_general3A_88 : vector<1x256xf32> to vector<1x1x256xf32>
    %stack3A_95 = vector.shape_cast %dot_general3A_91 : vector<1x256xf32> to vector<1x1x256xf32>
    %stack3A_96 = tpu.concatenate %stack3A_92, %stack3A_93, %stack3A_94, %stack3A_95 in 0 : vector<1x1x256xf32>, vector<1x1x256xf32>, vector<1x1x256xf32>, vector<1x1x256xf32> -> vector<4x1x256xf32>
    %reshape3A = vector.shape_cast %dot_general3A_80 : vector<1024x1xf32> to vector<4x256x1xf32>
    %add3A_97 = vector.broadcast %reshape3A : vector<4x256x1xf32> to vector<4x256x256xf32>
    %add3A_98 = vector.broadcast %stack3A_96 : vector<4x1x256xf32> to vector<4x256x256xf32>
    %add3A_99 = arith.addf %add3A_97, %add3A_98 : vector<4x256x256xf32>
    %ge3A = arith.constant 0.000000e+00 : f32
    %ge3A_100 = vector.broadcast %ge3A : f32 to vector<4x256x256xf32>
    %ge3A_101 = arith.cmpf oge, %add3A_99, %ge3A_100 : vector<4x256x256xf32>
    %mul3A = arith.constant 2.000000e-01 : f32
    %mul3A_102 = vector.broadcast %mul3A : f32 to vector<4x256x256xf32>
    %mul3A_103 = arith.mulf %mul3A_102, %add3A_99 : vector<4x256x256xf32>
    %select_n3A_104 = arith.select %ge3A_101, %add3A_99, %mul3A_103 : vector<4x256x256xi1>, vector<4x256x256xf32>
    %add3A_105 = arith.addf %select_n3A_104, %select_n3A_48 : vector<4x256x256xf32>
    %reduce_max3A = arith.constant dense<0xFF800000> : vector<4x256xf32>
    %reduce_max3A_106 = vector.multi_reduction <maximumf>, %add3A_105, %reduce_max3A [2] : vector<4x256x256xf32> to vector<4x256xf32>
    %broadcast_in_dim3A_107 = vector.shape_cast %reduce_max3A_106 : vector<4x256xf32> to vector<4x256x1xf32>
    %sub3A = vector.broadcast %broadcast_in_dim3A_107 : vector<4x256x1xf32> to vector<4x256x256xf32>
    %sub3A_108 = arith.subf %add3A_105, %sub3A : vector<4x256x256xf32>
    %exp3A = math.exp %sub3A_108 : vector<4x256x256xf32>
    %reduce_sum3A = arith.constant dense<0.000000e+00> : vector<4x256xf32>
    %reduce_sum3A_109 = vector.multi_reduction <add>, %exp3A, %reduce_sum3A [2] : vector<4x256x256xf32> to vector<4x256xf32>
    %broadcast_in_dim3A_110 = vector.shape_cast %reduce_sum3A_109 : vector<4x256xf32> to vector<4x256x1xf32>
    %div3A = vector.broadcast %broadcast_in_dim3A_110 : vector<4x256x1xf32> to vector<4x256x256xf32>
    %div3A_111 = arith.divf %exp3A, %div3A : vector<4x256x256xf32>
    %slice3A_112 = vector.extract_strided_slice %div3A_111 {offsets = [0, 0, 0], sizes = [1, 256, 256], strides = [1, 1, 1]} : vector<4x256x256xf32> to vector<1x256x256xf32>
    %squeeze3A = vector.shape_cast %slice3A_112 : vector<1x256x256xf32> to vector<256x256xf32>
    %slice3A_113 = vector.extract_strided_slice %dot_general3A_78 {offsets = [0, 0], sizes = [256, 128], strides = [1, 1]} : vector<1024x128xf32> to vector<256x128xf32>
    %dot_general3A_114 = arith.constant dense<0.000000e+00> : vector<256x128xf32>
    %dot_general3A_115 = tpu.matmul %squeeze3A, %slice3A_113, %dot_general3A_114 {dimension_numbers = #tpu.dot_dimension_numbers<[1], [0], [0], [1], [0, 0, 1, 1], [], []>, transpose_lhs_hint = false} : vector<256x256xf32>, vector<256x128xf32>, vector<256x128xf32> -> vector<256x128xf32>
    %slice3A_116 = vector.extract_strided_slice %div3A_111 {offsets = [1, 0, 0], sizes = [1, 256, 256], strides = [1, 1, 1]} : vector<4x256x256xf32> to vector<1x256x256xf32>
    %squeeze3A_117 = vector.shape_cast %slice3A_116 : vector<1x256x256xf32> to vector<256x256xf32>
    %slice3A_118 = vector.extract_strided_slice %dot_general3A_78 {offsets = [256, 0], sizes = [256, 128], strides = [1, 1]} : vector<1024x128xf32> to vector<256x128xf32>
    %dot_general3A_119 = arith.constant dense<0.000000e+00> : vector<256x128xf32>
    %dot_general3A_120 = tpu.matmul %squeeze3A_117, %slice3A_118, %dot_general3A_119 {dimension_numbers = #tpu.dot_dimension_numbers<[1], [0], [0], [1], [0, 0, 1, 1], [], []>, transpose_lhs_hint = false} : vector<256x256xf32>, vector<256x128xf32>, vector<256x128xf32> -> vector<256x128xf32>
    %slice3A_121 = vector.extract_strided_slice %div3A_111 {offsets = [2, 0, 0], sizes = [1, 256, 256], strides = [1, 1, 1]} : vector<4x256x256xf32> to vector<1x256x256xf32>
    %squeeze3A_122 = vector.shape_cast %slice3A_121 : vector<1x256x256xf32> to vector<256x256xf32>
    %slice3A_123 = vector.extract_strided_slice %dot_general3A_78 {offsets = [512, 0], sizes = [256, 128], strides = [1, 1]} : vector<1024x128xf32> to vector<256x128xf32>
    %dot_general3A_124 = arith.constant dense<0.000000e+00> : vector<256x128xf32>
    %dot_general3A_125 = tpu.matmul %squeeze3A_122, %slice3A_123, %dot_general3A_124 {dimension_numbers = #tpu.dot_dimension_numbers<[1], [0], [0], [1], [0, 0, 1, 1], [], []>, transpose_lhs_hint = false} : vector<256x256xf32>, vector<256x128xf32>, vector<256x128xf32> -> vector<256x128xf32>
    %slice3A_126 = vector.extract_strided_slice %div3A_111 {offsets = [3, 0, 0], sizes = [1, 256, 256], strides = [1, 1, 1]} : vector<4x256x256xf32> to vector<1x256x256xf32>
    %squeeze3A_127 = vector.shape_cast %slice3A_126 : vector<1x256x256xf32> to vector<256x256xf32>
    %slice3A_128 = vector.extract_strided_slice %dot_general3A_78 {offsets = [768, 0], sizes = [256, 128], strides = [1, 1]} : vector<1024x128xf32> to vector<256x128xf32>
    %dot_general3A_129 = arith.constant dense<0.000000e+00> : vector<256x128xf32>
    %dot_general3A_130 = tpu.matmul %squeeze3A_127, %slice3A_128, %dot_general3A_129 {dimension_numbers = #tpu.dot_dimension_numbers<[1], [0], [0], [1], [0, 0, 1, 1], [], []>, transpose_lhs_hint = false} : vector<256x256xf32>, vector<256x128xf32>, vector<256x128xf32> -> vector<256x128xf32>
    %concatenate3A = tpu.concatenate %dot_general3A_115, %dot_general3A_120, %dot_general3A_125, %dot_general3A_130 in 0 : vector<256x128xf32>, vector<256x128xf32>, vector<256x128xf32>, vector<256x128xf32> -> vector<1024x128xf32>
    %dot_general3A_131 = arith.constant dense<0.000000e+00> : vector<1024x1xf32>
    %dot_general3A_132 = tpu.matmul %concatenate3A, %broadcast_in_dim3A_4, %dot_general3A_131 {dimension_numbers = #tpu.dot_dimension_numbers<[1], [0], [0], [1], [0, 0, 1, 1], [], []>, transpose_lhs_hint = false} : vector<1024x128xf32>, vector<128x1xf32>, vector<1024x1xf32> -> vector<1024x1xf32>
    %mul3A_133 = arith.constant 7.812500e-03 : f32
    %mul3A_134 = vector.broadcast %mul3A_133 : f32 to vector<1024x1xf32>
    %mul3A_135 = arith.mulf %dot_general3A_132, %mul3A_134 : vector<1024x1xf32>
    %sub3A_136 = vector.broadcast %mul3A_135 : vector<1024x1xf32> to vector<1024x128xf32>
    %sub3A_137 = arith.subf %concatenate3A, %sub3A_136 : vector<1024x128xf32>
    %mul3A_138 = arith.mulf %sub3A_137, %sub3A_137 : vector<1024x128xf32>
    %dot_general3A_139 = arith.constant dense<0.000000e+00> : vector<1024x1xf32>
    %dot_general3A_140 = tpu.matmul %mul3A_138, %broadcast_in_dim3A_4, %dot_general3A_139 {dimension_numbers = #tpu.dot_dimension_numbers<[1], [0], [0], [1], [0, 0, 1, 1], [], []>, transpose_lhs_hint = false} : vector<1024x128xf32>, vector<128x1xf32>, vector<1024x1xf32> -> vector<1024x1xf32>
    %mul3A_141 = arith.constant 7.812500e-03 : f32
    %mul3A_142 = vector.broadcast %mul3A_141 : f32 to vector<1024x1xf32>
    %mul3A_143 = arith.mulf %dot_general3A_140, %mul3A_142 : vector<1024x1xf32>
    %add3A_144 = arith.constant 9.99999974E-6 : f32
    %add3A_145 = vector.broadcast %add3A_144 : f32 to vector<1024x1xf32>
    %add3A_146 = arith.addf %mul3A_143, %add3A_145 : vector<1024x1xf32>
    %sqrt3A = math.sqrt %add3A_146 : vector<1024x1xf32>
    %div3A_147 = vector.broadcast %sqrt3A : vector<1024x1xf32> to vector<1024x128xf32>
    %div3A_148 = arith.divf %sub3A_137, %div3A_147 : vector<1024x128xf32>
    %mul3A_149 = vector.broadcast %get3A_73 : vector<1x128xf32> to vector<1024x128xf32>
    %mul3A_150 = arith.mulf %div3A_148, %mul3A_149 : vector<1024x128xf32>
    %add3A_151 = vector.broadcast %get3A_76 : vector<1x128xf32> to vector<1024x128xf32>
    %add3A_152 = arith.addf %mul3A_150, %add3A_151 : vector<1024x128xf32>
    %max3A = arith.constant 0.000000e+00 : f32
    %max3A_153 = vector.broadcast %max3A : f32 to vector<1024x128xf32>
    %max3A_154 = arith.maximumf %add3A_152, %max3A_153 : vector<1024x128xf32>
    %add3A_155 = arith.addf %add3A_61, %max3A_154 : vector<1024x128xf32>
    %get3A_156 = arith.constant 0 : index
    %get3A_157 = arith.constant 0 : index
    %get3A_158 = vector.load %arg9[%get3A_156, %get3A_157] : memref<128x128xf32, #tpu.memory_space<vmem>>, vector<128x128xf32>
    %get3A_159 = arith.constant 0 : index
    %get3A_160 = arith.constant 0 : index
    %get3A_161 = vector.load %arg10[%get3A_159, %get3A_160] : memref<128x1xf32, #tpu.memory_space<vmem>>, vector<128x1xf32>
    %get3A_162 = arith.constant 0 : index
    %get3A_163 = arith.constant 0 : index
    %get3A_164 = vector.load %arg11[%get3A_162, %get3A_163] : memref<1x128xf32, #tpu.memory_space<vmem>>, vector<1x128xf32>
    %get3A_165 = arith.constant 0 : index
    %get3A_166 = arith.constant 0 : index
    %get3A_167 = vector.load %arg12[%get3A_165, %get3A_166] : memref<1x128xf32, #tpu.memory_space<vmem>>, vector<1x128xf32>
    %get3A_168 = arith.constant 0 : index
    %get3A_169 = arith.constant 0 : index
    %get3A_170 = vector.load %arg13[%get3A_168, %get3A_169] : memref<1x128xf32, #tpu.memory_space<vmem>>, vector<1x128xf32>
    %dot_general3A_171 = arith.constant dense<0.000000e+00> : vector<1024x128xf32>
    %dot_general3A_172 = tpu.matmul %add3A_155, %get3A_158, %dot_general3A_171 {dimension_numbers = #tpu.dot_dimension_numbers<[1], [1], [0], [0], [0, 0, 1, 0], [], []>, transpose_lhs_hint = false} : vector<1024x128xf32>, vector<128x128xf32>, vector<1024x128xf32> -> vector<1024x128xf32>
    %dot_general3A_173 = arith.constant dense<0.000000e+00> : vector<1024x1xf32>
    %dot_general3A_174 = tpu.matmul %dot_general3A_172, %get3A_161, %dot_general3A_173 {dimension_numbers = #tpu.dot_dimension_numbers<[1], [0], [0], [1], [0, 0, 1, 1], [], []>, transpose_lhs_hint = false} : vector<1024x128xf32>, vector<128x1xf32>, vector<1024x1xf32> -> vector<1024x1xf32>
    %slice3A_175 = vector.extract_strided_slice %dot_general3A_172 {offsets = [0, 0], sizes = [256, 128], strides = [1, 1]} : vector<1024x128xf32> to vector<256x128xf32>
    %dot_general3A_176 = arith.constant dense<0.000000e+00> : vector<1x256xf32>
    %dot_general3A_177 = tpu.matmul %get3A_164, %slice3A_175, %dot_general3A_176 {dimension_numbers = #tpu.dot_dimension_numbers<[1], [1], [0], [0], [0, 0, 1, 0], [], []>, transpose_lhs_hint = false} : vector<1x128xf32>, vector<256x128xf32>, vector<1x256xf32> -> vector<1x256xf32>
    %slice3A_178 = vector.extract_strided_slice %dot_general3A_172 {offsets = [256, 0], sizes = [256, 128], strides = [1, 1]} : vector<1024x128xf32> to vector<256x128xf32>
    %dot_general3A_179 = arith.constant dense<0.000000e+00> : vector<1x256xf32>
    %dot_general3A_180 = tpu.matmul %get3A_164, %slice3A_178, %dot_general3A_179 {dimension_numbers = #tpu.dot_dimension_numbers<[1], [1], [0], [0], [0, 0, 1, 0], [], []>, transpose_lhs_hint = false} : vector<1x128xf32>, vector<256x128xf32>, vector<1x256xf32> -> vector<1x256xf32>
    %slice3A_181 = vector.extract_strided_slice %dot_general3A_172 {offsets = [512, 0], sizes = [256, 128], strides = [1, 1]} : vector<1024x128xf32> to vector<256x128xf32>
    %dot_general3A_182 = arith.constant dense<0.000000e+00> : vector<1x256xf32>
    %dot_general3A_183 = tpu.matmul %get3A_164, %slice3A_181, %dot_general3A_182 {dimension_numbers = #tpu.dot_dimension_numbers<[1], [1], [0], [0], [0, 0, 1, 0], [], []>, transpose_lhs_hint = false} : vector<1x128xf32>, vector<256x128xf32>, vector<1x256xf32> -> vector<1x256xf32>
    %slice3A_184 = vector.extract_strided_slice %dot_general3A_172 {offsets = [768, 0], sizes = [256, 128], strides = [1, 1]} : vector<1024x128xf32> to vector<256x128xf32>
    %dot_general3A_185 = arith.constant dense<0.000000e+00> : vector<1x256xf32>
    %dot_general3A_186 = tpu.matmul %get3A_164, %slice3A_184, %dot_general3A_185 {dimension_numbers = #tpu.dot_dimension_numbers<[1], [1], [0], [0], [0, 0, 1, 0], [], []>, transpose_lhs_hint = false} : vector<1x128xf32>, vector<256x128xf32>, vector<1x256xf32> -> vector<1x256xf32>
    %stack3A_187 = vector.shape_cast %dot_general3A_177 : vector<1x256xf32> to vector<1x1x256xf32>
    %stack3A_188 = vector.shape_cast %dot_general3A_180 : vector<1x256xf32> to vector<1x1x256xf32>
    %stack3A_189 = vector.shape_cast %dot_general3A_183 : vector<1x256xf32> to vector<1x1x256xf32>
    %stack3A_190 = vector.shape_cast %dot_general3A_186 : vector<1x256xf32> to vector<1x1x256xf32>
    %stack3A_191 = tpu.concatenate %stack3A_187, %stack3A_188, %stack3A_189, %stack3A_190 in 0 : vector<1x1x256xf32>, vector<1x1x256xf32>, vector<1x1x256xf32>, vector<1x1x256xf32> -> vector<4x1x256xf32>
    %reshape3A_192 = vector.shape_cast %dot_general3A_174 : vector<1024x1xf32> to vector<4x256x1xf32>
    %add3A_193 = vector.broadcast %reshape3A_192 : vector<4x256x1xf32> to vector<4x256x256xf32>
    %add3A_194 = vector.broadcast %stack3A_191 : vector<4x1x256xf32> to vector<4x256x256xf32>
    %add3A_195 = arith.addf %add3A_193, %add3A_194 : vector<4x256x256xf32>
    %ge3A_196 = arith.constant 0.000000e+00 : f32
    %ge3A_197 = vector.broadcast %ge3A_196 : f32 to vector<4x256x256xf32>
    %ge3A_198 = arith.cmpf oge, %add3A_195, %ge3A_197 : vector<4x256x256xf32>
    %mul3A_199 = arith.constant 2.000000e-01 : f32
    %mul3A_200 = vector.broadcast %mul3A_199 : f32 to vector<4x256x256xf32>
    %mul3A_201 = arith.mulf %mul3A_200, %add3A_195 : vector<4x256x256xf32>
    %select_n3A_202 = arith.select %ge3A_198, %add3A_195, %mul3A_201 : vector<4x256x256xi1>, vector<4x256x256xf32>
    %add3A_203 = arith.addf %select_n3A_202, %select_n3A_48 : vector<4x256x256xf32>
    %reduce_max3A_204 = arith.constant dense<0xFF800000> : vector<4x256xf32>
    %reduce_max3A_205 = vector.multi_reduction <maximumf>, %add3A_203, %reduce_max3A_204 [2] : vector<4x256x256xf32> to vector<4x256xf32>
    %broadcast_in_dim3A_206 = vector.shape_cast %reduce_max3A_205 : vector<4x256xf32> to vector<4x256x1xf32>
    %sub3A_207 = vector.broadcast %broadcast_in_dim3A_206 : vector<4x256x1xf32> to vector<4x256x256xf32>
    %sub3A_208 = arith.subf %add3A_203, %sub3A_207 : vector<4x256x256xf32>
    %exp3A_209 = math.exp %sub3A_208 : vector<4x256x256xf32>
    %reduce_sum3A_210 = arith.constant dense<0.000000e+00> : vector<4x256xf32>
    %reduce_sum3A_211 = vector.multi_reduction <add>, %exp3A_209, %reduce_sum3A_210 [2] : vector<4x256x256xf32> to vector<4x256xf32>
    %broadcast_in_dim3A_212 = vector.shape_cast %reduce_sum3A_211 : vector<4x256xf32> to vector<4x256x1xf32>
    %div3A_213 = vector.broadcast %broadcast_in_dim3A_212 : vector<4x256x1xf32> to vector<4x256x256xf32>
    %div3A_214 = arith.divf %exp3A_209, %div3A_213 : vector<4x256x256xf32>
    %slice3A_215 = vector.extract_strided_slice %div3A_214 {offsets = [0, 0, 0], sizes = [1, 256, 256], strides = [1, 1, 1]} : vector<4x256x256xf32> to vector<1x256x256xf32>
    %squeeze3A_216 = vector.shape_cast %slice3A_215 : vector<1x256x256xf32> to vector<256x256xf32>
    %slice3A_217 = vector.extract_strided_slice %dot_general3A_172 {offsets = [0, 0], sizes = [256, 128], strides = [1, 1]} : vector<1024x128xf32> to vector<256x128xf32>
    %dot_general3A_218 = arith.constant dense<0.000000e+00> : vector<256x128xf32>
    %dot_general3A_219 = tpu.matmul %squeeze3A_216, %slice3A_217, %dot_general3A_218 {dimension_numbers = #tpu.dot_dimension_numbers<[1], [0], [0], [1], [0, 0, 1, 1], [], []>, transpose_lhs_hint = false} : vector<256x256xf32>, vector<256x128xf32>, vector<256x128xf32> -> vector<256x128xf32>
    %slice3A_220 = vector.extract_strided_slice %div3A_214 {offsets = [1, 0, 0], sizes = [1, 256, 256], strides = [1, 1, 1]} : vector<4x256x256xf32> to vector<1x256x256xf32>
    %squeeze3A_221 = vector.shape_cast %slice3A_220 : vector<1x256x256xf32> to vector<256x256xf32>
    %slice3A_222 = vector.extract_strided_slice %dot_general3A_172 {offsets = [256, 0], sizes = [256, 128], strides = [1, 1]} : vector<1024x128xf32> to vector<256x128xf32>
    %dot_general3A_223 = arith.constant dense<0.000000e+00> : vector<256x128xf32>
    %dot_general3A_224 = tpu.matmul %squeeze3A_221, %slice3A_222, %dot_general3A_223 {dimension_numbers = #tpu.dot_dimension_numbers<[1], [0], [0], [1], [0, 0, 1, 1], [], []>, transpose_lhs_hint = false} : vector<256x256xf32>, vector<256x128xf32>, vector<256x128xf32> -> vector<256x128xf32>
    %slice3A_225 = vector.extract_strided_slice %div3A_214 {offsets = [2, 0, 0], sizes = [1, 256, 256], strides = [1, 1, 1]} : vector<4x256x256xf32> to vector<1x256x256xf32>
    %squeeze3A_226 = vector.shape_cast %slice3A_225 : vector<1x256x256xf32> to vector<256x256xf32>
    %slice3A_227 = vector.extract_strided_slice %dot_general3A_172 {offsets = [512, 0], sizes = [256, 128], strides = [1, 1]} : vector<1024x128xf32> to vector<256x128xf32>
    %dot_general3A_228 = arith.constant dense<0.000000e+00> : vector<256x128xf32>
    %dot_general3A_229 = tpu.matmul %squeeze3A_226, %slice3A_227, %dot_general3A_228 {dimension_numbers = #tpu.dot_dimension_numbers<[1], [0], [0], [1], [0, 0, 1, 1], [], []>, transpose_lhs_hint = false} : vector<256x256xf32>, vector<256x128xf32>, vector<256x128xf32> -> vector<256x128xf32>
    %slice3A_230 = vector.extract_strided_slice %div3A_214 {offsets = [3, 0, 0], sizes = [1, 256, 256], strides = [1, 1, 1]} : vector<4x256x256xf32> to vector<1x256x256xf32>
    %squeeze3A_231 = vector.shape_cast %slice3A_230 : vector<1x256x256xf32> to vector<256x256xf32>
    %slice3A_232 = vector.extract_strided_slice %dot_general3A_172 {offsets = [768, 0], sizes = [256, 128], strides = [1, 1]} : vector<1024x128xf32> to vector<256x128xf32>
    %dot_general3A_233 = arith.constant dense<0.000000e+00> : vector<256x128xf32>
    %dot_general3A_234 = tpu.matmul %squeeze3A_231, %slice3A_232, %dot_general3A_233 {dimension_numbers = #tpu.dot_dimension_numbers<[1], [0], [0], [1], [0, 0, 1, 1], [], []>, transpose_lhs_hint = false} : vector<256x256xf32>, vector<256x128xf32>, vector<256x128xf32> -> vector<256x128xf32>
    %concatenate3A_235 = tpu.concatenate %dot_general3A_219, %dot_general3A_224, %dot_general3A_229, %dot_general3A_234 in 0 : vector<256x128xf32>, vector<256x128xf32>, vector<256x128xf32>, vector<256x128xf32> -> vector<1024x128xf32>
    %dot_general3A_236 = arith.constant dense<0.000000e+00> : vector<1024x1xf32>
    %dot_general3A_237 = tpu.matmul %concatenate3A_235, %broadcast_in_dim3A_4, %dot_general3A_236 {dimension_numbers = #tpu.dot_dimension_numbers<[1], [0], [0], [1], [0, 0, 1, 1], [], []>, transpose_lhs_hint = false} : vector<1024x128xf32>, vector<128x1xf32>, vector<1024x1xf32> -> vector<1024x1xf32>
    %mul3A_238 = arith.constant 7.812500e-03 : f32
    %mul3A_239 = vector.broadcast %mul3A_238 : f32 to vector<1024x1xf32>
    %mul3A_240 = arith.mulf %dot_general3A_237, %mul3A_239 : vector<1024x1xf32>
    %sub3A_241 = vector.broadcast %mul3A_240 : vector<1024x1xf32> to vector<1024x128xf32>
    %sub3A_242 = arith.subf %concatenate3A_235, %sub3A_241 : vector<1024x128xf32>
    %mul3A_243 = arith.mulf %sub3A_242, %sub3A_242 : vector<1024x128xf32>
    %dot_general3A_244 = arith.constant dense<0.000000e+00> : vector<1024x1xf32>
    %dot_general3A_245 = tpu.matmul %mul3A_243, %broadcast_in_dim3A_4, %dot_general3A_244 {dimension_numbers = #tpu.dot_dimension_numbers<[1], [0], [0], [1], [0, 0, 1, 1], [], []>, transpose_lhs_hint = false} : vector<1024x128xf32>, vector<128x1xf32>, vector<1024x1xf32> -> vector<1024x1xf32>
    %mul3A_246 = arith.constant 7.812500e-03 : f32
    %mul3A_247 = vector.broadcast %mul3A_246 : f32 to vector<1024x1xf32>
    %mul3A_248 = arith.mulf %dot_general3A_245, %mul3A_247 : vector<1024x1xf32>
    %add3A_249 = arith.constant 9.99999974E-6 : f32
    %add3A_250 = vector.broadcast %add3A_249 : f32 to vector<1024x1xf32>
    %add3A_251 = arith.addf %mul3A_248, %add3A_250 : vector<1024x1xf32>
    %sqrt3A_252 = math.sqrt %add3A_251 : vector<1024x1xf32>
    %div3A_253 = vector.broadcast %sqrt3A_252 : vector<1024x1xf32> to vector<1024x128xf32>
    %div3A_254 = arith.divf %sub3A_242, %div3A_253 : vector<1024x128xf32>
    %mul3A_255 = vector.broadcast %get3A_167 : vector<1x128xf32> to vector<1024x128xf32>
    %mul3A_256 = arith.mulf %div3A_254, %mul3A_255 : vector<1024x128xf32>
    %add3A_257 = vector.broadcast %get3A_170 : vector<1x128xf32> to vector<1024x128xf32>
    %add3A_258 = arith.addf %mul3A_256, %add3A_257 : vector<1024x128xf32>
    %add3A_259 = arith.addf %add3A_155, %add3A_258 : vector<1024x128xf32>
    %reshape3A_260 = vector.shape_cast %add3A_259 : vector<1024x128xf32> to vector<4x256x128xf32>
    %swap3A = arith.constant 0 : index
    %swap3A_261 = arith.constant 0 : index
    %swap3A_262 = arith.constant 0 : index
    %swap3A_263 = vector.load %arg14[%swap3A, %swap3A_261, %swap3A_262] : memref<4x256x128xf32, #tpu.memory_space<vmem>>, vector<4x256x128xf32>
    tpu.vector_store %arg14[%swap3A, %swap3A_261, %swap3A_262], %reshape3A_260 {strides = array<i32>} : memref<4x256x128xf32, #tpu.memory_space<vmem>>, vector<4x256x128xf32>,
    return
  }
}

</mosaic_0001>

<sc_bundles>
// kernel: _run.5.cloned.1.call-start
scs
__scs_entry_jumppad:
0x0: {  	(pc) =	sbr.rel $0x88, $3  }
0x1: {  	(tag) =	ssettag $0x0;
	lr =	simm.s32 $0x1  }
0x2: {  	[smem:$0x3F96] =	sst lr;
	_ =	strace $0xD0000000  }
0x3: {  	_ = 	snop  }
0x4: {  	_ = 	snop  }
0x5: {  	_ = 	snop  }
0x6: {  	_ = 	snop  }
0x7: {  	_ = 	snop  }
__scs_overlays_trampoline_lowered:
0x8: {  	[smem:$0x3FA5] =	sst s0  }
0x9: {  	[smem:$0x3FA6] =	sst s1  }
0xa: {  	[smem:$0x3FA7] =	sst s2  }
0xb: {  	[smem:$0x3FA8] =	sst s3  }
0xc: {  	[smem:$0x3FA9] =	sst s4  }
0xd: {  	[smem:$0x3FAA] =	sst s5  }
0xe: {  	[smem:$0x3FAB] =	sst s6  }
0xf: {  	[smem:$0x3FAC] =	sst s7  }
0x10: {  	[smem:$0x3FAD] =	sst s8  }
0x11: {  	[smem:$0x3FAE] =	sst s9;
	s0 =	simm.s32 @!p0 $0x0  }
0x12: {  	s1 =	sld [smem:$0x3F94];
	s0 =	simm.s32 @p0 $0x1  }
0x13: {  	[smem:$0x3FAF] =	sst s0;
	s0 =	simm.s32 @!p1 $0x0  }
0x14: {  	s2 =	sld [smem:$0x3F93];
	s0 =	simm.s32 @p1 $0x1  }
0x15: {  	[smem:$0x3FB0] =	sst s0;
	s0 =	simm.s32 @!p2 $0x0  }
0x16: {  	s3 =	sld [smem:$0x3FDB];
	s0 =	simm.s32 @p2 $0x1  }
0x17: {  	s4 =	simm.s32 $0x1BF5;
	[smem:$0x3FB2] =	sst s0  }
0x18: {  	s0 =	sld [smem:$0x3F95];
	_ =	swait.ge [sflag:s4], $0x0  }
0x19: {  	s7 =	sld [smem:$0x3F96]  }
0x1a: {  	s8 =	sadd.s32 $0xFFFFE003, lr  }
0x1b: {  	s9 =	sadd.s32 $0xFFFFFEF7, lr;
	s5 =	simm.s32 $0xFFFFFFFF;
	p2 =	slt.u32 s8, $0xFFFFF086  }
0x1c: {  	p1 =	slt.u32 s9, $0xF7A;
	s5 =	simm.s32 @!p2 $0x0  }
0x1d: {  	s5 =	simm.s32 @p1 $0x1;
	p0 =	seq.s32 s7, s2  }
0x1e: {  	s7 =	smul.u32 @!p0 $0xF7A, s2;
	p2 =	seq.s32 @!p0 s5, $0x0  }
0x1f: {  	s9 =	smul.u32 $0xF7A, s1;
	s8 =	simm.s32 @!p0 $0x1BF5;
	p2 =	por !p2, p0  }
0x20: {  	[sflag:s8] =	ssyncset.s32 @!p0 $0xFFFFF086;
	s6 =	sadd.s32 @!p0 s3, s7;
	s7 =	simm.s32 @!p0 $0x108  }
0x21: {  	s3 =	sadd.s32 s3, s9;
	s6 =	sadd.s32 @!p0 $0x88, s6;
	s7 =	simm.s32 @p2 $0x1082  }
0x22: {  	[simem:s7], [sflag:s8] =	dma.local @!p0 [hbm:s6], $0xF7A  }
0x23: {  	s9 =	sor.u32 $0xD0000000, s2;
	s6 =	simm.s32 $0x108;
	_ =	swait.ge @!p0 [sflag:s8], $0x0  }
0x24: {  	s3 =	sadd.s32 $0x88, s3;
	s6 =	simm.s32 @!p1 $0x1082;
	[sflag:s4] =	ssyncset.s32 $0xFFFFF086  }
0x25: {  	[simem:s6], [sflag:s4] =	dma.local [hbm:s3], $0xF7A  }
0x26: {  	[smem:$0x3F96] =	sst s1;
	(tag) =	ssettag s2;
	_ =	strace s9  }
0x27: {  	s1 =	sld [smem:$0x3FA6]  }
0x28: {  	s2 =	sld [smem:$0x3FA7]  }
0x29: {  	s4 =	sld [smem:$0x3FA9]  }
0x2a: {  	p0 =	seq.s32 s5, $0x0;
	s5 =	sld [smem:$0x3FAA]  }
0x2b: {  	s6 =	sld [smem:$0x3FAB]  }
0x2c: {  	s7 =	sld [smem:$0x3FAC]  }
0x2d: {  	s3 =	simm.s32 $0x108;
	s8 =	sld [smem:$0x3FAD]  }
0x2e: {  	s3 =	simm.s32 @!p0 $0x1082;
	s9 =	sld [smem:$0x3FAE]  }
0x2f: {  	lr =	sadd.s32 s0, s3;
	s0 =	sld [smem:$0x3FA5]  }
0x30: {  	s3 =	sld [smem:$0x3FA8]  }
0x31: {  	[smem:$0x3FB1] =	sst s10  }
0x32: {  	s10 =	sld [smem:$0x3FAF];
	_ =	sdelay $0x3  }
0x33: {  	p0 =	seq.s32 s10, $0x1;
	s10 =	sld [smem:$0x3FB1];
	_ =	sdelay $0x3  }
0x34: {  	[smem:$0x3FB1] =	sst s10  }
0x35: {  	s10 =	sld [smem:$0x3FB0];
	_ =	sdelay $0x3  }
0x36: {  	p1 =	seq.s32 s10, $0x1;
	s10 =	sld [smem:$0x3FB1];
	_ =	sdelay $0x3  }
0x37: {  	[smem:$0x3FB1] =	sst s10  }
0x38: {  	s10 =	sld [smem:$0x3FB2]  }
0x39: {  	_ = 	snop;
	(pc) =	sbr.ind lr, $3  }
0x3a: {  	_ = 	snop  }
0x3b: {  	_ = 	snop  }
0x3c: {  	p2 =	seq.s32 s10, $0x1;
	s10 =	sld [smem:$0x3FB1]  }
0x3d: {  	_ =	shalt  }
0x3e: {  	_ =	shalt  }
0x3f: {  	_ =	shalt  }
0x40: {  	_ =	shalt  }
0x41: {  	_ =	shalt  }
0x42: {  	_ =	shalt  }
0x43: {  	_ =	shalt  }
0x44: {  	_ =	shalt  }
0x45: {  	_ =	shalt  }
0x46: {  	_ =	shalt  }
0x47: {  	_ =	shalt  }
0x48: {  	_ =	shalt  }
0x49: {  	_ =	shalt  }
0x4a: {  	_ =	shalt  }
0x4b: {  	_ =	shalt  }
0x4c: {  	_ =	shalt  }
0x4d: {  	_ =	shalt  }
0x4e: {  	_ =	shalt  }
0x4f: {  	_ =	shalt  }
0x50: {  	_ =	shalt  }
0x51: {  	_ =	shalt  }
0x52: {  	_ =	shalt  }
0x53: {  	_ =	shalt  }
0x54: {  	_ =	shalt  }
0x55: {  	_ =	shalt  }
0x56: {  	_ =	shalt  }
0x57: {  	_ =	shalt  }
0x58: {  	_ =	shalt  }
0x59: {  	_ =	shalt  }
0x5a: {  	_ =	shalt  }
0x5b: {  	_ =	shalt  }
0x5c: {  	_ =	shalt  }
0x5d: {  	_ =	shalt  }
0x5e: {  	_ =	shalt  }
0x5f: {  	_ =	shalt  }
0x60: {  	_ =	shalt  }
0x61: {  	_ =	shalt  }
0x62: {  	_ =	shalt  }
0x63: {  	_ =	shalt  }
0x64: {  	_ =	shalt  }
0x65: {  	_ =	shalt  }
0x66: {  	_ =	shalt  }
0x67: {  	_ =	shalt  }
0x68: {  	_ =	shalt  }
0x69: {  	_ =	shalt  }
0x6a: {  	_ =	shalt  }
0x6b: {  	_ =	shalt  }
0x6c: {  	_ =	shalt  }
0x6d: {  	_ =	shalt  }
0x6e: {  	_ =	shalt  }
0x6f: {  	_ =	shalt  }
0x70: {  	_ =	shalt  }
0x71: {  	_ =	shalt  }
0x72: {  	_ =	shalt  }
0x73: {  	_ =	shalt  }
0x74: {  	_ =	shalt  }
0x75: {  	_ =	shalt  }
0x76: {  	_ =	shalt  }
0x77: {  	_ =	shalt  }
0x78: {  	_ =	shalt  }
0x79: {  	_ =	shalt  }
0x7a: {  	_ =	shalt  }
0x7b: {  	_ =	shalt  }
0x7c: {  	_ =	shalt  }
0x7d: {  	_ =	shalt  }
0x7e: {  	_ =	shalt  }
0x7f: {  	_ =	shalt  }
0x80: {  	_ =	shalt  }
0x81: {  	_ =	shalt  }
0x82: {  	_ =	shalt  }
0x83: {  	_ =	shalt  }
0x84: {  	_ =	shalt  }
0x85: {  	_ =	shalt  }
0x86: {  	_ =	shalt  }
0x87: {  	_ =	shalt  }
.Lfunc_end0:
.L_simem_size_0:
called_computation_lowered:
.L_overlay_start_0:
0x88: {  	s2 =	sld [smem:$0x3FD9]  }
0x89: {  	s3 =	sld [smem:$0x3FFE];
	_ =	sdelay $0x1  }
0x8a: {  	s1 =	srdreg.scid  }
0x8b: {  	s0 =	sand.u32 $0x1, s1  }
0x8c: {  	s16 =	sshll.u32 s0, $0xA;
	s2 =	sadd.s32 s3, s2  }
0x8d: {  	s2 =	sadd.s32 s2, s16  }
0x8e: {  	[smem:$0x3FBD] =	sst s2  }
0x8f: {  	_ = 	snop  }
0x90: {  	(tm) =	ssettm $0x1  }
0x91: {  	s17 =	sld [smem:$0x3FFB];
	_ =	sdelay $0x3  }
0x92: {  	_ =	strace s17  }
0x93: {  	s2 =	sld [smem:$0x3FFC];
	_ =	sdelay $0x3  }
0x94: {  	_ =	strace s2  }
0x95: {  	s2 =	sld [smem:$0x3FFD];
	_ =	sdelay $0x3  }
0x96: {  	_ =	strace s2  }
0x97: {  	_ =	strace $0x8FFFFFFF  }
0x98: {  	s18 =	sld [smem:$0x3FDB];
	_ =	sdelay $0x1  }
0x99: {  	s19 =	simm.s32 $_scs_section_size  }
0x9a: {  	s4 =	simm.s32 $_size__tile_overlayer_lowered;
	s5 =	simm.s32 $_tile_overlayer_lowered  }
0x9b: {  	s22 =	simm.s32 $0x1BFF;
	s21 =	sshll.u32 s5, $0x1;
	s2 =	sadd.s32 s19, s18  }
0x9c: {  	s6 =	simm.s32 $0x0;
	s20 =	sshll.u32 s4, $0x1;
	s4 =	sadd.s32 s21, s2  }
0x9d: {  	[timem:s6], [sflag:s22] =	dma.local [hbm:s4], s20  }
0x9e: {  	_ =	swait.ge [sflag:s22], s20  }
0x9f: {  	s3 =	ssub.s32 $0x0, s20;
	[sflag:s22] =	ssyncset.done $0x0  }
0xa0: {  	[sflag:s22] =	ssyncadd.s32 s3;
	_ =	sdelay $0x1  }
0xa1: {  	s23 =	simm.s32 $0x1B8B  }
0xa2: {  	_ =	swait.ge [sflag:s23], $0x1  }
0xa3: {  	[sflag:s23] =	ssyncset.done $0x0  }
0xa4: {  	s25 =	simm.s32 $0x1B8E;
	s24 =	sld [smem:$0x3FFE];
	[sflag:s23] =	ssyncadd.s32 $0xFFFFFFFF  }
0xa5: {  	s26 =	simm.s32 $execute0_lowered;
	[smem:$0x3FD2] =	sst s25  }
0xa6: {  	s4 =	sshll.u32 s26, $0x1;
	_ =	strace $0x80000046;
	[dreg:$0x1] =	wrdreg $0xFFFFFFFF  }
0xa7: {  	s28 =	simm.s32 $_size_execute0_lowered;
	s2 =	sadd.s32 s2, s4;
	[dreg:$0x0] =	wrdreg $0x0  }
0xa8: {  	s4 =	sshll.u32 s28, $0x1;
	[dreg:$0x2] =	wrdreg s2  }
0xa9: {  	[dreg:$0x3] =	wrdreg s4  }
0xaa: {  	[dreg:$0x4] =	wrdreg $0xC0  }
0xab: {  	_ =	task [dreg:s6], $0x5FFFF  }
0xac: {  	[dreg:$0x1] =	wrdreg $0xFFFFFFFF  }
0xad: {  	[dreg:$0x0] =	wrdreg $0x60  }
0xae: {  	[dreg:$0x2] =	wrdreg s24  }
0xaf: {  	[dreg:$0x3] =	wrdreg $0x9  }
0xb0: {  	_ =	task.clear_ibuf [dreg:s6], $0x4FFFF;
	_ =	strace $0x90000046  }
0xb1: {  	s29 =	simm.s32 $0x9;
	_ =	strace $0x80000048  }
0xb2: {  	_ =	swait.ge [sflag:s29], $0x1  }
0xb3: {  	[sflag:s29] =	ssyncadd.s32 $0xFFFFFFFF  }
0xb4: {  	_ =	strace $0x90000048  }
0xb5: {  	_ =	sfence  }
0xb6: {  	s30 =	sld [smem:$0x0];
	_ =	sdelay $0x2  }
0xb7: {  	s31 =	sshll.u32 s1, $0xD;
	s1 =	sshrl.u32 s1, $0x2  }
0xb8: {  	s3 =	sand.u32 $0x4000, s31;
	s1 =	sadd.s32 s1, s30  }
0xb9: {  	s0 =	sor.u32 s3, s0;
	s1 =	sshll.u32 s1, $0x11  }
0xba: {  	s0 =	sor.u32 s1, s0  }
0xbb: {  	s0 =	sadd.s32 $0x8F2B, s0  }
0xbc: {  	[sflag:s0] =	ssyncadd.remote.s32 $0x1  }
0xbd: {  	_ =	sfence.sel $0xFFFF  }
0xbe: {  	[dreg:$0x0] =	wrdreg $0xFFFFFFFF;
	(pc) =	sbr.abs _section_cstart, $3  }
0xbf: {  	[dreg:$0x1] =	wrdreg $0xFFFFFFFF  }
0xc0: {  	_ =	task.clear_ibuf [dreg:s6], $0x2FFFF;
	_ =	strace $0x9FFFFFFF  }
0xc1: {  	(tm) =	ssettm $0x7FFFFFFF  }
tec
execute0_lowered:
.L_overlay_start_1:
0x0: {  	(tag) =	ssettag $0x1  }
0x1: {  	v0 =	vlaneseq.u32  }
0x2: {  	v1 =	vor.u32 $0x10, v0  }
0x3: {  	v51 =	vor.u32 $0x20, v0;
	[tilespmem:$0x1FF10] =	vst v1  }
0x4: {  	v52 =	vor.u32 $0x30, v0;
	[tilespmem:$0x1FF20] =	vst v51  }
0x5: {  	v53 =	vor.u32 $0x40, v0;
	[tilespmem:$0x1FF30] =	vst v52  }
0x6: {  	v54 =	vor.u32 $0x50, v0;
	[tilespmem:$0x1FF40] =	vst v53  }
0x7: {  	v55 =	vor.u32 $0x60, v0;
	[tilespmem:$0x1FF50] =	vst v54  }
0x8: {  	v56 =	vor.u32 $0x70, v0;
	[tilespmem:$0x1FF60] =	vst v55  }
0x9: {  	v57 =	vor.u32 $0x80, v0;
	[tilespmem:$0x1FF70] =	vst v56  }
0xa: {  	s3 =	rddreg [dreg:$0x0];
	v58 =	vor.u32 $0x90, v0;
	[tilespmem:$0x1FF80] =	vst v57  }
0xb: {  	s0 =	rddreg [dreg:$0x1];
	s4 =	srdreg.scid;
	s2 =	simm.s32 $0x0;
	v59 =	vor.u32 $0xA0, v0;
	[tilespmem:$0x1FF90] =	vst v58  }
0xc: {  	s1 =	stileid.u32;
	s4 =	sand.u32 $0x1, s4;
	[smem:$0x7FF] =	sst s2;
	v60 =	vor.u32 $0xB0, v0;
	[tilespmem:$0x1FFA0] =	vst v59  }
0xd: {  	s5 =	sshll.u32 s1, $0xB;
	v61 =	vor.u32 $0xC0, v0;
	s6 =	sshll.u32 s4, $0xA;
	_ =	strace $0x80000047;
	[tilespmem:$0x1FFB0] =	vst v60  }
0xe: {  	v62 =	vor.u32 $0xD0, v0;
	s4 =	ssub.s32 $0x2, s4;
	s5 =	sor.u32 s6, s5;
	[tilespmem:$0x1FFC0] =	vst v61  }
0xf: {  	s7 =	simm.s32 $0x2000;
	v16 =	vmul.u32 $0xFFFFFFFF, v0;
	v63 =	vor.u32 $0xE0, v0;
	s31 =	sshrl.u32 s4, $0x1;
	[tilespmem:$0x1FFD0] =	vst v62;
	s5 =	sadd.s32 s5, s3  }
0x10: {  	s8 =	simm.s32 $0x0;
	v0 =	vor.u32 $0xF0, v0;
	[tilespmem:$0x1FFE0] =	vst v63;
	s6 =	ssub.s32 s4, s31;
	s3 =	sadd.s32 $0x2000, s5  }
0x11: {  	v17 =	vimm.f32 $0.0e+00;
	[tilespmem:$0x1FFF0] =	vst v0;
	v16 =	vadd.s32 $0xF, v16;
	s4 =	sadd.s32 $0xA000, s5;
	s5 =	smax.u32 s6, $0x1;
	s6 =	simm.s32 $0x1  }
.LBB2_1:
0x12: {  	[tilespmem:s2], [sflag:$0x1] =	stream.linear.gather [hbm4b:s3+s2], $0x2000, $0x38;
	[tilespmem:$0x4000] =	vst v63  }
0x13: {  	_ =	swait.ge [sflag:s6], $0x2000  }
0x14: {  	v1 =	vld [tilespmem:$0x1FF10]  }
0x15: {  	v2 =	vld [tilespmem:$0x1FF20]  }
0x16: {  	v4 =	vld [tilespmem:$0x1FF40]  }
0x17: {  	v8 =	vld [tilespmem:$0x1FF80]  }
0x18: {  	v3 =	vld [tilespmem:$0x1FF30]  }
0x19: {  	v5 =	vld [tilespmem:$0x1FF50]  }
0x1a: {  	v9 =	vld [tilespmem:$0x1FF90]  }
0x1b: {  	v7 =	vld [tilespmem:$0x1FF70]  }
0x1c: {  	v11 =	vld [tilespmem:$0x1FFB0]  }
0x1d: {  	v13 =	vld [tilespmem:$0x1FFD0]  }
0x1e: {  	v6 =	vld [tilespmem:$0x1FF60]  }
0x1f: {  	s9 =	simm.s32 $0x0;
	v15 =	vld [tilespmem:$0x1FFF0]  }
0x20: {  	s11 =	sand.u32 $0x1800, s2;
	s9 =	sand.u32 $0x300, s9;
	[sflag:s6] =	ssyncset.done $0x0;
	v10 =	vld [tilespmem:$0x1FFA0]  }
0x21: {  	s10 =	sor.u32 s9, s11;
	v12 =	vld [tilespmem:$0x1FFC0];
	[sflag:s6] =	ssyncadd.s32 $0xFFFFE000  }
0x22: {  	v19 =	vld [tilespmem:s10+$0x10]  }
0x23: {  	v20 =	vld [tilespmem:s10+$0x20]  }
0x24: {  	v21 =	vld [tilespmem:s10+$0x40]  }
0x25: {  	v22 =	vld [tilespmem:s10+$0x400]  }
0x26: {  	v23 =	vld [tilespmem:s10+$0x30]  }
0x27: {  	v24 =	vld [tilespmem:s10+$0x50];
	(xrf1) =	vsort.ascd.msk.f32 $0xffff, v19, v1  }
0x28: {  	v19 =	vld [tilespmem:s10+$0x410];
	(xrf1) =	vsort.ascd.msk.f32 $0xffff, v20, v2  }
0x29: {  	v20 =	vld [tilespmem:s10+$0x70];
	(xrf1) =	vsort.ascd.msk.f32 $0xffff, v21, v4  }
0x2a: {  	v21 =	vld [tilespmem:s10+$0x430];
	(xrf1) =	vsort.ascd.msk.f32 $0xffff, v22, v8  }
0x2b: {  	v14 =	vld [tilespmem:$0x1FFE0];
	(xrf1) =	vsort.ascd.msk.f32 $0xffff, v23, v3  }
0x2c: {  	v22 =	vld [tilespmem:s10+$0x450];
	(xrf1) =	vsort.ascd.msk.f32 $0xffff, v24, v5  }
0x2d: {  	v23 =	vld [tilespmem:s10+$0x60];
	(xrf1) =	vsort.ascd.msk.f32 $0xffff, v19, v9  }
0x2e: {  	v19 =	vld [tilespmem:s10+$0x470];
	(xrf1) =	vsort.ascd.msk.f32 $0xffff, v20, v7  }
0x2f: {  	v20 =	vld [tilespmem:s10+$0x420];
	(xrf1) =	vsort.ascd.msk.f32 $0xffff, v21, v11  }
0x30: {  	s19 =	simm.s32 $0x80;
	v21 =	vld [tilespmem:s10+$0x440]  }
0x31: {  	s9 =	sand.u32 $0x380, s19;
	v24 =	vld [tilespmem:s10+$0x460];
	(xrf1) =	vsort.ascd.msk.f32 $0xffff, v22, v13  }
0x32: {  	s9 =	sor.u32 s11, s9;
	(xrf1) =	vsort.ascd.msk.f32 $0xffff, v23, v6  }
0x33: {  	(xrf1) =	vsort.ascd.msk.f32 $0xffff, v19, v15;
	v19 =	vld [tilespmem:s9+$0x470]  }
0x34: {  	(xrf1) =	vsort.ascd.msk.f32 $0xffff, v20, v10;
	v20 =	vld [tilespmem:s9+$0x70]  }
0x35: {  	(xrf1) =	vsort.ascd.msk.f32 $0xffff, v21, v12;
	v21 =	vld [tilespmem:s9+$0x430];
	v22, v23, _ =	vpop (xrf1)  }
0x36: {  	(xrf1) =	vsort.ascd.msk.f32 $0xffff, v24, v14;
	v24 =	vld [tilespmem:s9+$0x450];
	v25, v26, _ =	vpop (xrf1)  }
0x37: {  	v27 =	vld [tilespmem:s9+$0x460];
	v28, v29, _ =	vpop (xrf1)  }
0x38: {  	v31 =	vld [tilespmem:s10+$0x0];
	(xrf1) =	vsort.ascd.msk.f32 $0xffff, v19, v15;
	v19, v30, _ =	vpop (xrf1)  }
0x39: {  	(xrf1) =	vsort.ascd.msk.f32 $0xffff, v20, v7;
	v20, v32, _ =	vpop (xrf1)  }
0x3a: {  	(xrf1) =	vsort.ascd.msk.f32 $0xffff, v21, v11;
	v21, v33, _ =	vpop (xrf1)  }
0x3b: {  	(xrf1) =	vsort.ascd.msk.f32 $0xffff, v24, v13;
	v24, v34, _ =	vpop (xrf1)  }
0x3c: {  	v0 =	vlaneseq.u32;
	v32 =	vperm.xlane v32, v16;
	v20 =	vperm.xlane v20, v16;
	(xrf1) =	vsort.ascd.msk.f32 $0xffff, v27, v14;
	v54, v35, _ =	vpop (xrf1)  }
0x3d: {  	v27 =	vperm.xlane v33, v16;
	v21 =	vperm.xlane v21, v16;
	v36, v37, _ =	vpop (xrf1);
	(xrf1) =	vsort.ascd.msk.f32 $0xffff, v31, v0  }
0x3e: {  	v34 =	vperm.xlane v34, v16;
	v24 =	vperm.xlane v24, v16;
	vm0 =	vle.f32 v25, v20  }
0x3f: {  	v31 =	vperm.xlane v35, v16;
	v33 =	vperm.xlane v54, v16;
	vm1 =	vle.f32 v28, v21;
	v55, v38, _ =	vpop (xrf1)  }
0x40: {  	v20 =	vsel vm0, v25, v20;
	v25 =	vsel vm0, v26, v32;
	v37 =	vperm.xlane v37, v16;
	v39, v40, _ =	vpop (xrf1)  }
0x41: {  	v36 =	vperm.xlane v36, v16;
	v21 =	vsel vm1, v28, v21;
	v26 =	vsel vm1, v29, v27;
	v41, v42, _ =	vpop (xrf1)  }
0x42: {  	(xrf1) =	vsort.ascd.msk.f32 $0xffff, v20, v25;
	v38 =	vperm.xlane v38, v16;
	v35 =	vperm.xlane v55, v16;
	v43, v44, _ =	vpop (xrf1)  }
0x43: {  	(xrf1) =	vsort.ascd.msk.f32 $0xffff, v21, v26;
	vm2 =	vle.f32 v39, v33;
	v41 =	vperm.xlane v41, v16;
	v45, v46, _ =	vpop (xrf1)  }
0x44: {  	v42 =	vperm.xlane v42, v16;
	v27 =	vsel vm2, v39, v33;
	v28 =	vsel vm2, v40, v31;
	v47, v48, _ =	vpop (xrf1)  }
0x45: {  	vm4 =	vle.f32 v43, v36;
	(xrf1) =	vsort.ascd.msk.f32 $0xffff, v27, v28;
	vm6 =	vle.f32 v47, v41  }
0x46: {  	vm5 =	vle.f32 v45, v35;
	v20, v25, _ =	vpop (xrf1);
	v31 =	vsel vm6, v47, v41;
	v56 =	vsel vm6, v48, v42  }
0x47: {  	v21 =	vld [tilespmem:s9+$0x30];
	v36 =	vsel vm4, v43, v36;
	v37 =	vsel vm4, v44, v37;
	v26, v29, _ =	vpop (xrf1);
	(xrf1) =	vsort.ascd.msk.f32 $0xffff, v31, v56  }
0x48: {  	v27 =	vld [tilespmem:s9+$0x50];
	v35 =	vsel vm5, v45, v35;
	v38 =	vsel vm5, v46, v38;
	v28, v57, _ =	vpop (xrf1);
	(xrf1) =	vsort.ascd.msk.f32 $0xffff, v36, v37  }
0x49: {  	vm3 =	vle.f32 v19, v24;
	v31, v32, _ =	vpop (xrf1);
	(xrf1) =	vsort.ascd.msk.f32 $0xffff, v35, v38  }
0x4a: {  	v58 =	vld [tilespmem:s9+$0x60];
	v22 =	vperm.xlane v22, v16;
	v19 =	vsel vm3, v19, v24;
	v24 =	vsel vm3, v30, v34;
	v60, v59, _ =	vpop (xrf1)  }
0x4b: {  	v23 =	vperm.xlane v23, v16;
	v30 =	vld [tilespmem:s9+$0x410];
	(xrf1) =	vsort.ascd.msk.f32 $0xffff, v19, v24;
	v61, v62, _ =	vpop (xrf1)  }
0x4c: {  	v19 =	vld [tilespmem:s9+$0x420];
	(xrf1) =	vsort.ascd.msk.f32 $0xffff, v21, v3;
	vm0 =	vle.f32 v61, v22  }
0x4d: {  	v21 =	vld [tilespmem:s9+$0x440];
	(xrf1) =	vsort.ascd.msk.f32 $0xffff, v27, v5;
	v22 =	vsel vm0, v61, v22;
	v23 =	vsel vm0, v62, v23  }
0x4e: {  	v24 =	vld [tilespmem:s9+$0x10];
	(xrf1) =	vsort.ascd.msk.f32 $0xffff, v22, v23  }
0x4f: {  	v22 =	vld [tilespmem:s9+$0x20];
	(xrf1) =	vsort.ascd.msk.f32 $0xffff, v58, v6  }
0x50: {  	v23 =	vld [tilespmem:s9+$0x40];
	(xrf1) =	vsort.ascd.msk.f32 $0xffff, v30, v9  }
0x51: {  	v20 =	vperm.xlane v20, v16;
	v27 =	vld [tilespmem:s9+$0x400];
	(xrf1) =	vsort.ascd.msk.f32 $0xffff, v19, v10  }
0x52: {  	v25 =	vperm.xlane v25, v16;
	v19 =	vld [tilespmem:s9+$0x0];
	(xrf1) =	vsort.ascd.msk.f32 $0xffff, v21, v12;
	v21 =	vperm.xlane v28, v16;
	v28, v30, _ =	vpop (xrf1)  }
0x53: {  	vm0 =	vle.f32 v60, v20;
	(xrf1) =	vsort.ascd.msk.f32 $0xffff, v24, v1;
	v24 =	vperm.xlane v31, v16;
	v31, v63, _ =	vpop (xrf1)  }
0x54: {  	(xrf1) =	vsort.ascd.msk.f32 $0xffff, v22, v2;
	v22 =	vsel vm0, v59, v25;
	v25 =	vperm.xlane v30, v16;
	v30, v40, _ =	vpop (xrf1)  }
0x55: {  	v20 =	vsel vm0, v60, v20;
	(xrf1) =	vsort.ascd.msk.f32 $0xffff, v23, v4;
	v23 =	vperm.xlane v28, v16;
	v42, v41, _ =	vpop (xrf1)  }
0x56: {  	(xrf1) =	vsort.ascd.msk.f32 $0xffff, v27, v8;
	v27 =	vperm.xlane v30, v16;
	v30 =	vperm.xlane v42, v16;
	v44, v43, _ =	vpop (xrf1)  }
0x57: {  	v28 =	vperm.xlane v40, v16;
	v45 =	vperm.xlane v41, v16;
	(xrf1) =	vsort.ascd.msk.f32 $0xffff, v19, v0;
	v46, v38, _ =	vpop (xrf1)  }
0x58: {  	v19 =	vperm.xlane v44, v16;
	(xrf1) =	vsort.ascd.msk.f32 $0xffff, v20, v22;
	vm1 =	vle.f32 v46, v30  }
0x59: {  	vm0 =	vle.f32 v31, v27;
	v20 =	vperm.xlane v43, v16;
	v22, v47, _ =	vpop (xrf1);
	v30 =	vsel vm1, v46, v30  }
0x5a: {  	vm2 =	vle.f32 v22, v19;
	v28 =	vsel vm0, v63, v28  }
0x5b: {  	v26 =	vperm.xlane v26, v16;
	v35 =	vsel vm1, v38, v45;
	v48, v49, _ =	vpop (xrf1);
	v20 =	vsel vm2, v47, v20  }
0x5c: {  	v27 =	vsel vm0, v31, v27;
	(xrf1) =	vsort.ascd.msk.f32 $0xffff, v30, v35;
	v19 =	vsel vm2, v22, v19;
	v30, v31, _ =	vpop (xrf1)  }
0x5d: {  	v55 =	vperm.xlane v49, v16;
	(xrf1) =	vsort.ascd.msk.f32 $0xffff, v27, v28;
	v27 =	vperm.xlane v29, v16;
	v22, v50, _ =	vpop (xrf1)  }
0x5e: {  	(xrf1) =	vsort.ascd.msk.f32 $0xffff, v19, v20;
	v19 =	vperm.xlane v57, v16;
	vm0 =	vle.f32 v22, v23;
	v20, v28, _ =	vpop (xrf1)  }
0x5f: {  	v22 =	vsel vm0, v22, v23;
	v23 =	vsel vm0, v50, v25;
	v25 =	vperm.xlane v32, v16;
	v52, v51, _ =	vpop (xrf1)  }
0x60: {  	vm0 =	vle.f32 v20, v26;
	(xrf1) =	vsort.ascd.msk.f32 $0xffff, v22, v23;
	v22 =	vperm.xlane v30, v16;
	v30, v53, _ =	vpop (xrf1)  }
0x61: {  	v20 =	vsel vm0, v20, v26;
	v26 =	vsel vm0, v28, v27;
	vm0 =	vle.f32 v30, v21;
	v27, v28, _ =	vpop (xrf1)  }
0x62: {  	v21 =	vsel vm0, v30, v21;
	v19 =	vsel vm0, v53, v19;
	vm0 =	vle.f32 v27, v24;
	v30, v54, _ =	vpop (xrf1)  }
0x63: {  	v29 =	vperm.xlane v48, v16;
	v24 =	vsel vm0, v27, v24;
	v25 =	vsel vm0, v28, v25;
	v27, v28, _ =	vpop (xrf1)  }
0x64: {  	v31 =	vperm.xlane v31, v16;
	v23 =	vperm.xlane v52, v16;
	v56, v57, _ =	vpop (xrf1);
	(xrf1) =	vsort.ascd.msk.f32 $0xffff, v20, v26  }
0x65: {  	v33 =	vperm.xlane v51, v16;
	vm0 =	vle.f32 v27, v29;
	v20, v26, _ =	vpop (xrf1);
	(xrf1) =	vsort.ascd.msk.f32 $0xffff, v21, v19  }
0x66: {  	(xrf1) =	vsort.ascd.msk.f32 $0xffff, v24, v25;
	v25 =	vsel vm0, v27, v29;
	v27 =	vsel vm0, v28, v55  }
0x67: {  	vm1 =	vle.f32 v56, v22;
	v19 =	vperm.xlane v30, v16;
	vm2 =	vle.f32 v20, v23  }
0x68: {  	v21, v24, _ =	vpop (xrf1);
	v20 =	vsel vm2, v20, v23;
	v23 =	vsel vm2, v26, v33;
	v26 =	vperm.xlane v54, v16  }
0x69: {  	v22 =	vsel vm1, v56, v22;
	v28, v34, _ =	vpop (xrf1)  }
0x6a: {  	v29 =	vsel vm1, v57, v31;
	(xrf1) =	vsort.ascd.msk.f32 $0xffff, v25, v27;
	vm0 =	vle.f32 v21, v19;
	v25, v27, _ =	vpop (xrf1)  }
0x6b: {  	(xrf1) =	vsort.ascd.msk.f32 $0xffff, v22, v29;
	v24 =	vsel vm0, v24, v26  }
0x6c: {  	[tilespmem:s9+$0x2000] =	vst v17;
	v19 =	vsel vm0, v21, v19;
	(xrf1) =	vsort.ascd.msk.f32 $0xffff, v20, v23;
	v21 =	vperm.xlane v25, v16;
	v22, v25, _ =	vpop (xrf1)  }
0x6d: {  	[tilespmem:s9+$0x2010] =	vst v17;
	(xrf1) =	vsort.ascd.msk.f32 $0xffff, v19, v24;
	v23, v26, _ =	vpop (xrf1)  }
0x6e: {  	[tilespmem:s9+$0x2020] =	vst v17;
	v20 =	vperm.xlane v27, v16;
	v19 =	vperm.xlane v22, v16;
	vm0 =	vle.f32 v23, v21  }
0x6f: {  	[tilespmem:s9+$0x2030] =	vst v17;
	v21 =	vsel vm0, v23, v21;
	v23, v24, _ =	vpop (xrf1)  }
0x70: {  	[tilespmem:s9+$0x2040] =	vst v17;
	v20 =	vsel vm0, v26, v20;
	vm0 =	vle.f32 v23, v19  }
0x71: {  	[tilespmem:s9+$0x2050] =	vst v17;
	v22 =	vperm.xlane v25, v16;
	v19 =	vsel vm0, v23, v19  }
0x72: {  	[tilespmem:s9+$0x2060] =	vst v17  }
0x73: {  	[tilespmem:s9+$0x2070] =	vst v17;
	(xrf1) =	vsort.ascd.msk.f32 $0xffff, v21, v20;
	v20 =	vsel vm0, v24, v22  }
0x74: {  	[tilespmem:s9+$0x2400] =	vst v17;
	(xrf1) =	vsort.ascd.msk.f32 $0xffff, v19, v20;
	v19, v29, _ =	vpop (xrf1)  }
0x75: {  	s20 =	simm.s32 $0x100;
	s12 =	simm.s32 $0x200;
	[tilespmem:s9+$0x2410] =	vst v17;
	v20 =	vperm.xlane v28, v16;
	v30, v28, _ =	vpop (xrf1)  }
0x76: {  	s12 =	sand.u32 $0x1800, s12;
	s11 =	sand.u32 $0x300, s20;
	[tilespmem:s9+$0x2420] =	vst v17;
	v21 =	vperm.xlane v34, v16;
	v23, v24, _ =	vpop (xrf1)  }
0x77: {  	s11 =	sor.u32 s11, s12;
	[tilespmem:s9+$0x2430] =	vst v17;
	vm0 =	vle.f32 v23, v20  }
0x78: {  	[tilespmem:s9+$0x2440] =	vst v17;
	v22 =	vld [tilespmem:s11+$0x10];
	v21 =	vsel vm0, v24, v21  }
0x79: {  	[tilespmem:s9+$0x2450] =	vst v17;
	v25 =	vld [tilespmem:s11+$0x20]  }
0x7a: {  	[tilespmem:s9+$0x2460] =	vst v17;
	v58 =	vld [tilespmem:s11+$0x40];
	v20 =	vsel vm0, v23, v20  }
0x7b: {  	[tilespmem:s9+$0x2470] =	vst v17;
	v23 =	vld [tilespmem:s11+$0x400];
	(xrf1) =	vsort.ascd.msk.f32 $0xffff, v20, v21;
	v21, v18, _ =	vpop (xrf1)  }
0x7c: {  	v59 =	vld [tilespmem:s11+$0x30];
	[tilespmem:$0x1FEC0] =	vst v18  }
0x7d: {  	(xrf1) =	vsort.ascd.msk.f32 $0xffff, v22, v1;
	v60 =	vld [tilespmem:s11+$0x50]  }
0x7e: {  	(xrf1) =	vsort.ascd.msk.f32 $0xffff, v25, v2;
	v32, v31, _ =	vpop (xrf1);
	v22 =	vld [tilespmem:s11+$0x410]  }
0x7f: {  	(xrf1) =	vsort.ascd.msk.f32 $0xffff, v58, v4;
	v27, v26, _ =	vpop (xrf1);
	v61 =	vld [tilespmem:s11+$0x70]  }
0x80: {  	v62 =	vld [tilespmem:s11+$0x430];
	(xrf1) =	vsort.ascd.msk.f32 $0xffff, v23, v8;
	v25, v24, _ =	vpop (xrf1)  }
0x81: {  	(xrf1) =	vsort.ascd.msk.f32 $0xffff, v59, v3;
	v23, v47, _ =	vpop (xrf1)  }
0x82: {  	s13 =	simm.s32 $0x180;
	v48 =	vld [tilespmem:s11+$0x450];
	v23 =	vperm.xlane v23, v16;
	(xrf1) =	vsort.ascd.msk.f32 $0xffff, v60, v5  }
0x83: {  	s13 =	sand.u32 $0x380, s13;
	v49 =	vld [tilespmem:s11+$0x60];
	v51, v50, _ =	vpop (xrf1);
	(xrf1) =	vsort.ascd.msk.f32 $0xffff, v22, v9;
	v22 =	vperm.xlane v47, v16  }
0x84: {  	s21 =	sor.u32 s12, s13;
	v52 =	vld [tilespmem:s11+$0x470];
	vm0 =	vle.f32 v51, v23;
	(xrf1) =	vsort.ascd.msk.f32 $0xffff, v61, v7  }
0x85: {  	[tilespmem:s21+$0x2000] =	vst v17;
	v53 =	vld [tilespmem:s11+$0x420];
	v23 =	vsel vm0, v51, v23;
	(xrf1) =	vsort.ascd.msk.f32 $0xffff, v62, v11;
	v22 =	vsel vm0, v50, v22  }
0x86: {  	[tilespmem:s21+$0x2010] =	vst v17;
	v54 =	vld [tilespmem:s11+$0x440];
	(xrf1) =	vsort.ascd.msk.f32 $0xffff, v23, v22  }
0x87: {  	[tilespmem:s21+$0x2020] =	vst v17;
	v55 =	vld [tilespmem:s11+$0x460];
	(xrf1) =	vsort.ascd.msk.f32 $0xffff, v48, v13  }
0x88: {  	[tilespmem:s21+$0x2030] =	vst v17;
	(xrf1) =	vsort.ascd.msk.f32 $0xffff, v49, v6  }
0x89: {  	v63 =	vld [tilespmem:s21+$0x470];
	[tilespmem:s21+$0x2040] =	vst v17;
	(xrf1) =	vsort.ascd.msk.f32 $0xffff, v52, v15  }
0x8a: {  	[tilespmem:s21+$0x2050] =	vst v17;
	v56 =	vld [tilespmem:s21+$0x70];
	v23, v22, _ =	vpop (xrf1);
	(xrf1) =	vsort.ascd.msk.f32 $0xffff, v53, v10  }
0x8b: {  	[tilespmem:s21+$0x2060] =	vst v17;
	v57 =	vld [tilespmem:s21+$0x430];
	v60, v41, _ =	vpop (xrf1);
	(xrf1) =	vsort.ascd.msk.f32 $0xffff, v54, v12  }
0x8c: {  	[tilespmem:s21+$0x2070] =	vst v17;
	v42, v43, _ =	vpop (xrf1);
	(xrf1) =	vsort.ascd.msk.f32 $0xffff, v55, v14  }
0x8d: {  	[tilespmem:s21+$0x2400] =	vst v17;
	v58 =	vld [tilespmem:s21+$0x450];
	v44, v45, _ =	vpop (xrf1)  }
0x8e: {  	[tilespmem:s21+$0x2410] =	vst v17;
	v59 =	vld [tilespmem:s21+$0x460];
	(xrf1) =	vsort.ascd.msk.f32 $0xffff, v63, v15;
	v37, v46, _ =	vpop (xrf1)  }
0x8f: {  	[tilespmem:s21+$0x2420] =	vst v17;
	v61 =	vld [tilespmem:s11+$0x0];
	(xrf1) =	vsort.ascd.msk.f32 $0xffff, v56, v7;
	v62, v49, _ =	vpop (xrf1)  }
0x90: {  	[tilespmem:s21+$0x2430] =	vst v17;
	(xrf1) =	vsort.ascd.msk.f32 $0xffff, v57, v11;
	v63, v51, _ =	vpop (xrf1)  }
0x91: {  	[tilespmem:s21+$0x2440] =	vst v17;
	v52 =	vperm.xlane v19, v16;
	v53, v19, _ =	vpop (xrf1)  }
0x92: {  	[tilespmem:s21+$0x2450] =	vst v17;
	v36 =	vperm.xlane v49, v16;
	v38 =	vperm.xlane v62, v16;
	(xrf1) =	vsort.ascd.msk.f32 $0xffff, v58, v13;
	v54, v55, _ =	vpop (xrf1)  }
0x93: {  	[tilespmem:s21+$0x2460] =	vst v17;
	(xrf1) =	vsort.ascd.msk.f32 $0xffff, v59, v14;
	v35 =	vperm.xlane v63, v16;
	v57, v58, _ =	vpop (xrf1);
	v54 =	vperm.xlane v54, v16  }
0x94: {  	[tilespmem:s21+$0x2470] =	vst v17;
	v51 =	vperm.xlane v51, v16;
	vm0 =	vle.f32 v42, v38;
	(xrf1) =	vsort.ascd.msk.f32 $0xffff, v61, v0;
	_, v18, _ =	vpop (xrf1)  }
0x95: {  	v33 =	vld [tilespmem:s21+$0x30];
	[tilespmem:s10+$0x2000] =	vst v17;
	v38 =	vsel vm0, v42, v38;
	vm1 =	vle.f32 v44, v35;
	v61, v62, _ =	vpop (xrf1)  }
0x96: {  	v34 =	vld [tilespmem:s21+$0x50];
	[tilespmem:s10+$0x2010] =	vst v17;
	v47 =	vperm.xlane v19, v16;
	v36 =	vsel vm0, v43, v36;
	v45 =	vsel vm1, v45, v51;
	v19, v20, _ =	vpop (xrf1)  }
0x97: {  	[tilespmem:s10+$0x2020] =	vst v17;
	v39 =	vld [tilespmem:s21+$0x420];
	v55 =	vperm.xlane v55, v16;
	v35 =	vsel vm1, v44, v35;
	v43, v44, _ =	vpop (xrf1);
	vm0 =	vle.f32 v19, v54  }
0x98: {  	[tilespmem:s10+$0x2030] =	vst v17;
	v50 =	vld [tilespmem:s21+$0x410];
	v40 =	vperm.xlane v60, v16;
	v19 =	vsel vm0, v19, v54;
	v51, v54, _ =	vpop (xrf1);
	v43 =	vperm.xlane v43, v16  }
0x99: {  	[tilespmem:s10+$0x2040] =	vst v17;
	v48 =	vld [tilespmem:s21+$0x60];
	v57 =	vperm.xlane v57, v16;
	(xrf1) =	vsort.ascd.msk.f32 $0xffff, v38, v36;
	v20 =	vsel vm0, v20, v55;
	v36, v38, _ =	vpop (xrf1)  }
0x9a: {  	[tilespmem:s10+$0x2050] =	vst v17;
	v60 =	vld [tilespmem:s21+$0x40];
	v53 =	vperm.xlane v53, v16;
	(xrf1) =	vsort.ascd.msk.f32 $0xffff, v35, v45;
	v44 =	vperm.xlane v44, v16;
	v35, v45, _ =	vpop (xrf1)  }
0x9b: {  	[tilespmem:s10+$0x2060] =	vst v17;
	v56 =	vld [tilespmem:s21+$0x10];
	v58 =	vperm.xlane v58, v16;
	v62 =	vperm.xlane v62, v16;
	vm2 =	vle.f32 v35, v43  }
0x9c: {  	[tilespmem:s10+$0x2070] =	vst v17;
	v49 =	vld [tilespmem:s21+$0x440];
	vm3 =	vle.f32 v51, v57;
	v35 =	vsel vm2, v35, v43;
	v43, v55, _ =	vpop (xrf1);
	v44 =	vsel vm2, v45, v44  }
0x9d: {  	[tilespmem:s10+$0x2400] =	vst v17;
	v59 =	vld [tilespmem:s21+$0x20];
	v61 =	vperm.xlane v61, v16;
	(xrf1) =	vsort.ascd.msk.f32 $0xffff, v19, v20;
	v54 =	vsel vm3, v54, v58;
	v19, v20, _ =	vpop (xrf1)  }
0x9e: {  	[tilespmem:s10+$0x2410] =	vst v17;
	v63 =	vld [tilespmem:s21+$0x400];
	v45 =	vsel vm3, v51, v57;
	v51, v57, _ =	vpop (xrf1)  }
0x9f: {  	v42 =	vld [tilespmem:s21+$0x0];
	vm1 =	vle.f32 v37, v53;
	vm0 =	vle.f32 v36, v61;
	(xrf1) =	vsort.ascd.msk.f32 $0xffff, v35, v44  }
0xa0: {  	v36 =	vsel vm0, v36, v61;
	v38 =	vsel vm0, v38, v62;
	v35, v44, _ =	vpop (xrf1);
	(xrf1) =	vsort.ascd.msk.f32 $0xffff, v45, v54  }
0xa1: {  	v37 =	vsel vm1, v37, v53;
	v46 =	vsel vm1, v46, v47;
	v45, v54, _ =	vpop (xrf1);
	(xrf1) =	vsort.ascd.msk.f32 $0xffff, v36, v38  }
0xa2: {  	v58 =	vperm.xlane v41, v16;
	v61, v62, _ =	vpop (xrf1);
	(xrf1) =	vsort.ascd.msk.f32 $0xffff, v37, v46  }
0xa3: {  	vm0 =	vle.f32 v61, v40;
	(xrf1) =	vsort.ascd.msk.f32 $0xffff, v33, v3  }
0xa4: {  	v47 =	vsel vm0, v61, v40;
	v36 =	vsel vm0, v62, v58;
	(xrf1) =	vsort.ascd.msk.f32 $0xffff, v34, v5  }
0xa5: {  	(xrf1) =	vsort.ascd.msk.f32 $0xffff, v47, v36  }
0xa6: {  	v29 =	vperm.xlane v29, v16  }
0xa7: {  	v30 =	vperm.xlane v30, v16;
	v28 =	vperm.xlane v28, v16;
	vm1 =	vle.f32 v32, v52  }
0xa8: {  	v29 =	vsel vm1, v31, v29;
	v31 =	vperm.xlane v43, v16;
	(xrf1) =	vsort.ascd.msk.f32 $0xffff, v48, v6  }
0xa9: {  	v32 =	vsel vm1, v32, v52;
	v19 =	vperm.xlane v19, v16;
	(xrf1) =	vsort.ascd.msk.f32 $0xffff, v50, v9  }
0xaa: {  	v20 =	vperm.xlane v20, v16;
	vm1 =	vle.f32 v45, v31;
	v53, v52, _ =	vpop (xrf1);
	(xrf1) =	vsort.ascd.msk.f32 $0xffff, v39, v10  }
0xab: {  	v31 =	vsel vm1, v45, v31;
	v40 =	vperm.xlane v57, v16;
	v38, v39, _ =	vpop (xrf1);
	(xrf1) =	vsort.ascd.msk.f32 $0xffff, v49, v12  }
0xac: {  	v37 =	vperm.xlane v52, v16;
	v50 =	vperm.xlane v55, v16;
	(xrf1) =	vsort.ascd.msk.f32 $0xffff, v56, v1;
	v55, v56, _ =	vpop (xrf1)  }
0xad: {  	v36 =	vperm.xlane v53, v16;
	(xrf1) =	vsort.ascd.msk.f32 $0xffff, v59, v2;
	v41 =	vperm.xlane v55, v16;
	v58, v57, _ =	vpop (xrf1)  }
0xae: {  	v33 =	vsel vm1, v54, v50;
	v43 =	vperm.xlane v56, v16;
	(xrf1) =	vsort.ascd.msk.f32 $0xffff, v60, v4;
	v59, v60, _ =	vpop (xrf1)  }
0xaf: {  	(xrf1) =	vsort.ascd.msk.f32 $0xffff, v63, v8;
	vm1 =	vle.f32 v38, v41;
	v45 =	vperm.xlane v58, v16;
	v63, v62, _ =	vpop (xrf1)  }
0xb0: {  	(xrf1) =	vsort.ascd.msk.f32 $0xffff, v42, v0;
	v46 =	vperm.xlane v57, v16;
	v61 =	vperm.xlane v59, v16;
	v52, v53, _ =	vpop (xrf1)  }
0xb1: {  	v38 =	vsel vm1, v38, v41;
	v39 =	vsel vm1, v39, v43;
	(xrf1) =	vsort.ascd.msk.f32 $0xffff, v31, v33;
	v54, v55, _ =	vpop (xrf1)  }
0xb2: {  	v31 =	vperm.xlane v60, v16;
	vm2 =	vle.f32 v63, v45;
	vm3 =	vle.f32 v52, v61;
	v56, v57, _ =	vpop (xrf1)  }
0xb3: {  	v45 =	vsel vm2, v63, v45;
	v46 =	vsel vm2, v62, v46;
	v33 =	vsel vm3, v52, v61;
	v59, v58, _ =	vpop (xrf1)  }
0xb4: {  	(xrf1) =	vsort.ascd.msk.f32 $0xffff, v45, v46;
	v31 =	vsel vm3, v53, v31;
	vm1 =	vle.f32 v59, v36  }
0xb5: {  	v35 =	vperm.xlane v35, v16;
	(xrf1) =	vsort.ascd.msk.f32 $0xffff, v38, v39;
	v37 =	vsel vm1, v58, v37  }
0xb6: {  	v34 =	vperm.xlane v51, v16;
	(xrf1) =	vsort.ascd.msk.f32 $0xffff, v33, v31;
	v36 =	vsel vm1, v59, v36  }
0xb7: {  	vm0 =	vle.f32 v27, v30;
	v60 =	vperm.xlane v44, v16;
	v61 =	vperm.xlane v54, v16;
	v31, v33, _ =	vpop (xrf1)  }
0xb8: {  	v51 =	vperm.xlane v55, v16;
	v41 =	vperm.xlane v56, v16;
	v63, v62, _ =	vpop (xrf1);
	(xrf1) =	vsort.ascd.msk.f32 $0xffff, v36, v37  }
0xb9: {  	v43 =	vperm.xlane v57, v16;
	vm1 =	vle.f32 v31, v19;
	v42 =	vperm.xlane v63, v16;
	v36, v37, _ =	vpop (xrf1)  }
0xba: {  	v19 =	vsel vm1, v31, v19;
	v20 =	vsel vm1, v33, v20;
	vm2 =	vle.f32 v36, v34;
	v31, v48, _ =	vpop (xrf1)  }
0xbb: {  	v44 =	vperm.xlane v62, v16;
	v50 =	vsel vm2, v36, v34;
	vm1 =	vle.f32 v31, v35  }
0xbc: {  	v34, v36, _ =	vpop (xrf1);
	v37 =	vsel vm2, v37, v40;
	(xrf1) =	vsort.ascd.msk.f32 $0xffff, v19, v20;
	v31 =	vsel vm1, v31, v35  }
0xbd: {  	v53, v52, _ =	vpop (xrf1);
	v38 =	vsel vm1, v48, v60;
	(xrf1) =	vsort.ascd.msk.f32 $0xffff, v50, v37;
	v56 =	vperm.xlane v34, v16  }
0xbe: {  	v36 =	vperm.xlane v36, v16;
	v55, v54, _ =	vpop (xrf1);
	vm1 =	vle.f32 v53, v61;
	(xrf1) =	vsort.ascd.msk.f32 $0xffff, v31, v38  }
0xbf: {  	vm2 =	vle.f32 v55, v41;
	v19, v20, _ =	vpop (xrf1);
	v31 =	vsel vm1, v53, v61;
	v57 =	vsel vm1, v52, v51  }
0xc0: {  	vm3 =	vle.f32 v19, v42;
	v59, v58, _ =	vpop (xrf1);
	v60 =	vsel vm2, v55, v41;
	v61 =	vsel vm2, v54, v43  }
0xc1: {  	(xrf1) =	vsort.ascd.msk.f32 $0xffff, v31, v57;
	v19 =	vsel vm3, v19, v42;
	v62, v63, _ =	vpop (xrf1);
	vm1 =	vle.f32 v59, v56  }
0xc2: {  	v20 =	vsel vm3, v20, v44;
	(xrf1) =	vsort.ascd.msk.f32 $0xffff, v60, v61;
	v31 =	vsel vm1, v59, v56;
	v45, v44, _ =	vpop (xrf1)  }
0xc3: {  	v46 =	vsel vm1, v58, v36;
	(xrf1) =	vsort.ascd.msk.f32 $0xffff, v19, v20;
	v33 =	vperm.xlane v45, v16;
	v36, v37, _ =	vpop (xrf1)  }
0xc4: {  	v19 =	vsel vm0, v27, v30;
	v20 =	vperm.xlane v44, v16;
	(xrf1) =	vsort.ascd.msk.f32 $0xffff, v31, v46;
	v27, v30, _ =	vpop (xrf1)  }
0xc5: {  	v31 =	vperm.xlane v36, v16;
	(xrf1) =	vsort.ascd.msk.f32 $0xffff, v32, v29;
	vm1 =	vle.f32 v27, v33  }
0xc6: {  	v29 =	vperm.xlane v37, v16;
	v27 =	vsel vm1, v27, v33;
	v20 =	vsel vm1, v30, v20;
	v30, v47, _ =	vpop (xrf1)  }
0xc7: {  	v26 =	vsel vm0, v26, v28;
	vm0 =	vle.f32 v30, v31;
	(xrf1) =	vsort.ascd.msk.f32 $0xffff, v27, v20  }
0xc8: {  	v20 =	vsel vm0, v30, v31;
	v27 =	vsel vm0, v47, v29;
	(xrf1) =	vsort.ascd.msk.f32 $0xffff, v19, v26  }
0xc9: {  	(xrf1) =	vsort.ascd.msk.f32 $0xffff, v20, v27;
	v20 =	vld [tilespmem:$0x1FEC0];
	_ =	sdelay $0x3  }
0xca: {  	s22 =	simm.s32 $0x200;
	s23 =	simm.s32 $0x400;
	v19 =	vperm.xlane v21, v16;
	v26, v42, _ =	vpop (xrf1)  }
0xcb: {  	s24 =	sand.u32 $0x1800, s23;
	s9 =	sand.u32 $0x300, s22;
	v21 =	vperm.xlane v62, v16;
	v38, v36, _ =	vpop (xrf1);
	v20 =	vperm.xlane v20, v16  }
0xcc: {  	s12 =	sor.u32 s9, s24;
	v28 =	vperm.xlane v63, v16;
	vm0 =	vle.f32 v25, v19;
	v29, v30, _ =	vpop (xrf1)  }
0xcd: {  	v27 =	vld [tilespmem:s12+$0x10];
	v19 =	vsel vm0, v25, v19;
	v20 =	vsel vm0, v24, v20;
	vm0 =	vle.f32 v29, v21  }
0xce: {  	v31 =	vld [tilespmem:s12+$0x20];
	(xrf1) =	vsort.ascd.msk.f32 $0xffff, v19, v20;
	v19 =	vsel vm0, v29, v21;
	v20 =	vsel vm0, v30, v28  }
0xcf: {  	v48 =	vld [tilespmem:s12+$0x40];
	(xrf1) =	vsort.ascd.msk.f32 $0xffff, v19, v20  }
0xd0: {  	v21 =	vld [tilespmem:s12+$0x400]  }
0xd1: {  	v40, v25, _ =	vpop (xrf1);
	v19 =	vld [tilespmem:s12+$0x30]  }
0xd2: {  	v39, v37, _ =	vpop (xrf1);
	v20 =	vld [tilespmem:s12+$0x50];
	(xrf1) =	vsort.ascd.msk.f32 $0xffff, v27, v1  }
0xd3: {  	v49 =	vld [tilespmem:s12+$0x410];
	v35, v32, _ =	vpop (xrf1);
	(xrf1) =	vsort.ascd.msk.f32 $0xffff, v31, v2  }
0xd4: {  	v50 =	vld [tilespmem:s12+$0x70];
	v28, v24, _ =	vpop (xrf1);
	(xrf1) =	vsort.ascd.msk.f32 $0xffff, v48, v4  }
0xd5: {  	v51 =	vld [tilespmem:s12+$0x430];
	v30, v27, _ =	vpop (xrf1);
	(xrf1) =	vsort.ascd.msk.f32 $0xffff, v21, v8  }
0xd6: {  	(xrf1) =	vsort.ascd.msk.f32 $0xffff, v19, v3;
	v19, v21, _ =	vpop (xrf1)  }
0xd7: {  	v52 =	vld [tilespmem:s12+$0x450];
	(xrf1) =	vsort.ascd.msk.f32 $0xffff, v20, v5;
	v19 =	vperm.xlane v19, v16;
	v31, v29, _ =	vpop (xrf1)  }
0xd8: {  	v20 =	vld [tilespmem:s12+$0x60];
	v21 =	vperm.xlane v21, v16;
	(xrf1) =	vsort.ascd.msk.f32 $0xffff, v49, v9;
	v54, v53, _ =	vpop (xrf1)  }
0xd9: {  	v55 =	vld [tilespmem:s12+$0x470];
	(xrf1) =	vsort.ascd.msk.f32 $0xffff, v50, v7;
	vm0 =	vle.f32 v54, v19  }
0xda: {  	s25 =	simm.s32 $0x280;
	v56 =	vld [tilespmem:s12+$0x420];
	(xrf1) =	vsort.ascd.msk.f32 $0xffff, v51, v11;
	v19 =	vsel vm0, v54, v19;
	v21 =	vsel vm0, v53, v21  }
0xdb: {  	s9 =	sand.u32 $0x380, s25;
	(xrf1) =	vsort.ascd.msk.f32 $0xffff, v19, v21;
	v19 =	vld [tilespmem:s12+$0x440]  }
0xdc: {  	s13 =	sor.u32 s24, s9;
	v57 =	vld [tilespmem:s12+$0x460];
	(xrf1) =	vsort.ascd.msk.f32 $0xffff, v52, v13;
	v34, v33, _ =	vpop (xrf1)  }
0xdd: {  	v58 =	vld [tilespmem:s13+$0x470];
	(xrf1) =	vsort.ascd.msk.f32 $0xffff, v20, v6;
	v21, v20, _ =	vpop (xrf1)  }
0xde: {  	v59 =	vld [tilespmem:s13+$0x70];
	(xrf1) =	vsort.ascd.msk.f32 $0xffff, v55, v15;
	[tilespmem:$0x1FED0] =	vst v21  }
0xdf: {  	(xrf1) =	vsort.ascd.msk.f32 $0xffff, v56, v10;
	[tilespmem:$0x1FEE0] =	vst v20  }
0xe0: {  	v61, v47, _ =	vpop (xrf1);
	(xrf1) =	vsort.ascd.msk.f32 $0xffff, v19, v12;
	v60 =	vld [tilespmem:s13+$0x430]  }
0xe1: {  	v62 =	vld [tilespmem:s13+$0x450];
	v19, v49, _ =	vpop (xrf1);
	(xrf1) =	vsort.ascd.msk.f32 $0xffff, v57, v14  }
0xe2: {  	v50 =	vld [tilespmem:s13+$0x460];
	v43, v51, _ =	vpop (xrf1)  }
0xe3: {  	v53 =	vld [tilespmem:s12+$0x0];
	(xrf1) =	vsort.ascd.msk.f32 $0xffff, v58, v15;
	v44, v52, _ =	vpop (xrf1)  }
0xe4: {  	(xrf1) =	vsort.ascd.msk.f32 $0xffff, v59, v7;
	v45, v63, _ =	vpop (xrf1)  }
0xe5: {  	v55 =	vperm.xlane v26, v16;
	(xrf1) =	vsort.ascd.msk.f32 $0xffff, v60, v11;
	v26, v60, _ =	vpop (xrf1)  }
0xe6: {  	v41 =	vperm.xlane v61, v16;
	(xrf1) =	vsort.ascd.msk.f32 $0xffff, v62, v13;
	v62, v61, _ =	vpop (xrf1)  }
0xe7: {  	v45 =	vperm.xlane v45, v16;
	(xrf1) =	vsort.ascd.msk.f32 $0xffff, v50, v14;
	v50 =	vperm.xlane v63, v16;
	v54, v63, _ =	vpop (xrf1)  }
0xe8: {  	v46 =	vperm.xlane v60, v16;
	v58, v60, _ =	vpop (xrf1);
	(xrf1) =	vsort.ascd.msk.f32 $0xffff, v53, v0;
	v53 =	vperm.xlane v26, v16  }
0xe9: {  	v56 =	vperm.xlane v61, v16;
	_, v26, _ =	vpop (xrf1)  }
0xea: {  	vm0 =	vle.f32 v19, v45;
	v54 =	vperm.xlane v54, v16;
	v59 =	vperm.xlane v60, v16;
	v60, v61, _ =	vpop (xrf1)  }
0xeb: {  	v48 =	vperm.xlane v62, v16;
	v57 =	vperm.xlane v63, v16;
	v49 =	vsel vm0, v49, v50;
	v62, v63, _ =	vpop (xrf1)  }
0xec: {  	v19 =	vsel vm0, v19, v45;
	v58 =	vperm.xlane v58, v16;
	vm1 =	vle.f32 v43, v53;
	v45, v20, _ =	vpop (xrf1)  }
0xed: {  	v61 =	vperm.xlane v61, v16;
	v43 =	vsel vm1, v43, v53;
	vm0 =	vle.f32 v62, v54;
	v50, v53, _ =	vpop (xrf1)  }
0xee: {  	v46 =	vsel vm1, v51, v46;
	v45 =	vperm.xlane v45, v16;
	v51 =	vsel vm0, v62, v54;
	v54, v62, _ =	vpop (xrf1)  }
0xef: {  	v60 =	vperm.xlane v60, v16;
	v20 =	vperm.xlane v20, v16;
	(xrf1) =	vsort.ascd.msk.f32 $0xffff, v19, v49;
	v19, v49, _ =	vpop (xrf1)  }
0xf0: {  	vm1 =	vle.f32 v44, v48;
	v57 =	vsel vm0, v63, v57;
	vm15 =	vle.f32 v19, v45  }
0xf1: {  	vm2 =	vle.f32 v50, v58;
	(xrf1) =	vsort.ascd.msk.f32 $0xffff, v43, v46;
	v20 =	vsel vm15, v49, v20  }
0xf2: {  	vm3 =	vle.f32 v54, v60;
	v43, v46, _ =	vpop (xrf1);
	(xrf1) =	vsort.ascd.msk.f32 $0xffff, v51, v57;
	v19 =	vsel vm15, v19, v45  }
0xf3: {  	v63 =	vld [tilespmem:s13+$0x30];
	v50 =	vsel vm2, v50, v58;
	v53 =	vsel vm2, v53, v59;
	v45, v49, _ =	vpop (xrf1);
	(xrf1) =	vsort.ascd.msk.f32 $0xffff, v19, v20  }
0xf4: {  	v51 =	vld [tilespmem:s13+$0x50];
	v54 =	vsel vm3, v54, v60;
	v59 =	vsel vm3, v62, v61;
	v57, v58, _ =	vpop (xrf1);
	(xrf1) =	vsort.ascd.msk.f32 $0xffff, v50, v53  }
0xf5: {  	v44 =	vsel vm1, v44, v48;
	v48 =	vsel vm1, v52, v56;
	(xrf1) =	vsort.ascd.msk.f32 $0xffff, v54, v59;
	v19, v20, _ =	vpop (xrf1)  }
0xf6: {  	v50 =	vld [tilespmem:s13+$0x60];
	(xrf1) =	vsort.ascd.msk.f32 $0xffff, v44, v48;
	v53, v60, _ =	vpop (xrf1)  }
0xf7: {  	v42 =	vperm.xlane v42, v16;
	v47 =	vperm.xlane v47, v16;
	v54 =	vld [tilespmem:s13+$0x410];
	v61, v62, _ =	vpop (xrf1)  }
0xf8: {  	v52 =	vperm.xlane v38, v16;
	v44 =	vld [tilespmem:s13+$0x420];
	(xrf1) =	vsort.ascd.msk.f32 $0xffff, v63, v3;
	vm0 =	vle.f32 v61, v41  }
0xf9: {  	v48 =	vld [tilespmem:s13+$0x440];
	(xrf1) =	vsort.ascd.msk.f32 $0xffff, v51, v5;
	v41 =	vsel vm0, v61, v41;
	v47 =	vsel vm0, v62, v47  }
0xfa: {  	v38 =	vperm.xlane v36, v16;
	v36 =	vperm.xlane v40, v16;
	v61 =	vld [tilespmem:s13+$0x10];
	(xrf1) =	vsort.ascd.msk.f32 $0xffff, v41, v47  }
0xfb: {  	vm1 =	vle.f32 v39, v55;
	v43 =	vperm.xlane v43, v16;
	v62 =	vld [tilespmem:s13+$0x20];
	(xrf1) =	vsort.ascd.msk.f32 $0xffff, v50, v6  }
0xfc: {  	v39 =	vsel vm1, v39, v55;
	v37 =	vsel vm1, v37, v42;
	v63 =	vld [tilespmem:s13+$0x40];
	(xrf1) =	vsort.ascd.msk.f32 $0xffff, v54, v9  }
0xfd: {  	v46 =	vperm.xlane v46, v16;
	vm1 =	vle.f32 v53, v43;
	v47 =	vld [tilespmem:s13+$0x400];
	(xrf1) =	vsort.ascd.msk.f32 $0xffff, v44, v10  }
0xfe: {  	v43 =	vsel vm1, v53, v43;
	v50 =	vperm.xlane v57, v16;
	v59, v57, _ =	vpop (xrf1);
	v44 =	vld [tilespmem:s13+$0x0];
	(xrf1) =	vsort.ascd.msk.f32 $0xffff, v48, v12  }
0xff: {  	v40 =	vsel vm1, v60, v46;
	v46 =	vperm.xlane v49, v16;
	v49, v53, _ =	vpop (xrf1);
	(xrf1) =	vsort.ascd.msk.f32 $0xffff, v61, v1  }
0x100: {  	v23 =	vperm.xlane v23, v16;
	(xrf1) =	vsort.ascd.msk.f32 $0xffff, v62, v2;
	v62, v61, _ =	vpop (xrf1)  }
0x101: {  	v41 =	vperm.xlane v58, v16;
	(xrf1) =	vsort.ascd.msk.f32 $0xffff, v63, v4;
	v48 =	vperm.xlane v61, v16;
	v60, v63, _ =	vpop (xrf1)  }
0x102: {  	(xrf1) =	vsort.ascd.msk.f32 $0xffff, v47, v8;
	v47 =	vperm.xlane v62, v16;
	v54 =	vperm.xlane v60, v16;
	v62, v61, _ =	vpop (xrf1)  }
0x103: {  	v55 =	vperm.xlane v63, v16;
	(xrf1) =	vsort.ascd.msk.f32 $0xffff, v44, v0;
	v44 =	vperm.xlane v62, v16;
	v63, v58, _ =	vpop (xrf1)  }
0x104: {  	v42 =	vperm.xlane v59, v16;
	v60 =	vperm.xlane v61, v16;
	(xrf1) =	vsort.ascd.msk.f32 $0xffff, v43, v40;
	v61, v62, _ =	vpop (xrf1)  }
0x105: {  	vm1 =	vle.f32 v49, v47;
	vm2 =	vle.f32 v63, v54;
	vm3 =	vle.f32 v61, v44  }
0x106: {  	v54 =	vsel vm2, v63, v54;
	v55 =	vsel vm2, v58, v55;
	v63, v58, _ =	vpop (xrf1);
	v47 =	vsel vm1, v49, v47  }
0x107: {  	v48 =	vsel vm1, v53, v48;
	(xrf1) =	vsort.ascd.msk.f32 $0xffff, v54, v55;
	v49, v53, _ =	vpop (xrf1);
	v43 =	vsel vm3, v61, v44  }
0x108: {  	v22 =	vperm.xlane v22, v16;
	v45 =	vperm.xlane v45, v16;
	v40 =	vsel vm3, v62, v60;
	v60, v59, _ =	vpop (xrf1)  }
0x109: {  	v19 =	vperm.xlane v19, v16;
	(xrf1) =	vsort.ascd.msk.f32 $0xffff, v47, v48;
	vm1 =	vle.f32 v60, v42  }
0x10a: {  	v51 =	vperm.xlane v57, v16;
	(xrf1) =	vsort.ascd.msk.f32 $0xffff, v43, v40;
	v42 =	vsel vm1, v60, v42  }
0x10b: {  	v20 =	vperm.xlane v20, v16;
	vm0 =	vle.f32 v35, v52;
	v47 =	vperm.xlane v63, v16;
	v40, v43, _ =	vpop (xrf1)  }
0x10c: {  	v49 =	vperm.xlane v49, v16;
	v53 =	vperm.xlane v53, v16;
	v61 =	vsel vm1, v59, v51;
	v62, v63, _ =	vpop (xrf1)  }
0x10d: {  	vm1 =	vle.f32 v40, v45;
	(xrf1) =	vsort.ascd.msk.f32 $0xffff, v42, v61;
	v48 =	vperm.xlane v62, v16;
	v42, v44, _ =	vpop (xrf1)  }
0x10e: {  	v40 =	vsel vm1, v40, v45;
	v43 =	vsel vm1, v43, v46;
	vm2 =	vle.f32 v42, v50;
	v59, v57, _ =	vpop (xrf1)  }
0x10f: {  	v51 =	vperm.xlane v63, v16;
	v42 =	vsel vm2, v42, v50;
	vm1 =	vle.f32 v59, v19;
	v60, v50, _ =	vpop (xrf1)  }
0x110: {  	v41 =	vsel vm2, v44, v41;
	v44 =	vperm.xlane v58, v16;
	v19 =	vsel vm1, v59, v19;
	v62, v61, _ =	vpop (xrf1)  }
0x111: {  	v20 =	vsel vm1, v57, v20;
	v60 =	vperm.xlane v60, v16;
	v63, v56, _ =	vpop (xrf1);
	(xrf1) =	vsort.ascd.msk.f32 $0xffff, v40, v43  }
0x112: {  	vm1 =	vle.f32 v62, v47;
	vm2 =	vle.f32 v63, v49;
	v40, v43, _ =	vpop (xrf1);
	(xrf1) =	vsort.ascd.msk.f32 $0xffff, v42, v41  }
0x113: {  	(xrf1) =	vsort.ascd.msk.f32 $0xffff, v19, v20;
	v19 =	vsel vm1, v62, v47;
	v20 =	vsel vm1, v61, v44;
	v61, v62, _ =	vpop (xrf1)  }
0x114: {  	vm3 =	vle.f32 v40, v48;
	v63 =	vsel vm2, v63, v49;
	v53 =	vsel vm2, v56, v53;
	v54, v55, _ =	vpop (xrf1)  }
0x115: {  	v56 =	vperm.xlane v50, v16;
	v40 =	vsel vm3, v40, v48;
	vm1 =	vle.f32 v61, v60;
	v41, v42, _ =	vpop (xrf1)  }
0x116: {  	(xrf1) =	vsort.ascd.msk.f32 $0xffff, v19, v20;
	v19 =	vsel vm3, v43, v51;
	v41 =	vperm.xlane v41, v16  }
0x117: {  	v20 =	vsel vm1, v61, v60;
	(xrf1) =	vsort.ascd.msk.f32 $0xffff, v63, v53;
	v57 =	vsel vm1, v62, v56;
	v59, v58, _ =	vpop (xrf1)  }
0x118: {  	(xrf1) =	vsort.ascd.msk.f32 $0xffff, v40, v19;
	v19 =	vsel vm0, v35, v52;
	v60 =	vperm.xlane v42, v16;
	v61, v62, _ =	vpop (xrf1)  }
0x119: {  	(xrf1) =	vsort.ascd.msk.f32 $0xffff, v20, v57;
	v20 =	vperm.xlane v59, v16;
	vm1 =	vle.f32 v61, v41  }
0x11a: {  	(xrf1) =	vsort.ascd.msk.f32 $0xffff, v39, v37;
	v45 =	vsel vm1, v61, v41;
	v35 =	vsel vm1, v62, v60  }
0x11b: {  	v32 =	vsel vm0, v32, v38;
	v63 =	vperm.xlane v58, v16;
	(xrf1) =	vsort.ascd.msk.f32 $0xffff, v45, v35;
	v40, v41, _ =	vpop (xrf1)  }
0x11c: {  	v25 =	vperm.xlane v25, v16;
	(xrf1) =	vsort.ascd.msk.f32 $0xffff, v19, v32;
	vm0 =	vle.f32 v40, v20  }
0x11d: {  	v20 =	vsel vm0, v40, v20;
	v37 =	vsel vm0, v41, v63;
	vm0 =	vle.f32 v28, v36  }
0x11e: {  	s26 =	simm.s32 $0x300;
	s14 =	simm.s32 $0x600;
	v46 =	vmov s2;
	v50 =	vperm.xlane v30, v16;
	(xrf1) =	vsort.ascd.msk.f32 $0xffff, v20, v37;
	v24 =	vsel vm0, v24, v25  }
0x11f: {  	s14 =	sand.u32 $0x1800, s14;
	s9 =	sand.u32 $0x300, s26;
	v52 =	vperm.xlane v55, v16;
	vm1 =	vle.f32 v31, v23;
	v20 =	vsel vm0, v28, v36  }
0x120: {  	s9 =	sor.u32 s9, s14;
	v23 =	vsel vm1, v31, v23;
	v22 =	vsel vm1, v29, v22;
	v25 =	vperm.xlane v27, v16;
	v30, v28, _ =	vpop (xrf1)  }
0x121: {  	v49 =	vshll.u32 v46, $0x7;
	v51 =	vld [tilespmem:s9+$0x10];
	vm0 =	vle.f32 v34, v50;
	v27 =	vperm.xlane v54, v16;
	(xrf1) =	vsort.ascd.msk.f32 $0xffff, v20, v24;
	v31, v29, _ =	vpop (xrf1)  }
0x122: {  	v53 =	vld [tilespmem:s9+$0x20];
	v19 =	vshll.u32 v46, $0x8;
	v32 =	vsel vm0, v34, v50;
	v25 =	vsel vm0, v33, v25;
	(xrf1) =	vsort.ascd.msk.f32 $0xffff, v23, v22;
	v20, v24, _ =	vpop (xrf1)  }
0x123: {  	v19 =	vand.u32 $0x1800, v19;
	v54 =	vshll.u32 v18, $0x3;
	v22 =	vld [tilespmem:s9+$0x40];
	(xrf1) =	vsort.ascd.msk.f32 $0xffff, v32, v25;
	vm0 =	vle.f32 v20, v27  }
0x124: {  	v23 =	vand.u32 $0xFFFFFC00, v54;
	v25 =	vld [tilespmem:s9+$0x400];
	v20 =	vsel vm0, v20, v27;
	v24 =	vsel vm0, v24, v52  }
0x125: {  	[tilespmem:s10+$0x2420] =	vst v17;
	v19 =	vadd.s32 v19, v23;
	v39, v33, _ =	vpop (xrf1);
	v27 =	vand.u32 $0x300, v49;
	(xrf1) =	vsort.ascd.msk.f32 $0xffff, v20, v24;
	v20 =	vld [tilespmem:s9+$0x30]  }
0x126: {  	[tilespmem:s10+$0x2430] =	vst v17;
	v23 =	vand.u32 $0x7F, v18;
	v43, v40, _ =	vpop (xrf1);
	v19 =	vor.u32 v27, v19;
	v24 =	vld [tilespmem:s9+$0x50];
	(xrf1) =	vsort.ascd.msk.f32 $0xffff, v51, v1  }
0x127: {  	[tilespmem:s10+$0x2440] =	vst v17;
	v42, v37, _ =	vpop (xrf1);
	v19 =	vor.u32 v23, v19;
	v23 =	vld [tilespmem:s9+$0x410];
	(xrf1) =	vsort.ascd.msk.f32 $0xffff, v53, v2  }
0x128: {  	[tilespmem:s10+$0x2450] =	vst v17;
	v27 =	vld [tilespmem:s9+$0x70];
	v38, v35, _ =	vpop (xrf1);
	(xrf1) =	vsort.ascd.msk.f32 $0xffff, v22, v4  }
0x129: {  	[tilespmem:s10+$0x2460] =	vst v17;
	v34, v32, _ =	vpop (xrf1);
	v22 =	vld [tilespmem:s9+$0x430];
	(xrf1) =	vsort.ascd.msk.f32 $0xffff, v25, v8  }
0x12a: {  	[tilespmem:s10+$0x2470] =	vst v17;
	(xrf1) =	vsort.ascd.msk.f32 $0xffff, v20, v3;
	v20, v25, _ =	vpop (xrf1)  }
0x12b: {  	[tilespmem:s11+$0x2000] =	vst v17;
	v55 =	vld [tilespmem:s9+$0x450];
	v18 =	vimm.f32 $1.000000000e+00;
	(xrf1) =	vsort.ascd.msk.f32 $0xffff, v24, v5;
	v20 =	vperm.xlane v20, v16;
	v41, v36, _ =	vpop (xrf1)  }
0x12c: {  	[tilespmem:v19+s7+$0x0] =	vst.idx.msk $0xff, v18;
	v19 =	vld [tilespmem:s9+$0x60];
	(xrf1) =	vsort.ascd.msk.f32 $0xffff, v23, v9;
	v23 =	vperm.xlane v25, v16;
	v24, v25, _ =	vpop (xrf1)  }
0x12d: {  	[tilespmem:s11+$0x2010] =	vst v17;
	(xrf1) =	vsort.ascd.msk.f32 $0xffff, v27, v7;
	vm0 =	vle.f32 v24, v20  }
0x12e: {  	s28 =	simm.s32 $0x380;
	[tilespmem:s11+$0x2020] =	vst v17;
	v56 =	vld [tilespmem:s9+$0x470];
	(xrf1) =	vsort.ascd.msk.f32 $0xffff, v22, v11;
	v20 =	vsel vm0, v24, v20;
	v22 =	vsel vm0, v25, v23  }
0x12f: {  	s15 =	sand.u32 $0x380, s28;
	[tilespmem:s11+$0x2030] =	vst v17;
	v57 =	vld [tilespmem:s9+$0x420];
	v45, v44, _ =	vpop (xrf1);
	(xrf1) =	vsort.ascd.msk.f32 $0xffff, v20, v22  }
0x130: {  	s14 =	sor.u32 s14, s15;
	[tilespmem:s11+$0x2040] =	vst v17;
	v58 =	vld [tilespmem:s9+$0x440];
	v27, v25, _ =	vpop (xrf1);
	(xrf1) =	vsort.ascd.msk.f32 $0xffff, v55, v13  }
0x131: {  	[tilespmem:s11+$0x2050] =	vst v17;
	v50 =	vld [tilespmem:s14+$0x470];
	(xrf1) =	vsort.ascd.msk.f32 $0xffff, v19, v6;
	v23, v19, _ =	vpop (xrf1)  }
0x132: {  	s10 =	simm.s32 $0x2;
	v20 =	vld [tilespmem:s9+$0x460];
	[tilespmem:$0x1FF00] =	vst v19  }
0x133: {  	v59 =	vmov s10;
	[tilespmem:s11+$0x2060] =	vst v17;
	v24, v19, _ =	vpop (xrf1)  }
0x134: {  	v47 =	vshll.u32 v59, $0x7;
	v61 =	vshll.u32 v26, $0x3;
	(xrf1) =	vsort.ascd.msk.f32 $0xffff, v56, v15;
	v60 =	vld [tilespmem:s14+$0x70];
	[tilespmem:$0x1FEF0] =	vst v19  }
0x135: {  	v48 =	vand.u32 $0xFFFFFC00, v61;
	v46 =	vshll.u32 v59, $0x8;
	(xrf1) =	vsort.ascd.msk.f32 $0xffff, v57, v10;
	[tilespmem:s11+$0x2070] =	vst v17;
	v62 =	vld [tilespmem:s14+$0x430]  }
0x136: {  	v26 =	vand.u32 $0x7F, v26;
	v46 =	vand.u32 $0x1800, v46;
	v53, v54, _ =	vpop (xrf1);
	(xrf1) =	vsort.ascd.msk.f32 $0xffff, v58, v12;
	[tilespmem:s11+$0x2400] =	vst v17;
	v63 =	vld [tilespmem:s14+$0x450]  }
0x137: {  	v46 =	vadd.s32 v46, v48;
	v55, v56, _ =	vpop (xrf1);
	(xrf1) =	vsort.ascd.msk.f32 $0xffff, v20, v14;
	v20 =	vand.u32 $0x300, v47;
	[tilespmem:s11+$0x2410] =	vst v17;
	v47 =	vld [tilespmem:s14+$0x460]  }
0x138: {  	[tilespmem:s11+$0x2420] =	vst v17;
	v48, v57, _ =	vpop (xrf1);
	v20 =	vor.u32 v20, v46;
	(xrf1) =	vsort.ascd.msk.f32 $0xffff, v50, v15  }
0x139: {  	[tilespmem:s11+$0x2430] =	vst v17;
	v58, v59, _ =	vpop (xrf1);
	v20 =	vor.u32 v26, v20;
	(xrf1) =	vsort.ascd.msk.f32 $0xffff, v60, v7  }
0x13a: {  	[tilespmem:s11+$0x2440] =	vst v17;
	v46 =	vld [tilespmem:s9+$0x0];
	v26, v50, _ =	vpop (xrf1);
	(xrf1) =	vsort.ascd.msk.f32 $0xffff, v62, v11  }
0x13b: {  	[tilespmem:s11+$0x2450] =	vst v17;
	v51, v52, _ =	vpop (xrf1);
	(xrf1) =	vsort.ascd.msk.f32 $0xffff, v63, v13  }
0x13c: {  	[tilespmem:s11+$0x2460] =	vst v17;
	v49, v60, _ =	vpop (xrf1);
	(xrf1) =	vsort.ascd.msk.f32 $0xffff, v47, v14;
	v14 =	vperm.xlane v26, v16  }
0x13d: {  	[tilespmem:s11+$0x2470] =	vst v17;
	v47, v61, _ =	vpop (xrf1)  }
0x13e: {  	[tilespmem:v20+s7+$0x0] =	vst.idx.msk $0xff, v18;
	v20 =	vperm.xlane v50, v16;
	v63, v19, _ =	vpop (xrf1);
	vm0 =	vle.f32 v55, v14  }
0x13f: {  	(xrf1) =	vsort.ascd.msk.f32 $0xffff, v46, v0;
	v46 =	vperm.xlane v51, v16;
	_, v26, _ =	vpop (xrf1);
	v55 =	vsel vm0, v55, v14  }
0x140: {  	v13 =	vperm.xlane v52, v16;
	v61 =	vperm.xlane v61, v16;
	v51, v52, _ =	vpop (xrf1);
	v20 =	vsel vm0, v56, v20  }
0x141: {  	v47 =	vperm.xlane v47, v16;
	vm0 =	vle.f32 v48, v46;
	v14, v62, _ =	vpop (xrf1)  }
0x142: {  	[tilespmem:s13+$0x2000] =	vst v17;
	v46 =	vsel vm0, v48, v46;
	v13 =	vsel vm0, v57, v13;
	v50, v57, _ =	vpop (xrf1)  }
0x143: {  	[tilespmem:s13+$0x2010] =	vst v17;
	(xrf1) =	vsort.ascd.msk.f32 $0xffff, v55, v20;
	vm0 =	vle.f32 v14, v47;
	v20, v55, _ =	vpop (xrf1)  }
0x144: {  	[tilespmem:s13+$0x2020] =	vst v17;
	v50 =	vperm.xlane v50, v16;
	v47 =	vsel vm0, v14, v47;
	v14 =	vsel vm0, v62, v61;
	v61, v62, _ =	vpop (xrf1)  }
0x145: {  	v30 =	vperm.xlane v30, v16;
	v31 =	vperm.xlane v31, v16;
	[tilespmem:s13+$0x2030] =	vst v17;
	(xrf1) =	vsort.ascd.msk.f32 $0xffff, v46, v13;
	v46, v48, _ =	vpop (xrf1)  }
0x146: {  	[tilespmem:s13+$0x2040] =	vst v17;
	v49 =	vperm.xlane v49, v16;
	v63 =	vperm.xlane v63, v16;
	vm0 =	vle.f32 v46, v50  }
0x147: {  	[tilespmem:s13+$0x2050] =	vst v17;
	v51 =	vperm.xlane v51, v16;
	v57 =	vperm.xlane v57, v16;
	v46 =	vsel vm0, v46, v50  }
0x148: {  	[tilespmem:s13+$0x2060] =	vst v17;
	v60 =	vperm.xlane v60, v16;
	v19 =	vperm.xlane v19, v16;
	vm1 =	vle.f32 v20, v63  }
0x149: {  	[tilespmem:s13+$0x2070] =	vst v17;
	v21, v22, _ =	vpop (xrf1);
	v57 =	vsel vm0, v48, v57;
	v48 =	vperm.xlane v52, v16;
	vm0 =	vle.f32 v61, v51  }
0x14a: {  	[tilespmem:s13+$0x2400] =	vst v17;
	v13 =	vld [tilespmem:s14+$0x30];
	(xrf1) =	vsort.ascd.msk.f32 $0xffff, v47, v14;
	v55 =	vsel vm1, v55, v19;
	v50, v56, _ =	vpop (xrf1);
	v51 =	vsel vm0, v61, v51  }
0x14b: {  	[tilespmem:s13+$0x2410] =	vst v17;
	v14 =	vld [tilespmem:s14+$0x50];
	v20 =	vsel vm1, v20, v63;
	(xrf1) =	vsort.ascd.msk.f32 $0xffff, v46, v57;
	v48 =	vsel vm0, v62, v48;
	v52, v46, _ =	vpop (xrf1)  }
0x14c: {  	v53 =	vperm.xlane v53, v16;
	[tilespmem:s13+$0x2420] =	vst v17;
	vm0 =	vle.f32 v58, v49;
	(xrf1) =	vsort.ascd.msk.f32 $0xffff, v20, v55;
	v19, v47, _ =	vpop (xrf1)  }
0x14d: {  	[tilespmem:s13+$0x2430] =	vst v17;
	v20 =	vsel vm0, v58, v49;
	v62 =	vsel vm0, v59, v60;
	(xrf1) =	vsort.ascd.msk.f32 $0xffff, v51, v48;
	v55, v61, _ =	vpop (xrf1)  }
0x14e: {  	v33 =	vperm.xlane v33, v16;
	v57 =	vld [tilespmem:$0x1FED0];
	[tilespmem:s13+$0x2440] =	vst v17;
	(xrf1) =	vsort.ascd.msk.f32 $0xffff, v20, v62;
	v20 =	vperm.xlane v54, v16;
	v48, v51, _ =	vpop (xrf1)  }
0x14f: {  	vm1 =	vle.f32 v42, v31;
	[tilespmem:s13+$0x2450] =	vst v17;
	(xrf1) =	vsort.ascd.msk.f32 $0xffff, v13, v3;
	vm0 =	vle.f32 v48, v53  }
0x150: {  	v60 =	vld [tilespmem:$0x1FEE0];
	(xrf1) =	vsort.ascd.msk.f32 $0xffff, v14, v5;
	v48 =	vsel vm0, v48, v53;
	v20 =	vsel vm0, v51, v20  }
0x151: {  	v63 =	vperm.xlane v39, v16;
	v42 =	vsel vm1, v42, v31;
	(xrf1) =	vsort.ascd.msk.f32 $0xffff, v48, v20;
	v48 =	vld [tilespmem:s14+$0x60]  }
0x152: {  	vm0 =	vle.f32 v43, v30;
	v20 =	vperm.xlane v28, v16;
	v28 =	vperm.xlane v29, v16;
	v29 =	vld [tilespmem:s14+$0x410]  }
0x153: {  	v21 =	vperm.xlane v21, v16;
	v58 =	vperm.xlane v57, v16;
	v39 =	vsel vm0, v43, v30;
	v30 =	vld [tilespmem:s14+$0x420]  }
0x154: {  	v14 =	vperm.xlane v34, v16;
	v51 =	vld [tilespmem:s14+$0x440];
	v40 =	vsel vm0, v40, v20;
	vm0 =	vle.f32 v38, v63  }
0x155: {  	v59 =	vld [tilespmem:s14+$0x10];
	v62 =	vperm.xlane v60, v16;
	v31 =	vsel vm1, v37, v28;
	v20 =	vsel vm0, v38, v63  }
0x156: {  	v63 =	vld [tilespmem:s14+$0x20];
	v28 =	vsel vm0, v35, v33;
	vm0 =	vle.f32 v41, v58;
	(xrf1) =	vsort.ascd.msk.f32 $0xffff, v48, v6  }
0x157: {  	v13 =	vld [tilespmem:s14+$0x40];
	v57 =	vperm.xlane v32, v16;
	v32 =	vsel vm0, v36, v62;
	(xrf1) =	vsort.ascd.msk.f32 $0xffff, v29, v9  }
0x158: {  	v54 =	vld [tilespmem:s14+$0x400];
	v29 =	vsel vm0, v41, v58;
	vm0 =	vle.f32 v45, v14;
	(xrf1) =	vsort.ascd.msk.f32 $0xffff, v30, v10  }
0x159: {  	v22 =	vperm.xlane v22, v16;
	v58 =	vld [tilespmem:s14+$0x0];
	v30 =	vsel vm0, v45, v14;
	(xrf1) =	vsort.ascd.msk.f32 $0xffff, v51, v12  }
0x15a: {  	v43, v48, _ =	vpop (xrf1);
	v33 =	vsel vm0, v44, v57;
	vm0 =	vle.f32 v55, v21;
	(xrf1) =	vsort.ascd.msk.f32 $0xffff, v59, v1  }
0x15b: {  	[tilespmem:s13+$0x2460] =	vst v17;
	v41, v44, _ =	vpop (xrf1);
	v22 =	vsel vm0, v61, v22;
	(xrf1) =	vsort.ascd.msk.f32 $0xffff, v63, v2  }
0x15c: {  	[tilespmem:s13+$0x2470] =	vst v17;
	v21 =	vsel vm0, v55, v21;
	v63, v62, _ =	vpop (xrf1);
	(xrf1) =	vsort.ascd.msk.f32 $0xffff, v13, v4  }
0x15d: {  	s11 =	simm.s32 $0x4;
	[tilespmem:s14+$0x2000] =	vst v17;
	v10 =	vshll.u32 v26, $0x3;
	v13, v12, _ =	vpop (xrf1);
	(xrf1) =	vsort.ascd.msk.f32 $0xffff, v54, v8  }
0x15e: {  	v38 =	vand.u32 $0xFFFFFC00, v10;
	v59 =	vmov s11;
	v34 =	vperm.xlane v13, v16;
	v57, v14, _ =	vpop (xrf1);
	(xrf1) =	vsort.ascd.msk.f32 $0xffff, v58, v0  }
0x15f: {  	v60 =	vshll.u32 v59, $0x8;
	v37 =	vshll.u32 v59, $0x7;
	v59 =	vperm.xlane v12, v16;
	(xrf1) =	vsort.ascd.msk.f32 $0xffff, v21, v22;
	v21, v22, _ =	vpop (xrf1)  }
0x160: {  	[tilespmem:s14+$0x2010] =	vst v17;
	v6 =	vand.u32 $0x1800, v60;
	v58 =	vperm.xlane v63, v16;
	vm0 =	vle.f32 v21, v34  }
0x161: {  	[tilespmem:s14+$0x2020] =	vst v17;
	v37 =	vand.u32 $0x300, v37;
	v60 =	vperm.xlane v62, v16;
	v22 =	vsel vm0, v22, v59  }
0x162: {  	[tilespmem:s14+$0x2030] =	vst v17;
	v35 =	vadd.s32 v6, v38;
	vm1 =	vle.f32 v41, v58;
	v21 =	vsel vm0, v21, v34  }
0x163: {  	[tilespmem:s14+$0x2040] =	vst v17;
	v35 =	vor.u32 v37, v35;
	v37 =	vsel vm1, v44, v60  }
0x164: {  	[tilespmem:s14+$0x2050] =	vst v17;
	v62 =	vsel vm1, v41, v58;
	v38, v41, _ =	vpop (xrf1)  }
0x165: {  	[tilespmem:s14+$0x2060] =	vst v17;
	v36 =	vperm.xlane v57, v16;
	(xrf1) =	vsort.ascd.msk.f32 $0xffff, v21, v22;
	v21, v22, _ =	vpop (xrf1)  }
0x166: {  	[tilespmem:s14+$0x2070] =	vst v17;
	v43 =	vperm.xlane v43, v16;
	v61 =	vperm.xlane v14, v16;
	v6, v0, _ =	vpop (xrf1)  }
0x167: {  	[tilespmem:s14+$0x2400] =	vst v17;
	v48 =	vperm.xlane v48, v16;
	vm0 =	vle.f32 v38, v36;
	(xrf1) =	vsort.ascd.msk.f32 $0xffff, v62, v37;
	v34, v37, _ =	vpop (xrf1)  }
0x168: {  	[tilespmem:s14+$0x2410] =	vst v17;
	v36 =	vsel vm0, v38, v36;
	v63 =	vsel vm0, v41, v61;
	vm0 =	vle.f32 v34, v43  }
0x169: {  	[tilespmem:s14+$0x2420] =	vst v17;
	v37 =	vsel vm0, v37, v48  }
0x16a: {  	[tilespmem:s14+$0x2430] =	vst v17;
	v34 =	vsel vm0, v34, v43  }
0x16b: {  	[tilespmem:s14+$0x2440] =	vst v17;
	v10 =	vperm.xlane v50, v16;
	(xrf1) =	vsort.ascd.msk.f32 $0xffff, v36, v63;
	v36, v38, _ =	vpop (xrf1)  }
0x16c: {  	[tilespmem:s14+$0x2450] =	vst v17;
	v12 =	vperm.xlane v52, v16;
	v13 =	vperm.xlane v56, v16;
	v14, v52, _ =	vpop (xrf1)  }
0x16d: {  	[tilespmem:s14+$0x2460] =	vst v17;
	v46 =	vperm.xlane v46, v16;
	vm0 =	vle.f32 v36, v10;
	(xrf1) =	vsort.ascd.msk.f32 $0xffff, v34, v37;
	v34, v37, _ =	vpop (xrf1)  }
0x16e: {  	[tilespmem:s14+$0x2470] =	vst v17;
	v36 =	vsel vm0, v36, v10;
	v38 =	vsel vm0, v38, v13;
	vm0 =	vle.f32 v34, v12  }
0x16f: {  	[tilespmem:s12+$0x2000] =	vst v17;
	v37 =	vsel vm0, v37, v46  }
0x170: {  	[tilespmem:s12+$0x2010] =	vst v17;
	v19 =	vperm.xlane v19, v16;
	v34 =	vsel vm0, v34, v12  }
0x171: {  	[tilespmem:s12+$0x2020] =	vst v17;
	v47 =	vperm.xlane v47, v16;
	v53, v54, _ =	vpop (xrf1)  }
0x172: {  	[tilespmem:s12+$0x2030] =	vst v17;
	v21 =	vperm.xlane v21, v16;
	(xrf1) =	vsort.ascd.msk.f32 $0xffff, v36, v38;
	vm1 =	vle.f32 v53, v19;
	v36, v38, _ =	vpop (xrf1)  }
0x173: {  	v26 =	vand.u32 $0x7F, v26;
	v22 =	vperm.xlane v22, v16;
	v19 =	vsel vm1, v53, v19;
	(xrf1) =	vsort.ascd.msk.f32 $0xffff, v34, v37;
	v34, v37, _ =	vpop (xrf1)  }
0x174: {  	[tilespmem:s12+$0x2040] =	vst v17;
	v26 =	vor.u32 v26, v35;
	vm0 =	vle.f32 v34, v21  }
0x175: {  	[tilespmem:s12+$0x2050] =	vst v17;
	v41 =	vperm.xlane v6, v16;
	v55 =	vsel vm1, v54, v47;
	v22 =	vsel vm0, v37, v22  }
0x176: {  	[tilespmem:s12+$0x2060] =	vst v17;
	v44 =	vperm.xlane v0, v16;
	(xrf1) =	vsort.ascd.msk.f32 $0xffff, v19, v55;
	v19, v45, _ =	vpop (xrf1);
	v21 =	vsel vm0, v34, v21  }
0x177: {  	[tilespmem:s12+$0x2070] =	vst v17;
	v56 =	vperm.xlane v14, v16;
	v60 =	vperm.xlane v52, v16;
	vm1 =	vle.f32 v19, v41  }
0x178: {  	[tilespmem:s12+$0x2400] =	vst v17;
	v36 =	vperm.xlane v36, v16;
	v38 =	vperm.xlane v38, v16;
	v59, v58, _ =	vpop (xrf1);
	v19 =	vsel vm1, v19, v41  }
0x179: {  	[tilespmem:s12+$0x2410] =	vst v17;
	v57 =	vsel vm1, v45, v44;
	vm0 =	vle.f32 v59, v56;
	(xrf1) =	vsort.ascd.msk.f32 $0xffff, v21, v22;
	v21, v22, _ =	vpop (xrf1)  }
0x17a: {  	[tilespmem:s12+$0x2420] =	vst v17;
	v34 =	vsel vm0, v59, v56;
	v61 =	vsel vm0, v58, v60;
	vm0 =	vle.f32 v21, v36  }
0x17b: {  	[tilespmem:s12+$0x2430] =	vst v17;
	(xrf1) =	vsort.ascd.msk.f32 $0xffff, v19, v57;
	v19 =	vsel vm0, v21, v36;
	v21 =	vsel vm0, v22, v38  }
0x17c: {  	[tilespmem:s12+$0x2440] =	vst v17  }
0x17d: {  	[tilespmem:s12+$0x2450] =	vst v17;
	v63, v62, _ =	vpop (xrf1)  }
0x17e: {  	[tilespmem:s12+$0x2460] =	vst v17;
	(xrf1) =	vsort.ascd.msk.f32 $0xffff, v34, v61;
	v22, v0, _ =	vpop (xrf1)  }
0x17f: {  	s16 =	simm.s32 $0x800;
	s15 =	simm.s32 $0x480;
	[tilespmem:s12+$0x2470] =	vst v17;
	v22 =	vperm.xlane v22, v16;
	(xrf1) =	vsort.ascd.msk.f32 $0xffff, v19, v21;
	v19, v21, _ =	vpop (xrf1)  }
0x180: {  	s17 =	sand.u32 $0x1800, s16;
	s30 =	sand.u32 $0x380, s15;
	v49 =	vld [tilespmem:$0x1FEF0];
	[tilespmem:v26+s7+$0x0] =	vst.idx.msk $0xff, v18;
	v34 =	vperm.xlane v0, v16;
	v6, v10, _ =	vpop (xrf1);
	v19 =	vperm.xlane v19, v16  }
0x181: {  	s18 =	sor.u32 s17, s30;
	(xrf1) =	vsort.ascd.msk.f32 $0xffff, v39, v40;
	v21 =	vperm.xlane v21, v16;
	vm0 =	vle.f32 v6, v22;
	v12, v13, _ =	vpop (xrf1)  }
0x182: {  	[tilespmem:s18+$0x2000] =	vst v17;
	v22 =	vsel vm0, v6, v22;
	v34 =	vsel vm0, v10, v34;
	vm0 =	vle.f32 v12, v19  }
0x183: {  	v27 =	vperm.xlane v27, v16;
	v50 =	vld [tilespmem:$0x1FF00];
	(xrf1) =	vsort.ascd.msk.f32 $0xffff, v22, v34;
	v21 =	vsel vm0, v13, v21  }
0x184: {  	v19 =	vsel vm0, v12, v19;
	(xrf1) =	vsort.ascd.msk.f32 $0xffff, v42, v31  }
0x185: {  	s29 =	simm.s32 $0x400;
	v25 =	vperm.xlane v25, v16;
	vm0 =	vle.f32 v23, v27;
	(xrf1) =	vsort.ascd.msk.f32 $0xffff, v19, v21  }
0x186: {  	s13 =	sand.u32 $0x300, s29;
	v21, v22, _ =	vpop (xrf1);
	(xrf1) =	vsort.ascd.msk.f32 $0xffff, v20, v28;
	v20 =	vsel vm0, v23, v27;
	v27 =	vperm.xlane v62, v16  }
0x187: {  	s14 =	sor.u32 s13, s17;
	[tilespmem:s18+$0x2010] =	vst v17;
	v14 =	vperm.xlane v24, v16;
	v23 =	vperm.xlane v63, v16;
	v24, v26, _ =	vpop (xrf1)  }
0x188: {  	[tilespmem:s18+$0x2020] =	vst v17;
	v25 =	vsel vm0, v50, v25;
	v28 =	vld [tilespmem:s14+$0x10];
	(xrf1) =	vsort.ascd.msk.f32 $0xffff, v29, v32;
	v29, v31, _ =	vpop (xrf1)  }
0x189: {  	v51 =	vld [tilespmem:s14+$0x20];
	[tilespmem:s18+$0x2030] =	vst v17;
	(xrf1) =	vsort.ascd.msk.f32 $0xffff, v30, v33;
	vm0 =	vle.f32 v29, v23  }
0x18a: {  	[tilespmem:s18+$0x2040] =	vst v17;
	v30 =	vld [tilespmem:s14+$0x40];
	(xrf1) =	vsort.ascd.msk.f32 $0xffff, v20, v25;
	v20 =	vsel vm0, v29, v23;
	v23 =	vsel vm0, v31, v27  }
0x18b: {  	v49 =	vperm.xlane v49, v16;
	[tilespmem:s18+$0x2050] =	vst v17;
	v29 =	vld [tilespmem:s14+$0x400];
	v25, v27, _ =	vpop (xrf1)  }
0x18c: {  	[tilespmem:s18+$0x2060] =	vst v17;
	v21 =	vperm.xlane v21, v16;
	v22 =	vperm.xlane v22, v16;
	(xrf1) =	vsort.ascd.msk.f32 $0xffff, v20, v23  }
0x18d: {  	[tilespmem:s18+$0x2070] =	vst v17;
	v24 =	vperm.xlane v24, v16;
	v20 =	vld [tilespmem:s14+$0x30];
	v52 =	vperm.xlane v25, v16;
	(xrf1) =	vsort.ascd.msk.f32 $0xffff, v28, v1;
	v23, v25, _ =	vpop (xrf1)  }
0x18e: {  	[tilespmem:s18+$0x2400] =	vst v17;
	v54 =	vld [tilespmem:s14+$0x50];
	v26 =	vperm.xlane v26, v16;
	(xrf1) =	vsort.ascd.msk.f32 $0xffff, v51, v2;
	vm0 =	vle.f32 v23, v21  }
0x18f: {  	[tilespmem:s18+$0x2410] =	vst v17;
	v56 =	vld [tilespmem:s14+$0x410];
	v53 =	vperm.xlane v27, v16;
	v28, v55, _ =	vpop (xrf1);
	(xrf1) =	vsort.ascd.msk.f32 $0xffff, v30, v4;
	v23 =	vsel vm0, v23, v21  }
0x190: {  	[tilespmem:s18+$0x2420] =	vst v17;
	v57 =	vld [tilespmem:s14+$0x70];
	vm1 =	vle.f32 v28, v24;
	v21, v58, _ =	vpop (xrf1);
	v25 =	vsel vm0, v25, v22;
	(xrf1) =	vsort.ascd.msk.f32 $0xffff, v29, v8  }
0x191: {  	[tilespmem:s18+$0x2430] =	vst v17;
	v59 =	vld [tilespmem:s14+$0x430];
	v22 =	vsel vm1, v28, v24;
	v60, v30, _ =	vpop (xrf1);
	vm0 =	vle.f32 v21, v52;
	v24 =	vsel vm1, v55, v26  }
0x192: {  	[tilespmem:s18+$0x2440] =	vst v17;
	v43 =	vld [tilespmem:s14+$0x420];
	(xrf1) =	vsort.ascd.msk.f32 $0xffff, v20, v3;
	v50 =	vsel vm0, v21, v52;
	v51 =	vsel vm0, v58, v53;
	v26, v29, _ =	vpop (xrf1)  }
0x193: {  	s31 =	simm.s32 $0x1;
	[tilespmem:s18+$0x2450] =	vst v17;
	v37 =	vld [tilespmem:s14+$0x470];
	(xrf1) =	vsort.ascd.msk.f32 $0xffff, v54, v5;
	v32 =	vperm.xlane v60, v16;
	v61 =	vperm.xlane v26, v16;
	v26, v33, _ =	vpop (xrf1)  }
0x194: {  	v36 =	vld [tilespmem:s14+$0x60];
	v31 =	vmov s31;
	(xrf1) =	vsort.ascd.msk.f32 $0xffff, v56, v9;
	v62 =	vperm.xlane v29, v16;
	v29, v63, _ =	vpop (xrf1);
	vm0 =	vle.f32 v26, v14  }
0x195: {  	v42 =	vld [tilespmem:s18+$0x470];
	v27 =	vshll.u32 v31, $0x7;
	(xrf1) =	vsort.ascd.msk.f32 $0xffff, v57, v7;
	vm1 =	vle.f32 v29, v61;
	v26 =	vsel vm0, v26, v14;
	v35, v34, _ =	vpop (xrf1)  }
0x196: {  	s12 =	simm.s32 $0x8;
	s13 =	simm.s32 $0x6;
	s17 =	simm.s32 $0xA;
	v28 =	vshll.u32 v31, $0x8;
	v31 =	vld [tilespmem:s14+$0x450];
	(xrf1) =	vsort.ascd.msk.f32 $0xffff, v59, v11;
	v29 =	vsel vm1, v29, v61;
	v40 =	vsel vm1, v63, v62;
	v39, v38, _ =	vpop (xrf1)  }
.LBB2_2:
0x197: {  	v41 =	vld [tilespmem:s14+$0x440]  }
0x198: {  	v44 =	vld [tilespmem:s14+$0x460]  }
0x199: {  	v56 =	vld [tilespmem:$0x1FFD0]  }
0x19a: {  	v46 =	vld [tilespmem:s18+$0x70];
	v55, v54, _ =	vpop (xrf1)  }
0x19b: {  	v14 =	vld [tilespmem:$0x1FF60];
	_, v45, _ =	vpop (xrf1)  }
0x19c: {  	v2 =	vld [tilespmem:$0x1FFF0];
	v19 =	vshll.u32 v45, $0x3  }
0x19d: {  	(xrf1) =	vsort.ascd.msk.f32 $0xffff, v29, v40;
	v60 =	vand.u32 $0xFFFFFC00, v19;
	v19 =	vld [tilespmem:$0x1FFA0]  }
0x19e: {  	v20 =	vld [tilespmem:$0x1FFC0]  }
0x19f: {  	v3 =	vperm.xlane v30, v16;
	v0 =	vsel vm0, v33, v49;
	v5 =	vld [tilespmem:$0x1FFE0];
	[tilespmem:s9+$0x2000] =	vst v17;
	(xrf1) =	vsort.ascd.msk.f32 $0xffff, v31, v56  }
0x1a0: {  	v39 =	vperm.xlane v39, v16;
	v47 =	vld [tilespmem:s18+$0x430];
	v59 =	vperm.xlane v38, v16;
	[tilespmem:s9+$0x2010] =	vst v17;
	(xrf1) =	vsort.ascd.msk.f32 $0xffff, v36, v14  }
0x1a1: {  	v4 =	vand.u32 $0x1800, v28;
	v27 =	vand.u32 $0x380, v27;
	v15 =	vld [tilespmem:$0x1FF70];
	[tilespmem:s9+$0x2020] =	vst v17;
	v29, v58, _ =	vpop (xrf1);
	(xrf1) =	vsort.ascd.msk.f32 $0xffff, v37, v2  }
0x1a2: {  	v30 =	vmov v50;
	v9 =	vmov s13;
	v8 =	vld [tilespmem:s14+$0x0];
	[tilespmem:s9+$0x2030] =	vst v17;
	v63, v36, _ =	vpop (xrf1);
	(xrf1) =	vsort.ascd.msk.f32 $0xffff, v43, v19  }
0x1a3: {  	v21 =	vld [tilespmem:$0x1FFB0];
	v13 =	vlaneseq.u32;
	vm0 =	vle.f32 v35, v32;
	[tilespmem:s9+$0x2040] =	vst v17;
	(xrf1) =	vsort.ascd.msk.f32 $0xffff, v41, v20;
	v41, v49, _ =	vpop (xrf1)  }
0x1a4: {  	v48 =	vld [tilespmem:s18+$0x450];
	v10 =	vshll.u32 v9, $0x7;
	v1 =	vsel vm0, v35, v32;
	v57 =	vsel vm0, v34, v3;
	(xrf1) =	vsort.ascd.msk.f32 $0xffff, v44, v5;
	v44, v50, _ =	vpop (xrf1)  }
0x1a5: {  	v62 =	vld [tilespmem:s18+$0x460];
	vm0 =	vle.f32 v55, v39;
	v31 =	vmov v26;
	v26 =	vmov v51;
	(xrf1) =	vsort.ascd.msk.f32 $0xffff, v42, v2;
	v42, v51, _ =	vpop (xrf1)  }
0x1a6: {  	[tilespmem:s9+$0x2050] =	vst v17;
	v61 =	vand.u32 $0x7F, v45;
	v33 =	vsel vm0, v55, v39;
	v35 =	vadd.s32 v4, v60;
	v7, v6, _ =	vpop (xrf1)  }
0x1a7: {  	[tilespmem:s9+$0x2060] =	vst v17;
	v34 =	vsel vm0, v54, v59;
	v27 =	vor.u32 v27, v35;
	(xrf1) =	vsort.ascd.msk.f32 $0xffff, v46, v15;
	v52, v53, _ =	vpop (xrf1)  }
0x1a8: {  	v32 =	vmov v22;
	v22 =	vperm.xlane v58, v16;
	v27 =	vor.u32 v61, v27;
	(xrf1) =	vsort.ascd.msk.f32 $0xffff, v47, v21;
	v54, v55, _ =	vpop (xrf1)  }
0x1a9: {  	[tilespmem:$0x1FEB0] =	vst v57;
	v45 =	vperm.xlane v63, v16;
	v46 =	vperm.xlane v7, v16;
	(xrf1) =	vsort.ascd.msk.f32 $0xffff, v48, v56;
	v57, v58, _ =	vpop (xrf1)  }
0x1aa: {  	v43 =	vand.u32 $0x300, v10;
	v56 =	vperm.xlane v6, v16;
	v53 =	vperm.xlane v53, v16;
	(xrf1) =	vsort.ascd.msk.f32 $0xffff, v62, v5;
	v60, v61, _ =	vpop (xrf1)  }
0x1ab: {  	v48 =	vshll.u32 v9, $0x8;
	v52 =	vperm.xlane v52, v16;
	v55 =	vperm.xlane v55, v16;
	_, v63, _ =	vpop (xrf1);
	(xrf1) =	vsort.ascd.msk.f32 $0xffff, v8, v13  }
0x1ac: {  	[tilespmem:s9+$0x2070] =	vst v17;
	v54 =	vperm.xlane v54, v16;
	v48 =	vand.u32 $0x1800, v48;
	vm2 =	vle.f32 v41, v46  }
0x1ad: {  	[tilespmem:s9+$0x2400] =	vst v17;
	v58 =	vperm.xlane v58, v16;
	v57 =	vperm.xlane v57, v16;
	vm3 =	vle.f32 v44, v52  }
0x1ae: {  	[tilespmem:s9+$0x2410] =	vst v17;
	v41 =	vsel vm2, v41, v46;
	v56 =	vsel vm2, v49, v56;
	v11, v18, _ =	vpop (xrf1);
	v12 =	vshll.u32 v63, $0x3  }
0x1af: {  	[tilespmem:$0x1FEA0] =	vst v1;
	v61 =	vperm.xlane v61, v16;
	v60 =	vperm.xlane v60, v16;
	v3, v4, _ =	vpop (xrf1);
	v1 =	vand.u32 $0xFFFFFC00, v12  }
0x1b0: {  	[tilespmem:s9+$0x2420] =	vst v17;
	vm0 =	vle.f32 v42, v54;
	v44 =	vsel vm3, v44, v52;
	v6, v7, _ =	vpop (xrf1);
	v1 =	vadd.s32 v48, v1  }
0x1b1: {  	[tilespmem:s9+$0x2430] =	vst v17;
	v47 =	vperm.xlane v11, v16;
	v11 =	vand.u32 $0x7F, v63;
	v1 =	vor.u32 v43, v1;
	v48, v8, _ =	vpop (xrf1)  }
0x1b2: {  	[tilespmem:s9+$0x2440] =	vst v17;
	v53 =	vsel vm3, v50, v53;
	v18 =	vperm.xlane v18, v16;
	v1 =	vor.u32 v11, v1;
	v43, v9, _ =	vpop (xrf1)  }
0x1b3: {  	[tilespmem:s9+$0x2450] =	vst v17;
	vm4 =	vle.f32 v3, v57;
	v7 =	vperm.xlane v7, v16;
	v6 =	vperm.xlane v6, v16;
	v63, v10, _ =	vpop (xrf1)  }
0x1b4: {  	[tilespmem:s9+$0x2460] =	vst v17;
	v57 =	vsel vm4, v3, v57;
	vm5 =	vle.f32 v48, v60;
	vm1 =	vle.f32 v43, v47;
	v11, v12, _ =	vpop (xrf1)  }
0x1b5: {  	[tilespmem:s9+$0x2470] =	vst v17;
	v8 =	vsel vm5, v8, v61;
	vm6 =	vle.f32 v63, v6;
	v49, v52, _ =	vpop (xrf1);
	(xrf1) =	vsort.ascd.msk.f32 $0xffff, v41, v56  }
0x1b6: {  	v56 =	vsel vm4, v4, v58;
	v58 =	vsel vm6, v10, v7;
	v41, v46, _ =	vpop (xrf1);
	(xrf1) =	vsort.ascd.msk.f32 $0xffff, v44, v53;
	v53 =	vimm.f32 $1.000000000e+00  }
0x1b7: {  	v28 =	vld [tilespmem:s18+$0x30];
	v44, v50, _ =	vpop (xrf1);
	[tilespmem:v1+s7+$0x0] =	vst.idx.msk $0xff, v53;
	v1 =	vsel vm6, v63, v6;
	(xrf1) =	vsort.ascd.msk.f32 $0xffff, v57, v56  }
0x1b8: {  	v38 =	vld [tilespmem:s18+$0x410];
	v43 =	vsel vm1, v43, v47;
	v63 =	vsel vm5, v48, v60;
	v3, v4, _ =	vpop (xrf1);
	(xrf1) =	vsort.ascd.msk.f32 $0xffff, v1, v58  }
0x1b9: {  	v37 =	vld [tilespmem:s18+$0x50];
	v47 =	vsel vm1, v9, v18;
	v48 =	vsel vm0, v42, v54;
	(xrf1) =	vsort.ascd.msk.f32 $0xffff, v63, v8;
	v58, v57, _ =	vpop (xrf1)  }
0x1ba: {  	v54 =	vsel vm0, v51, v55;
	(xrf1) =	vsort.ascd.msk.f32 $0xffff, v43, v47;
	v43 =	vld [tilespmem:$0x1FF30];
	vm0 =	vle.f32 v58, v45  }
0x1bb: {  	v61 =	vsel vm0, v58, v45;
	v45 =	vld [tilespmem:$0x1FF50]  }
0x1bc: {  	v40 =	vld [tilespmem:s18+$0x440]  }
0x1bd: {  	v35 =	vld [tilespmem:s18+$0x60]  }
0x1be: {  	v55 =	vperm.xlane v36, v16;
	v8 =	vperm.xlane v44, v16;
	v44 =	vld [tilespmem:$0x1FF90];
	(xrf1) =	vsort.ascd.msk.f32 $0xffff, v48, v54  }
0x1bf: {  	v39 =	vld [tilespmem:s18+$0x420];
	(xrf1) =	vsort.ascd.msk.f32 $0xffff, v28, v43  }
0x1c0: {  	[tilespmem:$0x1FE90] =	vst v0;
	v0 =	vld [tilespmem:s18+$0x40];
	v1 =	vsel vm0, v57, v55;
	(xrf1) =	vsort.ascd.msk.f32 $0xffff, v37, v45  }
0x1c1: {  	v59 =	vld [tilespmem:s18+$0x10];
	(xrf1) =	vsort.ascd.msk.f32 $0xffff, v61, v1  }
0x1c2: {  	v2 =	vld [tilespmem:s18+$0x400];
	(xrf1) =	vsort.ascd.msk.f32 $0xffff, v35, v14  }
0x1c3: {  	v62 =	vld [tilespmem:s18+$0x20];
	(xrf1) =	vsort.ascd.msk.f32 $0xffff, v38, v44  }
0x1c4: {  	(xrf1) =	vsort.ascd.msk.f32 $0xffff, v39, v19;
	v39 =	vld [tilespmem:$0x1FF10]  }
0x1c5: {  	(xrf1) =	vsort.ascd.msk.f32 $0xffff, v40, v20;
	v40 =	vld [tilespmem:$0x1FF20]  }
0x1c6: {  	v1 =	vperm.xlane v41, v16;
	v41 =	vld [tilespmem:$0x1FF40]  }
0x1c7: {  	[tilespmem:s18+$0x2460] =	vst v17;
	v56 =	vperm.xlane v11, v16;
	v60 =	vperm.xlane v12, v16;
	v14 =	vld [tilespmem:$0x1FF80]  }
0x1c8: {  	[tilespmem:s18+$0x2470] =	vst v17;
	v6 =	vperm.xlane v52, v16;
	v7 =	vperm.xlane v46, v16;
	v63, v35, _ =	vpop (xrf1)  }
0x1c9: {  	v5 =	vld [tilespmem:s18+$0x0];
	[tilespmem:v27+s7+$0x0] =	vst.idx.msk $0xff, v53;
	vm0 =	vle.f32 v3, v56;
	v18, v27, _ =	vpop (xrf1);
	(xrf1) =	vsort.ascd.msk.f32 $0xffff, v59, v39  }
0x1ca: {  	v10 =	vperm.xlane v50, v16;
	v3 =	vsel vm0, v3, v56;
	v28, v46, _ =	vpop (xrf1);
	(xrf1) =	vsort.ascd.msk.f32 $0xffff, v62, v40  }
0x1cb: {  	v12 =	vperm.xlane v35, v16;
	v47 =	vperm.xlane v46, v16;
	v50, v48, _ =	vpop (xrf1);
	(xrf1) =	vsort.ascd.msk.f32 $0xffff, v0, v41  }
0x1cc: {  	v51 =	vperm.xlane v28, v16;
	v28 =	vperm.xlane v50, v16;
	v53, v52, _ =	vpop (xrf1);
	(xrf1) =	vsort.ascd.msk.f32 $0xffff, v2, v14  }
0x1cd: {  	v4 =	vsel vm0, v4, v60;
	v55 =	vperm.xlane v48, v16;
	v54 =	vperm.xlane v53, v16;
	v57, v56, _ =	vpop (xrf1)  }
0x1ce: {  	vm0 =	vle.f32 v18, v51;
	vm1 =	vle.f32 v57, v28;
	(xrf1) =	vsort.ascd.msk.f32 $0xffff, v5, v13  }
0x1cf: {  	v58 =	vperm.xlane v52, v16;
	v11 =	vsel vm0, v27, v47;
	v59, v60, _ =	vpop (xrf1);
	v61 =	vsel vm1, v57, v28  }
0x1d0: {  	v35 =	vsel vm1, v56, v55;
	v0 =	vperm.xlane v63, v16;
	v62, v63, _ =	vpop (xrf1);
	(xrf1) =	vsort.ascd.msk.f32 $0xffff, v3, v4  }
0x1d1: {  	vm2 =	vle.f32 v59, v54;
	v2 =	vsel vm0, v18, v51;
	v18, v27, _ =	vpop (xrf1);
	(xrf1) =	vsort.ascd.msk.f32 $0xffff, v61, v35  }
0x1d2: {  	v19 =	vsel vm2, v59, v54;
	v35 =	vsel vm2, v60, v58;
	v37, v28, _ =	vpop (xrf1);
	(xrf1) =	vsort.ascd.msk.f32 $0xffff, v2, v11  }
0x1d3: {  	v9 =	vperm.xlane v49, v16;
	vm0 =	vle.f32 v37, v0;
	v47, v46, _ =	vpop (xrf1);
	(xrf1) =	vsort.ascd.msk.f32 $0xffff, v19, v35  }
0x1d4: {  	v42 =	vperm.xlane v62, v16;
	v19 =	vsel vm0, v37, v0;
	v48 =	vsel vm0, v28, v12;
	v50, v51, _ =	vpop (xrf1)  }
0x1d5: {  	v18 =	vperm.xlane v18, v16;
	vm0 =	vle.f32 v47, v9;
	(xrf1) =	vsort.ascd.msk.f32 $0xffff, v19, v48;
	v0, v5, _ =	vpop (xrf1)  }
0x1d6: {  	v3 =	vsel vm0, v47, v9;
	v4 =	vsel vm0, v46, v6;
	vm0 =	vle.f32 v0, v1;
	v53, v52, _ =	vpop (xrf1)  }
0x1d7: {  	v0 =	vsel vm0, v0, v1;
	v54 =	vsel vm0, v5, v7;
	vm0 =	vle.f32 v53, v8;
	v5, v7, _ =	vpop (xrf1)  }
0x1d8: {  	v27 =	vperm.xlane v27, v16;
	v28 =	vperm.xlane v63, v16;
	v55 =	vsel vm0, v52, v10;
	v9, v10, _ =	vpop (xrf1)  }
0x1d9: {  	v11 =	vperm.xlane v50, v16;
	v12 =	vperm.xlane v51, v16;
	v56, v57, _ =	vpop (xrf1);
	(xrf1) =	vsort.ascd.msk.f32 $0xffff, v3, v4  }
0x1da: {  	v6 =	vsel vm0, v53, v8;
	v58 =	vperm.xlane v5, v16;
	v3, v4, _ =	vpop (xrf1);
	(xrf1) =	vsort.ascd.msk.f32 $0xffff, v0, v54  }
0x1db: {  	v7 =	vperm.xlane v7, v16;
	vm0 =	vle.f32 v9, v42;
	vm1 =	vle.f32 v56, v18  }
0x1dc: {  	v2 =	vsel vm0, v9, v42;
	v61 =	vsel vm0, v10, v28;
	v59, v60, _ =	vpop (xrf1);
	(xrf1) =	vsort.ascd.msk.f32 $0xffff, v6, v55  }
0x1dd: {  	vm2 =	vle.f32 v3, v11;
	v62 =	vsel vm1, v56, v18;
	v18 =	vsel vm1, v57, v27  }
0x1de: {  	v63, v35, _ =	vpop (xrf1);
	v3 =	vsel vm2, v3, v11;
	vm0 =	vle.f32 v59, v58;
	(xrf1) =	vsort.ascd.msk.f32 $0xffff, v2, v61  }
0x1df: {  	v4 =	vsel vm2, v4, v12;
	v0 =	vsel vm0, v59, v58;
	v38, v37, _ =	vpop (xrf1);
	(xrf1) =	vsort.ascd.msk.f32 $0xffff, v62, v18  }
0x1e0: {  	v5 =	vsel vm0, v60, v7;
	v2 =	vperm.xlane v38, v16;
	v46, v42, _ =	vpop (xrf1);
	(xrf1) =	vsort.ascd.msk.f32 $0xffff, v3, v4  }
0x1e1: {  	v47 =	vperm.xlane v37, v16;
	v51, v50, _ =	vpop (xrf1);
	(xrf1) =	vsort.ascd.msk.f32 $0xffff, v0, v5  }
0x1e2: {  	v52 =	vperm.xlane v46, v16;
	v53 =	vperm.xlane v42, v16;
	vm0 =	vle.f32 v51, v2  }
0x1e3: {  	s15 =	sadd.s32 $0x100, s15;
	s16 =	sadd.s32 $0x200, s16;
	v60 =	vld [tilespmem:$0x1FE90];
	(xrf1) =	vsort.ascd.msk.f32 $0xffff, v23, v25;
	v55, v54, _ =	vpop (xrf1);
	v2 =	vsel vm0, v51, v2;
	v3 =	vsel vm0, v50, v47  }
0x1e4: {  	s30 =	sand.u32 $0x380, s15;
	s19 =	sand.u32 $0x1800, s16;
	v13 =	vld [tilespmem:$0x1FEB0];
	vm0 =	vle.f32 v55, v52;
	(xrf1) =	vsort.ascd.msk.f32 $0xffff, v2, v3  }
0x1e5: {  	s18 =	sor.u32 s19, s30;
	v12 =	vld [tilespmem:$0x1FEA0];
	v6 =	vsel vm0, v55, v52;
	v56 =	vsel vm0, v54, v53;
	(xrf1) =	vsort.ascd.msk.f32 $0xffff, v32, v24  }
0x1e6: {  	s29 =	sadd.s32 $0xFFFFFF80, s15;
	[tilespmem:s18+$0x2000] =	vst v17;
	(xrf1) =	vsort.ascd.msk.f32 $0xffff, v6, v56  }
0x1e7: {  	s9 =	smov.u32 s14;
	s14 =	sand.u32 $0x300, s29;
	[tilespmem:s18+$0x2010] =	vst v17;
	v58, v57, _ =	vpop (xrf1);
	(xrf1) =	vsort.ascd.msk.f32 $0xffff, v30, v26  }
0x1e8: {  	s14 =	sor.u32 s14, s19;
	[tilespmem:s18+$0x2020] =	vst v17;
	v36 =	vperm.xlane v63, v16;
	v59, v5, _ =	vpop (xrf1);
	(xrf1) =	vsort.ascd.msk.f32 $0xffff, v31, v60  }
0x1e9: {  	v29 =	vperm.xlane v29, v16;
	v49 =	vmov v22;
	[tilespmem:s18+$0x2030] =	vst v17;
	v61 =	vld [tilespmem:s14+$0x10]  }
0x1ea: {  	[tilespmem:s18+$0x2040] =	vst v17;
	v48 =	vperm.xlane v35, v16;
	v32 =	vld [tilespmem:s14+$0x20];
	v0 =	vperm.xlane v58, v16;
	v63, v62, _ =	vpop (xrf1);
	(xrf1) =	vsort.ascd.msk.f32 $0xffff, v12, v13  }
0x1eb: {  	[tilespmem:s18+$0x2050] =	vst v17;
	v2 =	vperm.xlane v57, v16;
	vm0 =	vle.f32 v63, v36;
	(xrf1) =	vsort.ascd.msk.f32 $0xffff, v33, v34;
	v33 =	vld [tilespmem:s14+$0x40]  }
0x1ec: {  	[tilespmem:s18+$0x2060] =	vst v17;
	v3 =	vperm.xlane v59, v16;
	v34 =	vld [tilespmem:s14+$0x400];
	v1 =	vsel vm0, v63, v36;
	v4 =	vsel vm0, v62, v48;
	v36, v35, _ =	vpop (xrf1)  }
0x1ed: {  	[tilespmem:s18+$0x2070] =	vst v17;
	v38 =	vld [tilespmem:s14+$0x30];
	v5 =	vperm.xlane v5, v16;
	(xrf1) =	vsort.ascd.msk.f32 $0xffff, v1, v4;
	v8 =	vperm.xlane v36, v16;
	v42, v18, _ =	vpop (xrf1)  }
0x1ee: {  	[tilespmem:s18+$0x2400] =	vst v17;
	v26 =	vld [tilespmem:s14+$0x50];
	v11 =	vperm.xlane v35, v16;
	(xrf1) =	vsort.ascd.msk.f32 $0xffff, v61, v39;
	vm0 =	vle.f32 v42, v0;
	v46, v20, _ =	vpop (xrf1)  }
0x1ef: {  	s31 =	sadd.s32 $0x1, s10;
	[tilespmem:s18+$0x2410] =	vst v17;
	v47 =	vld [tilespmem:s14+$0x410];
	(xrf1) =	vsort.ascd.msk.f32 $0xffff, v32, v40;
	v23 =	vsel vm0, v42, v0;
	vm1 =	vle.f32 v46, v3  }
0x1f0: {  	v37 =	vmov s31;
	v55 =	vld [tilespmem:s14+$0x70];
	v54, v53, _ =	vpop (xrf1);
	v25 =	vsel vm0, v18, v2;
	(xrf1) =	vsort.ascd.msk.f32 $0xffff, v33, v41;
	v22 =	vsel vm1, v46, v3  }
0x1f1: {  	p0 =	slt.u32 s17, $0x1E;
	v27 =	vshll.u32 v37, $0x7;
	v57 =	vld [tilespmem:s14+$0x430];
	v56, v30, _ =	vpop (xrf1);
	vm0 =	vle.f32 v54, v8;
	v24 =	vsel vm1, v20, v5;
	(xrf1) =	vsort.ascd.msk.f32 $0xffff, v34, v14  }
.Ltmp0:
0x1f2: {  	v28 =	vshll.u32 v37, $0x8;
	v37 =	vld [tilespmem:s14+$0x470];
	v50 =	vsel vm0, v54, v8;
	v51 =	vsel vm0, v53, v11;
	v59, v58, _ =	vpop (xrf1);
	(xrf1) =	vsort.ascd.msk.f32 $0xffff, v38, v43;
	(pc) =	sbr.rel @p0 .LBB2_2-.Ltmp0, $4  }
0x1f3: {  	[tilespmem:s18+$0x2420] =	vst v17;
	v31 =	vld [tilespmem:s14+$0x450];
	v32 =	vperm.xlane v56, v16;
	v0 =	vperm.xlane v59, v16;
	v60, v33, _ =	vpop (xrf1);
	(xrf1) =	vsort.ascd.msk.f32 $0xffff, v26, v45  }
0x1f4: {  	[tilespmem:s18+$0x2430] =	vst v17;
	v36 =	vld [tilespmem:s14+$0x60];
	v61 =	vperm.xlane v58, v16;
	v63, v62, _ =	vpop (xrf1);
	vm0 =	vle.f32 v60, v29;
	(xrf1) =	vsort.ascd.msk.f32 $0xffff, v47, v44  }
0x1f5: {  	s10 =	smov.u32 s11;
	s11 =	smov.u32 s13;
	[tilespmem:s18+$0x2440] =	vst v17;
	v42 =	vld [tilespmem:s18+$0x470];
	vm1 =	vle.f32 v63, v0;
	v26 =	vsel vm0, v60, v29;
	(xrf1) =	vsort.ascd.msk.f32 $0xffff, v55, v15;
	v35, v34, _ =	vpop (xrf1)  }
0x1f6: {  	s13 =	smov.u32 s12;
	s12 =	smov.u32 s17;
	s17 =	sadd.s32 $0x2, s17;
	[tilespmem:s18+$0x2450] =	vst v17;
	v43 =	vld [tilespmem:s14+$0x420];
	v29 =	vsel vm1, v63, v0;
	v40 =	vsel vm1, v62, v61;
	(xrf1) =	vsort.ascd.msk.f32 $0xffff, v57, v21;
	v39, v38, _ =	vpop (xrf1)  }
0x1f7: {  	v0 =	vld [tilespmem:s14+$0x440]  }
0x1f8: {  	v1 =	vld [tilespmem:s14+$0x460]  }
0x1f9: {  	v20 =	vld [tilespmem:$0x1FFD0];
	[tilespmem:s18+$0x2460] =	vst v17  }
0x1fa: {  	v14 =	vld [tilespmem:$0x1FF60];
	[tilespmem:s18+$0x2470] =	vst v17  }
0x1fb: {  	v10 =	vld [tilespmem:$0x1FFF0]  }
0x1fc: {  	v15 =	vld [tilespmem:$0x1FFA0]  }
0x1fd: {  	(xrf1) =	vsort.ascd.msk.f32 $0xffff, v29, v40;
	v19 =	vld [tilespmem:$0x1FFC0]  }
0x1fe: {  	v21 =	vld [tilespmem:$0x1FFE0];
	(xrf1) =	vsort.ascd.msk.f32 $0xffff, v31, v20  }
0x1ff: {  	v41, v40, _ =	vpop (xrf1);
	(xrf1) =	vsort.ascd.msk.f32 $0xffff, v36, v14  }
0x200: {  	v2 =	vld [tilespmem:s18+$0x70];
	_, v29, _ =	vpop (xrf1);
	(xrf1) =	vsort.ascd.msk.f32 $0xffff, v37, v10  }
0x201: {  	v3 =	vld [tilespmem:s18+$0x430];
	v37, v36, _ =	vpop (xrf1);
	(xrf1) =	vsort.ascd.msk.f32 $0xffff, v43, v15  }
0x202: {  	v13 =	vld [tilespmem:$0x1FF70];
	v4, v5, _ =	vpop (xrf1);
	(xrf1) =	vsort.ascd.msk.f32 $0xffff, v0, v19  }
0x203: {  	v55 =	vld [tilespmem:$0x1FFB0];
	v6, v7, _ =	vpop (xrf1);
	(xrf1) =	vsort.ascd.msk.f32 $0xffff, v1, v21  }
0x204: {  	v52 =	vld [tilespmem:s18+$0x450];
	v8, v9, _ =	vpop (xrf1)  }
0x205: {  	v53 =	vld [tilespmem:s18+$0x460];
	(xrf1) =	vsort.ascd.msk.f32 $0xffff, v42, v10;
	v10, v11, _ =	vpop (xrf1)  }
0x206: {  	v12 =	vld [tilespmem:s14+$0x0];
	v54, v18, _ =	vpop (xrf1)  }
0x207: {  	(xrf1) =	vsort.ascd.msk.f32 $0xffff, v2, v13;
	v57, v56, _ =	vpop (xrf1)  }
0x208: {  	(xrf1) =	vsort.ascd.msk.f32 $0xffff, v3, v55;
	v59, v58, _ =	vpop (xrf1)  }
0x209: {  	v18 =	vperm.xlane v18, v16;
	v2 =	vperm.xlane v54, v16;
	(xrf1) =	vsort.ascd.msk.f32 $0xffff, v52, v20;
	v61, v44, _ =	vpop (xrf1)  }
0x20a: {  	v13 =	vlaneseq.u32;
	v3 =	vperm.xlane v57, v16;
	(xrf1) =	vsort.ascd.msk.f32 $0xffff, v53, v21;
	v45, v46, _ =	vpop (xrf1)  }
0x20b: {  	v60 =	vperm.xlane v56, v16;
	vm1 =	vle.f32 v6, v2;
	(xrf1) =	vsort.ascd.msk.f32 $0xffff, v12, v13;
	_, v31, _ =	vpop (xrf1)  }
0x20c: {  	v42 =	vperm.xlane v58, v16;
	vm2 =	vle.f32 v8, v3;
	v7 =	vsel vm1, v7, v18;
	v21, v47, _ =	vpop (xrf1)  }
0x20d: {  	v43 =	vperm.xlane v61, v16;
	v2 =	vsel vm1, v6, v2;
	v3 =	vsel vm2, v8, v3;
	v52, v48, _ =	vpop (xrf1)  }
0x20e: {  	v62 =	vperm.xlane v44, v16;
	v63 =	vperm.xlane v46, v16;
	v1 =	vsel vm2, v9, v60;
	v53, v18, _ =	vpop (xrf1)  }
0x20f: {  	v45 =	vperm.xlane v45, v16;
	v47 =	vperm.xlane v47, v16;
	vm8 =	vle.f32 v52, v43;
	v54, v55, _ =	vpop (xrf1)  }
0x210: {  	v56 =	vld [tilespmem:s18+$0x30];
	v8 =	vperm.xlane v53, v16;
	(xrf1) =	vsort.ascd.msk.f32 $0xffff, v2, v7;
	v18 =	vperm.xlane v18, v16;
	v2, v7, _ =	vpop (xrf1)  }
0x211: {  	v57 =	vld [tilespmem:s18+$0x50];
	v46 =	vperm.xlane v21, v16;
	v6 =	vsel vm8, v52, v43;
	(xrf1) =	vsort.ascd.msk.f32 $0xffff, v3, v1;
	v1, v3, _ =	vpop (xrf1)  }
0x212: {  	v20 =	vld [tilespmem:$0x1FF30];
	v12 =	vsel vm8, v48, v62;
	vm9 =	vle.f32 v54, v45;
	vm4 =	vle.f32 v1, v8  }
0x213: {  	v58 =	vld [tilespmem:s18+$0x60];
	vm3 =	vle.f32 v2, v46;
	v43 =	vsel vm9, v55, v63;
	v3 =	vsel vm4, v3, v18  }
0x214: {  	v60 =	vld [tilespmem:s18+$0x410];
	(xrf1) =	vsort.ascd.msk.f32 $0xffff, v6, v12;
	v9 =	vsel vm9, v54, v45;
	v1 =	vsel vm4, v1, v8;
	v8, v48, _ =	vpop (xrf1)  }
0x215: {  	v0 =	vperm.xlane v59, v16;
	v21 =	vld [tilespmem:s18+$0x440];
	v7 =	vsel vm3, v7, v47;
	v12, v18, _ =	vpop (xrf1);
	(xrf1) =	vsort.ascd.msk.f32 $0xffff, v1, v3  }
0x216: {  	v2 =	vsel vm3, v2, v46;
	v47 =	vld [tilespmem:$0x1FF50];
	(xrf1) =	vsort.ascd.msk.f32 $0xffff, v9, v43;
	v3, v44, _ =	vpop (xrf1)  }
0x217: {  	vm10 =	vle.f32 v10, v0;
	v52 =	vld [tilespmem:s18+$0x10];
	(xrf1) =	vsort.ascd.msk.f32 $0xffff, v2, v7;
	v9, v43, _ =	vpop (xrf1)  }
0x218: {  	v4 =	vperm.xlane v4, v16;
	v0 =	vsel vm10, v10, v0;
	v59 =	vsel vm10, v11, v42;
	v53 =	vld [tilespmem:s18+$0x20];
	v7, v45, _ =	vpop (xrf1)  }
0x219: {  	v5 =	vperm.xlane v5, v16;
	v63 =	vld [tilespmem:s18+$0x420];
	(xrf1) =	vsort.ascd.msk.f32 $0xffff, v0, v59;
	v62, v61, _ =	vpop (xrf1)  }
0x21a: {  	v55 =	vld [tilespmem:$0x1FF90];
	(xrf1) =	vsort.ascd.msk.f32 $0xffff, v56, v20;
	vm11 =	vle.f32 v62, v4  }
0x21b: {  	v54 =	vld [tilespmem:s18+$0x40];
	(xrf1) =	vsort.ascd.msk.f32 $0xffff, v57, v47;
	v4 =	vsel vm11, v62, v4;
	v5 =	vsel vm11, v61, v5  }
0x21c: {  	v59 =	vld [tilespmem:$0x1FF20];
	(xrf1) =	vsort.ascd.msk.f32 $0xffff, v4, v5  }
0x21d: {  	(xrf1) =	vsort.ascd.msk.f32 $0xffff, v58, v14;
	v58 =	vld [tilespmem:$0x1FF10]  }
0x21e: {  	v56 =	vld [tilespmem:s18+$0x400]  }
0x21f: {  	v61 =	vld [tilespmem:$0x1FF40];
	(xrf1) =	vsort.ascd.msk.f32 $0xffff, v60, v55  }
0x220: {  	v62 =	vld [tilespmem:$0x1FF80];
	v6, v10, _ =	vpop (xrf1);
	(xrf1) =	vsort.ascd.msk.f32 $0xffff, v63, v15  }
0x221: {  	v8 =	vperm.xlane v8, v16;
	v57 =	vld [tilespmem:s18+$0x0];
	v1, v11, _ =	vpop (xrf1);
	(xrf1) =	vsort.ascd.msk.f32 $0xffff, v21, v19  }
0x222: {  	v4, v42, _ =	vpop (xrf1);
	(xrf1) =	vsort.ascd.msk.f32 $0xffff, v52, v58  }
0x223: {  	vm12 =	vle.f32 v7, v8;
	v60 =	vperm.xlane v48, v16;
	v2, v47, _ =	vpop (xrf1);
	(xrf1) =	vsort.ascd.msk.f32 $0xffff, v53, v59  }
0x224: {  	v7 =	vsel vm12, v7, v8;
	v2 =	vperm.xlane v2, v16;
	v20, v63, _ =	vpop (xrf1);
	(xrf1) =	vsort.ascd.msk.f32 $0xffff, v54, v61  }
0x225: {  	v21 =	vsel vm12, v45, v60;
	v55 =	vperm.xlane v47, v16;
	v53, v52, _ =	vpop (xrf1);
	(xrf1) =	vsort.ascd.msk.f32 $0xffff, v56, v62  }
0x226: {  	v4 =	vperm.xlane v4, v16;
	vm13 =	vle.f32 v53, v2;
	(xrf1) =	vsort.ascd.msk.f32 $0xffff, v57, v13  }
0x227: {  	v56 =	vperm.xlane v42, v16;
	(xrf1) =	vsort.ascd.msk.f32 $0xffff, v7, v21;
	v7 =	vsel vm13, v52, v55  }
0x228: {  	vm14 =	vle.f32 v1, v4;
	v0 =	vsel vm13, v53, v2  }
0x229: {  	v5 =	vperm.xlane v20, v16;
	v8 =	vsel vm14, v11, v56  }
0x22a: {  	v1 =	vsel vm14, v1, v4;
	v59 =	vperm.xlane v63, v16;
	v58, v57, _ =	vpop (xrf1)  }
0x22b: {  	v6 =	vperm.xlane v6, v16;
	vm15 =	vle.f32 v58, v5;
	(xrf1) =	vsort.ascd.msk.f32 $0xffff, v0, v7;
	v0, v7, _ =	vpop (xrf1)  }
0x22c: {  	v10 =	vperm.xlane v10, v16;
	v54 =	vperm.xlane v12, v16;
	v12 =	vsel vm15, v57, v59;
	v61, v60, _ =	vpop (xrf1)  }
0x22d: {  	v4 =	vsel vm15, v58, v5;
	(xrf1) =	vsort.ascd.msk.f32 $0xffff, v1, v8;
	v1, v8, _ =	vpop (xrf1)  }
0x22e: {  	vm4 =	vle.f32 v1, v6  }
0x22f: {  	v1 =	vsel vm4, v1, v6  }
0x230: {  	(xrf1) =	vsort.ascd.msk.f32 $0xffff, v4, v12;
	v4, v12, _ =	vpop (xrf1)  }
0x231: {  	v18 =	vperm.xlane v18, v16;
	v3 =	vperm.xlane v3, v16;
	v62 =	vsel vm4, v8, v10;
	v8, v10, _ =	vpop (xrf1)  }
0x232: {  	v9 =	vperm.xlane v9, v16;
	v43 =	vperm.xlane v43, v16;
	(xrf1) =	vsort.ascd.msk.f32 $0xffff, v1, v62;
	v1, v6, _ =	vpop (xrf1)  }
0x233: {  	v63 =	vperm.xlane v44, v16;
	v7 =	vperm.xlane v7, v16;
	vm6 =	vle.f32 v1, v3;
	v21, v20, _ =	vpop (xrf1)  }
0x234: {  	vm5 =	vle.f32 v4, v54;
	v1 =	vsel vm6, v1, v3;
	vm7 =	vle.f32 v21, v9  }
0x235: {  	v2 =	vsel vm5, v4, v54;
	v12 =	vsel vm5, v12, v18;
	v4 =	vsel vm7, v21, v9  }
0x236: {  	v0 =	vperm.xlane v0, v16;
	(xrf1) =	vsort.ascd.msk.f32 $0xffff, v2, v12;
	v42 =	vsel vm6, v6, v63;
	v46, v45, _ =	vpop (xrf1)  }
0x237: {  	v5 =	vperm.xlane v61, v16;
	v44 =	vsel vm7, v20, v43;
	(xrf1) =	vsort.ascd.msk.f32 $0xffff, v1, v42;
	v1, v3, _ =	vpop (xrf1)  }
0x238: {  	v11 =	vperm.xlane v60, v16;
	v8 =	vperm.xlane v8, v16;
	(xrf1) =	vsort.ascd.msk.f32 $0xffff, v4, v44;
	v4, v6, _ =	vpop (xrf1)  }
0x239: {  	v48 =	vperm.xlane v10, v16;
	vm8 =	vle.f32 v1, v0;
	vm9 =	vle.f32 v4, v5  }
0x23a: {  	v0 =	vsel vm8, v1, v0;
	v47 =	vsel vm8, v3, v7;
	v3, v7, _ =	vpop (xrf1);
	v6 =	vsel vm9, v6, v11  }
0x23b: {  	v2 =	vperm.xlane v46, v16;
	v4 =	vsel vm9, v4, v5;
	vm10 =	vle.f32 v3, v8  }
0x23c: {  	v53, v52, _ =	vpop (xrf1);
	v5 =	vsel vm10, v7, v48  }
0x23d: {  	(xrf1) =	vsort.ascd.msk.f32 $0xffff, v0, v47;
	v3 =	vsel vm10, v3, v8;
	vm11 =	vle.f32 v53, v2;
	v0, v1, _ =	vpop (xrf1)  }
0x23e: {  	v9 =	vperm.xlane v45, v16;
	v2 =	vsel vm11, v53, v2;
	(xrf1) =	vsort.ascd.msk.f32 $0xffff, v4, v6;
	v4, v6, _ =	vpop (xrf1)  }
0x23f: {  	v6 =	vperm.xlane v6, v16  }
0x240: {  	v54 =	vsel vm11, v52, v9;
	(xrf1) =	vsort.ascd.msk.f32 $0xffff, v3, v5;
	v4 =	vperm.xlane v4, v16;
	v3, v5, _ =	vpop (xrf1)  }
0x241: {  	(xrf1) =	vsort.ascd.msk.f32 $0xffff, v2, v54;
	v2, v7, _ =	vpop (xrf1)  }
0x242: {  	(xrf1) =	vsort.ascd.msk.f32 $0xffff, v23, v25;
	v3 =	vperm.xlane v3, v16;
	vm12 =	vle.f32 v2, v4  }
0x243: {  	v5 =	vperm.xlane v5, v16;
	v2 =	vsel vm12, v2, v4;
	v55 =	vsel vm12, v7, v6;
	v6, v7, _ =	vpop (xrf1)  }
0x244: {  	(xrf1) =	vsort.ascd.msk.f32 $0xffff, v2, v55;
	vm13 =	vle.f32 v6, v3  }
0x245: {  	(xrf1) =	vsort.ascd.msk.f32 $0xffff, v22, v24;
	v56 =	vsel vm13, v6, v3;
	v57 =	vsel vm13, v7, v5  }
0x246: {  	(xrf1) =	vsort.ascd.msk.f32 $0xffff, v56, v57;
	_ =	sdelay $0x3  }
0x247: {  	v2, v3, _ =	vpop (xrf1)  }
0x248: {  	v63 =	vperm.xlane v39, v16;
	v58, v59, _ =	vpop (xrf1)  }
0x249: {  	vm14 =	vle.f32 v35, v32;
	v62 =	vperm.xlane v30, v16;
	v60, v61, _ =	vpop (xrf1)  }
0x24a: {  	v32 =	vsel vm14, v35, v32;
	v35 =	vperm.xlane v38, v16;
	vm15 =	vle.f32 v41, v63;
	v9, v10, _ =	vpop (xrf1)  }
0x24b: {  	v19 =	vsel vm0, v33, v49;
	v11 =	vsel vm15, v41, v63;
	v8 =	vsel vm14, v34, v62;
	v30, v18, _ =	vpop (xrf1)  }
0x24c: {  	v0 =	vperm.xlane v0, v16;
	v1 =	vperm.xlane v1, v16;
	v25 =	vsel vm15, v40, v35;
	v33, v34, _ =	vpop (xrf1)  }
0x24d: {  	v44 =	vperm.xlane v2, v16;
	v3 =	vperm.xlane v3, v16;
	(xrf1) =	vsort.ascd.msk.f32 $0xffff, v50, v51;
	v38, v39, _ =	vpop (xrf1)  }
0x24e: {  	v47 =	vperm.xlane v58, v16;
	vm4 =	vle.f32 v60, v0;
	(xrf1) =	vsort.ascd.msk.f32 $0xffff, v26, v19;
	v19, v26, _ =	vpop (xrf1)  }
0x24f: {  	v49 =	vperm.xlane v59, v16;
	v0 =	vsel vm4, v60, v0;
	(xrf1) =	vsort.ascd.msk.f32 $0xffff, v32, v8;
	v8, v22, _ =	vpop (xrf1)  }
0x250: {  	v1 =	vsel vm4, v61, v1;
	(xrf1) =	vsort.ascd.msk.f32 $0xffff, v11, v25;
	v8 =	vperm.xlane v8, v16;
	v11, v25, _ =	vpop (xrf1)  }
0x251: {  	v50 =	vperm.xlane v9, v16;
	vm6 =	vle.f32 v30, v44;
	v41 =	vperm.xlane v22, v16;
	v42, v43, _ =	vpop (xrf1)  }
0x252: {  	v51 =	vperm.xlane v10, v16;
	v48 =	vsel vm6, v18, v3;
	vm5 =	vle.f32 v42, v8  }
0x253: {  	(xrf1) =	vsort.ascd.msk.f32 $0xffff, v0, v1;
	v45 =	vsel vm5, v42, v8;
	v46 =	vsel vm5, v43, v41  }
0x254: {  	vm7 =	vle.f32 v33, v47;
	v0 =	vsel vm6, v30, v44;
	(xrf1) =	vsort.ascd.msk.f32 $0xffff, v45, v46  }
0x255: {  	v1 =	vsel vm7, v33, v47;
	v3 =	vsel vm7, v34, v49;
	(xrf1) =	vsort.ascd.msk.f32 $0xffff, v0, v48  }
0x256: {  	vm8 =	vle.f32 v38, v50;
	(xrf1) =	vsort.ascd.msk.f32 $0xffff, v1, v3  }
0x257: {  	v52 =	vsel vm8, v39, v51;
	v0 =	vsel vm8, v38, v50  }
0x258: {  	(xrf1) =	vsort.ascd.msk.f32 $0xffff, v0, v52;
	_ =	sdelay $0x3  }
0x259: {  	v53 =	vperm.xlane v37, v16  }
0x25a: {  	v58 =	vperm.xlane v36, v16;
	v55 =	vperm.xlane v19, v16;
	v54, v2, _ =	vpop (xrf1)  }
0x25b: {  	v59 =	vperm.xlane v26, v16;
	vm9 =	vle.f32 v11, v53;
	v56, v57, _ =	vpop (xrf1)  }
0x25c: {  	v6 =	vsel vm9, v25, v58;
	vm10 =	vle.f32 v54, v55;
	v7, v8, _ =	vpop (xrf1)  }
0x25d: {  	v2 =	vsel vm10, v2, v59;
	v4 =	vperm.xlane v56, v16;
	_, v60, _ =	vpop (xrf1);
	v0 =	vsel vm9, v11, v53  }
0x25e: {  	v1 =	vsel vm10, v54, v55;
	v62, v61, _ =	vpop (xrf1)  }
0x25f: {  	v5 =	vperm.xlane v57, v16;
	vm11 =	vle.f32 v7, v4;
	(xrf1) =	vsort.ascd.msk.f32 $0xffff, v0, v6;
	_, v63, _ =	vpop (xrf1)  }
0x260: {  	v4 =	vsel vm11, v7, v4;
	v3 =	vperm.xlane v62, v16;
	v0, v6, _ =	vpop (xrf1)  }
0x261: {  	v5 =	vsel vm11, v8, v5;
	v11 =	vperm.xlane v61, v16;
	(xrf1) =	vsort.ascd.msk.f32 $0xffff, v1, v2;
	v1, v2, _ =	vpop (xrf1)  }
0x262: {  	(xrf1) =	vsort.ascd.msk.f32 $0xffff, v4, v5;
	v0 =	vperm.xlane v0, v16;
	vm12 =	vle.f32 v1, v3  }
0x263: {  	v14 =	vperm.xlane v6, v16;
	v13, v12, _ =	vpop (xrf1);
	v1 =	vsel vm12, v1, v3;
	v2 =	vsel vm12, v2, v11  }
0x264: {  	vm13 =	vle.f32 v13, v0;
	(xrf1) =	vsort.ascd.msk.f32 $0xffff, v1, v2  }
0x265: {  	v0 =	vsel vm13, v13, v0;
	v20 =	vsel vm13, v12, v14  }
0x266: {  	(xrf1) =	vsort.ascd.msk.f32 $0xffff, v0, v20  }
0x267: {  	[tilespmem:s9+$0x2000] =	vst v17  }
0x268: {  	[tilespmem:s9+$0x2010] =	vst v17  }
0x269: {  	[tilespmem:s9+$0x2020] =	vst v17  }
0x26a: {  	[tilespmem:s9+$0x2030] =	vst v17  }
0x26b: {  	[tilespmem:s9+$0x2040] =	vst v17  }
0x26c: {  	[tilespmem:s9+$0x2050] =	vst v17  }
0x26d: {  	[tilespmem:s9+$0x2060] =	vst v17;
	v24 =	vand.u32 $0x380, v27;
	v27, v6, _ =	vpop (xrf1)  }
0x26e: {  	[tilespmem:s9+$0x2070] =	vst v17;
	v23 =	vmov s13;
	v26 =	vshll.u32 v31, $0x3;
	v5 =	vperm.xlane v27, v16  }
0x26f: {  	[tilespmem:s9+$0x2400] =	vst v17;
	v22 =	vand.u32 $0x1800, v28;
	v25 =	vshll.u32 v23, $0x8;
	v4 =	vand.u32 $0xFFFFFC00, v26;
	v30, v28, _ =	vpop (xrf1)  }
0x270: {  	[tilespmem:s9+$0x2410] =	vst v17;
	v3 =	vand.u32 $0x1800, v25;
	v6 =	vperm.xlane v6, v16;
	vm14 =	vle.f32 v30, v5  }
0x271: {  	[tilespmem:s9+$0x2420] =	vst v17;
	v3 =	vadd.s32 v3, v4;
	_, v33, _ =	vpop (xrf1);
	v4 =	vsel vm14, v30, v5  }
0x272: {  	s10 =	sadd.s32 $0x1, s10;
	[tilespmem:s9+$0x2430] =	vst v17;
	v21 =	vshll.u32 v29, $0x3;
	v37 =	vand.u32 $0x7F, v29;
	v36 =	vsel vm14, v28, v6;
	v34, v35, _ =	vpop (xrf1)  }
0x273: {  	v32 =	vand.u32 $0x7F, v31;
	v39 =	vmov s10;
	(xrf1) =	vsort.ascd.msk.f32 $0xffff, v4, v36;
	v2 =	vperm.xlane v34, v16  }
0x274: {  	s29 =	sadd.s32 $0x1, s11;
	[tilespmem:s9+$0x2440] =	vst v17;
	v47 =	vmov s12;
	v40 =	vshll.u32 v39, $0x8;
	v4, v5, _ =	vpop (xrf1);
	v38 =	vperm.xlane v35, v16  }
0x275: {  	[tilespmem:s9+$0x2450] =	vst v17;
	v51 =	vmov s29;
	v42 =	vand.u32 $0x1800, v40;
	vm15 =	vle.f32 v4, v2  }
0x276: {  	[tilespmem:s9+$0x2460] =	vst v17;
	v1 =	vshll.u32 v23, $0x7;
	v2 =	vsel vm15, v4, v2;
	v5 =	vsel vm15, v5, v38  }
0x277: {  	v43 =	vimm.f32 $1.000000000e+00;
	v0 =	vand.u32 $0xFFFFFC00, v21;
	v1 =	vand.u32 $0x300, v1;
	(xrf1) =	vsort.ascd.msk.f32 $0xffff, v2, v5  }
0x278: {  	s31 =	sadd.s32 $0x1, s12;
	[tilespmem:s9+$0x2470] =	vst v17;
	v48 =	vshll.u32 v47, $0x7;
	v0 =	vadd.s32 v22, v0;
	v1 =	vor.u32 v1, v3  }
0x279: {  	s30 =	sadd.s32 $0x1, s13;
	[tilespmem:s14+$0x2000] =	vst v17;
	v59 =	vmov s31;
	v0 =	vor.u32 v24, v0;
	v1 =	vor.u32 v32, v1  }
0x27a: {  	[tilespmem:s14+$0x2010] =	vst v17;
	v55 =	vmov s30;
	v52 =	vshll.u32 v51, $0x8;
	v0 =	vor.u32 v37, v0  }
0x27b: {  	[tilespmem:s14+$0x2020] =	vst v17;
	v57 =	vshll.u32 v55, $0x8;
	v41 =	vshll.u32 v60, $0x3;
	v46 =	vand.u32 $0x7F, v60  }
0x27c: {  	[tilespmem:s14+$0x2030] =	vst v17;
	v61 =	vshll.u32 v59, $0x8;
	v4 =	vshll.u32 v39, $0x7;
	v2 =	vand.u32 $0xFFFFFC00, v41  }
0x27d: {  	[tilespmem:s14+$0x2040] =	vst v17;
	v49 =	vshll.u32 v63, $0x3;
	v45 =	vand.u32 $0x380, v4;
	v44 =	vadd.s32 v42, v2  }
0x27e: {  	v50 =	vand.u32 $0x7F, v63;
	v53 =	vshll.u32 v33, $0x3;
	[tilespmem:v1+s7+$0x0] =	vst.idx.msk $0xff, v43;
	v1 =	vor.u32 v45, v44  }
0x27f: {  	v3 =	vand.u32 $0x7F, v33;
	[tilespmem:v0+s7+$0x0] =	vst.idx.msk $0xff, v43;
	v0 =	vor.u32 v46, v1;
	v1 =	vshll.u32 v47, $0x8  }
0x280: {  	[tilespmem:s14+$0x2050] =	vst v17;
	v6 =	vand.u32 $0xFFFFFC00, v53;
	v4 =	vand.u32 $0xFFFFFC00, v49;
	v1 =	vand.u32 $0x1800, v1  }
0x281: {  	[tilespmem:s14+$0x2060] =	vst v17;
	_, v56, _ =	vpop (xrf1);
	v5 =	vshll.u32 v51, $0x7;
	v2 =	vand.u32 $0x300, v48;
	v1 =	vadd.s32 v1, v4  }
0x282: {  	[tilespmem:s14+$0x2070] =	vst v17;
	v58 =	vshll.u32 v56, $0x3;
	v1 =	vor.u32 v2, v1;
	v2 =	vand.u32 $0x1800, v52  }
0x283: {  	[tilespmem:s14+$0x2400] =	vst v17;
	v54 =	vand.u32 $0x380, v5;
	v4 =	vshll.u32 v55, $0x7;
	v2 =	vadd.s32 v2, v6  }
0x284: {  	[tilespmem:s14+$0x2410] =	vst v17;
	v4 =	vand.u32 $0x380, v4;
	v1 =	vor.u32 v50, v1;
	v2 =	vor.u32 v54, v2  }
0x285: {  	[tilespmem:s14+$0x2420] =	vst v17;
	v6 =	vand.u32 $0xFFFFFC00, v58;
	v2 =	vor.u32 v3, v2;
	v3 =	vand.u32 $0x1800, v57;
	_, v60, _ =	vpop (xrf1)  }
0x286: {  	[tilespmem:s14+$0x2430] =	vst v17;
	v3 =	vadd.s32 v3, v6;
	v6 =	vshll.u32 v59, $0x7;
	v62 =	vshll.u32 v60, $0x3  }
0x287: {  	[tilespmem:s14+$0x2440] =	vst v17;
	v3 =	vor.u32 v4, v3;
	v4 =	vand.u32 $0x1800, v61;
	v8 =	vand.u32 $0xFFFFFC00, v62  }
0x288: {  	[tilespmem:s14+$0x2450] =	vst v17;
	v5 =	vand.u32 $0x7F, v56;
	v6 =	vand.u32 $0x380, v6;
	v4 =	vadd.s32 v4, v8  }
0x289: {  	[tilespmem:s14+$0x2460] =	vst v17;
	v3 =	vor.u32 v5, v3;
	v63 =	vand.u32 $0x7F, v60;
	v4 =	vor.u32 v6, v4  }
0x28a: {  	[tilespmem:s14+$0x2470] =	vst v17;
	v4 =	vor.u32 v63, v4  }
0x28b: {  	[tilespmem:v0+s7+$0x0] =	vst.idx.msk $0xff, v43  }
0x28c: {  	[tilespmem:v1+s7+$0x0] =	vst.idx.msk $0xff, v43  }
0x28d: {  	s8 =	sadd.s32 $0x1, s8;
	[tilespmem:v2+s7+$0x0] =	vst.idx.msk $0xff, v43  }
0x28e: {  	p0 =	sne.s32 s8, s5;
	[tilespmem:v3+s7+$0x0] =	vst.idx.msk $0xff, v43  }
.Ltmp1:
0x28f: {  	[tilespmem:v4+s7+$0x0] =	vst.idx.msk $0xff, v43;
	(pc) =	sbr.rel @p0 .LBB2_1-.Ltmp1, $4  }
0x290: {  	[hbm4b:s4+s2] =	stream.linear.scatter [tilespmem:s7], [sflag:$0x1], $0x2000, $0x38;
	[tilespmem:$0x4000] =	vst v63  }
0x291: {  	_ =	swait.ge [sflag:s6], $0x2000  }
0x292: {  	[sflag:s6] =	ssyncset.done $0x0  }
0x293: {  	[sflag:s6] =	ssyncadd.s32 $0xFFFFE000  }
0x294: {  	_ =	sfence.sel $0x180000  }
0x295: {  	[bflag:$0x0] =	sbarrier.arrive $0xFFFF  }
0x296: {  	p0 =	sne.s32 s1, $0x0;
	_ =	strace $0x90000047  }
0x297: {  	s0 =	sadd.s32 @!p0 $0x100000, s0;
	[bflag:$0x2] =	sbarrier.arrive $0xFFFF  }
0x298: {  	[sflag:s0] =	ssyncadd.tile.s32 @!p0 $0x1;
	_ =	shalt  }
.Lfunc_end2:
_tile_overlayer_lowered:
.L_overlay_start_2:
0x299: {  	(tag) =	ssettag $0x2  }
0x29a: {  	s0 =	rddreg [dreg:$0x0];
	s2 =	stileid.u32  }
0x29b: {  	s1 =	rddreg [dreg:$0x1];
	p0 =	sne.s32 s2, $0x0  }
0x29c: {  	s3 =	rddreg [dreg:$0x2];
	[bflag:$0x3] =	sbarrier.arrive $0xFFFF;
	s2 =	simm.s32 @!p0 $0x1C01  }
0x29d: {  	[timem:s3], [sflag:s2] =	dma.local @!p0 [hbm:s0], s1  }
0x29e: {  	s0 =	simm.s32 @!p0 $0x1  }
0x29f: {  	_ =	swait.ge @!p0 [sflag:s0], s1  }
0x2a0: {  	s1 =	ssub.s32 @!p0 $0x0, s1;
	[sflag:s0] =	ssyncset.done @!p0 $0x0  }
0x2a1: {  	[sflag:s0] =	ssyncadd.s32 @!p0 s1  }
0x2a2: {  	[bflag:$0x3] =	sbarrier.arrive $0xFFFF  }
0x2a3: {  	_ =	shalt  }

</sc_bundles>
